<compile_context>
chip_gen: v7x
topology: tpu7x:2x2x1
jax: 0.10.2.dev20260603
libtpu: 0.0.44.dev20260713+nightly
codegen_flags: <defaults>
</compile_context>

<pallas_src>
import functools

import jax
import jax.numpy as jnp
from jax import lax
from jax.experimental import pallas as pl
from jax.experimental.pallas import tpu as pltpu
from jax.experimental.pallas import tpu_sc as plsc

H = 8
VOCAB = 100000
DIM = 64
B = 1024
T = 50
NTOK = B * T
NC = 2
NS = 16
NW = NC * NS
TPW = NTOK // NW
CK = 80
HCK = TPW // 2
NCH = HCK // CK
GP16 = HCK // 16

_mesh = plsc.VectorSubcoreMesh(core_axis_name="c", subcore_axis_name="s")


@functools.partial(
    pl.kernel,
    mesh=_mesh,
    compiler_params=pltpu.CompilerParams(use_tc_tiling_on_sc=False),
    out_type=[
        jax.ShapeDtypeStruct((H * NTOK, DIM), jnp.float32),
        jax.ShapeDtypeStruct((NTOK,), jnp.int32),
    ],
    scratch_types=[
        pltpu.VMEM((TPW,), jnp.int32),
        pltpu.VMEM((TPW,), jnp.int32),
        pltpu.VMEM((HCK, DIM), jnp.float32),
        pltpu.VMEM((HCK, DIM), jnp.float32),
        pltpu.SemaphoreType.DMA,
        pltpu.SemaphoreType.DMA,
        pltpu.SemaphoreType.DMA,
        pltpu.SemaphoreType.DMA,
    ],
)
def _emb_kernel(codecs_hbm, w_hbm, emb_hbm, mask_hbm,
                idx_v, macc_v, rows0_v, rows1_v, gsem0, gsem1, osem0, osem1):
    wid = lax.axis_index("s") * NC + lax.axis_index("c")
    tok0 = wid * TPW
    rows_bufs = (rows0_v, rows1_v)
    gsems = (gsem0, gsem1)
    osems = (osem0, osem1)

    def init_mask(g, _):
        macc_v[pl.ds(g * 16, 16)] = jnp.full((16,), 1, jnp.int32)
        return 0

    lax.fori_loop(0, TPW // 16, init_mask, 0)

    def head(h, _):
        base = h * VOCAB
        pltpu.sync_copy(codecs_hbm.at[pl.ds(h * NTOK + tok0, TPW)], idx_v)

        any_zero = [None, None]
        descs = [None, None]
        for p in (0, 1):
            h0 = p * HCK

            def bias(g, orv, h0=h0):
                off = h0 + g * 16
                v = idx_v[pl.ds(off, 16)]
                eq = jnp.where(v == 0, 1, 0).astype(jnp.int32)
                idx_v[pl.ds(off, 16)] = v + base
                macc_v[pl.ds(off, 16)] = macc_v[pl.ds(off, 16)] & eq
                return orv | eq

            orv = lax.fori_loop(0, GP16, bias, jnp.zeros((16,), jnp.int32))
            az = orv[0]
            for l in range(1, 16):
                az = az | orv[l]
            any_zero[p] = az

            @pl.when(h > 0)
            def _drain_prev(p=p):
                pltpu.make_async_copy(
                    rows_bufs[p], emb_hbm.at[pl.ds(0, HCK)], osems[p]).wait()

            descs[p] = [
                pltpu.async_copy(
                    w_hbm.at[idx_v.at[pl.ds(h0 + j * CK, CK)]],
                    rows_bufs[p].at[pl.ds(j * CK, CK)], gsems[p])
                for j in range(NCH)
            ]

        for p in (0, 1):
            rows_v = rows_bufs[p]
            h0 = p * HCK
            for d in descs[p]:
                d.wait()

            @pl.when(any_zero[p] > 0)
            def _fix(rows_v=rows_v, h0=h0, base=base):
                zeros = jnp.zeros((16,), jnp.float32)

                def fix_group(g, _):
                    v16 = idx_v[pl.ds(h0 + g * 16, 16)]
                    for l in range(16):
                        @pl.when(v16[l] == base)
                        def _z(l=l):
                            for q in range(DIM // 16):
                                rows_v[g * 16 + l, pl.ds(q * 16, 16)] = zeros
                    return 0

                lax.fori_loop(0, GP16, fix_group, 0)

            pltpu.async_copy(
                rows_v,
                emb_hbm.at[pl.ds(h * NTOK + tok0 + h0, HCK)], osems[p])
        return 0

    lax.fori_loop(0, H, head, 0)

    for p in (0, 1):
        pltpu.make_async_copy(
            rows_bufs[p], emb_hbm.at[pl.ds(0, HCK)], osems[p]).wait()

    pltpu.sync_copy(macc_v, mask_hbm.at[pl.ds(tok0, TPW)])


def kernel(codecs, W):
    codecs_t = jnp.transpose(codecs.reshape(NTOK, H)).reshape(H * NTOK)
    w_flat = W.reshape(H * VOCAB, DIM)
    emb, mask_i32 = _emb_kernel(codecs_t, w_flat)
    emb = emb.reshape(H, B, T, DIM)
    mask = mask_i32.reshape(B, T).astype(bool)
    return (emb, mask)

# --- scband reference (transcript-rebuilt; emitter-appended) ---
"""Pipeline reference for scband-audio-embedding-62895501083241 (READ-ONLY COPY).

The authoritative reference and input builder live on the scoring server;
editing this copy changes nothing except your own understanding.
"""

import jax, jax.numpy as jnp
import numpy as np

AUDIO_HEAD_NUM = 8
PADDING_IDX = 0
VOCAB = 100000
DIM = 64
B = 1024
T = 50


def setup_inputs(seed: int = 0) -> dict:
    key = jax.random.key(seed)
    k1, k2 = jax.random.split(key)
    codecs = jax.random.randint(k1, (B, T, AUDIO_HEAD_NUM), 0, VOCAB, dtype=jnp.int32)
    # Stacked per-head embedding tables: [H, vocab, dim]
    W = jax.random.normal(k2, (AUDIO_HEAD_NUM, VOCAB, DIM), dtype=jnp.float32) * 0.02
    return {"codecs": codecs, "W": W}


def reference(codecs, W):
    # audio_padding_mask starts as all-ones (interpreted as True for logical_and)
    audio_padding_mask = jnp.ones_like(codecs[..., 0], dtype=bool)
    audio_embeddings = []
    for i in range(AUDIO_HEAD_NUM):
        audio_ids = codecs[:, :, i]
        emb = jnp.take(W[i], audio_ids, axis=0)  # [B, T, DIM] gather
        padding_mask = audio_ids == PADDING_IDX
        emb = jnp.where(padding_mask[..., None], 0.0, emb)  # zero out padded positions
        audio_padding_mask = jnp.logical_and(padding_mask, audio_padding_mask)
        audio_embeddings.append(emb)
    # original returns a python list of per-head embeddings; stack for a single array output
    return (jnp.stack(audio_embeddings, axis=0), audio_padding_mask)

if __name__ == "__main__":
    import jax
    _d = setup_inputs()
    print(jax.jit(kernel)(*tuple(_d.values())))

</pallas_src>

<mosaic_0001>
#map = affine_map<(d0, d1) -> (0)>
#map1 = affine_map<(d0, d1) -> (0, 0)>
module attributes {stable_mosaic.version = 14 : i64} {
  func.func @_emb_kernel(%arg0: i32, %arg1: i32, %arg2: memref<409600xi32, #tpu.memory_space<hbm>>, %arg3: memref<800000x64xf32, #tpu.memory_space<hbm>>, %arg4: memref<409600x64xf32, #tpu.memory_space<hbm>>, %arg5: memref<51200xi32, #tpu.memory_space<hbm>>, %arg6: memref<1600xi32, #tpu.memory_space<vmem>>, %arg7: memref<1600xi32, #tpu.memory_space<vmem>>, %arg8: memref<800x64xf32, #tpu.memory_space<vmem>>, %arg9: memref<800x64xf32, #tpu.memory_space<vmem>>, %arg10: memref<!tpu.dma_semaphore, #tpu.memory_space<semaphore_mem>>, %arg11: memref<!tpu.dma_semaphore, #tpu.memory_space<semaphore_mem>>, %arg12: memref<!tpu.dma_semaphore, #tpu.memory_space<semaphore_mem>>, %arg13: memref<!tpu.dma_semaphore, #tpu.memory_space<semaphore_mem>>) attributes {dimension_semantics = [#tpu.dimension_semantics<core_parallel>, #tpu.dimension_semantics<subcore_parallel>], iteration_bounds = array<i64: 2, 16>, scalar_prefetch = 0 : i64, scratch_operands = 8 : i64, tpu.core_type = #tpu.core_type<sc_vector_subcore>, window_params = [{transform_indices = #map}, {transform_indices = #map1}, {transform_indices = #map1}, {transform_indices = #map}]} {
    %mul3A = arith.constant 2 : i32
    %mul3A_0 = arith.muli %arg1, %mul3A : i32
    %add3A = arith.addi %mul3A_0, %arg0 : i32
    %mul3A_1 = arith.constant 1600 : i32
    %mul3A_2 = arith.muli %add3A, %mul3A_1 : i32
    %scan3A = arith.constant 0 : i32
    %scan3A_3 = arith.constant 0 : i32
    %scan3A_4 = arith.constant 100 : i32
    %scan3A_5 = arith.addi %scan3A_3, %scan3A_4 : i32
    %scan3A_6 = arith.constant 1 : i32
    %scan3A_7 = scf.for %scan3A_27 = %scan3A_3 to %scan3A_5 step %scan3A_6 iter_args(%scan3A_28 = %scan3A) -> (i32)  : i32 {
      %broadcast_in_dim3A = arith.constant 1 : i32
      %broadcast_in_dim3A_29 = vector.broadcast %broadcast_in_dim3A : i32 to vector<16xi32>
      %mul3A_30 = arith.constant 16 : i32
      %mul3A_31 = arith.muli %scan3A_27, %mul3A_30 : i32
      %swap3A = arith.index_cast %mul3A_31 : i32 to index
      %swap3A_32 = tpu.vector_load %arg7[%swap3A] {strides = array<i32>} : memref<1600xi32, #tpu.memory_space<vmem>>, vector<16xi32>,
      %swap3A_33 = vector.shape_cast %swap3A_32 : vector<16xi32> to vector<16xi32>
      %swap3A_34 = vector.shape_cast %broadcast_in_dim3A_29 : vector<16xi32> to vector<16xi32>
      tpu.vector_store %arg7[%swap3A], %swap3A_34 {strides = array<i32>} : memref<1600xi32, #tpu.memory_space<vmem>>, vector<16xi32>,
      %scan3A_35 = arith.constant 0 : i32
      scf.yield %scan3A_35 : i32
    }
    %scan3A_8 = arith.constant 100 : i32
    %scan3A_9 = arith.constant 0 : i32
    %scan3A_10 = arith.constant 0 : i32
    %scan3A_11 = arith.constant 8 : i32
    %scan3A_12 = arith.addi %scan3A_10, %scan3A_11 : i32
    %scan3A_13 = arith.constant 1 : i32
    %scan3A_14 = scf.for %scan3A_27 = %scan3A_10 to %scan3A_12 step %scan3A_13 iter_args(%scan3A_28 = %scan3A_9) -> (i32)  : i32 {
      %mul3A_29 = arith.constant 100000 : i32
      %mul3A_30 = arith.muli %scan3A_27, %mul3A_29 : i32
      %mul3A_31 = arith.constant 51200 : i32
      %mul3A_32 = arith.muli %scan3A_27, %mul3A_31 : i32
      %add3A_33 = arith.addi %mul3A_32, %mul3A_2 : i32
      "tpu.region"() ({
        %run_scoped3A = tpu.sem_alloc : memref<!tpu.dma_semaphore, #tpu.memory_space<semaphore_mem>>
        %dma_start3A_495 = tpu.memref_slice %arg2[%add3A_33] : memref<409600xi32, #tpu.memory_space<hbm>> -> memref<1600xi32, #tpu.memory_space<hbm>>
        %dma_start3A_496 = tpu.memref_slice %arg2[%add3A_33] : memref<409600xi32, #tpu.memory_space<hbm>> -> memref<1600xi32, #tpu.memory_space<hbm>>
        tpu.enqueue_dma source(%dma_start3A_496 : memref<1600xi32, #tpu.memory_space<hbm>>) target(%arg6 : memref<1600xi32, #tpu.memory_space<vmem>>) target_semaphore(%run_scoped3A : memref<!tpu.dma_semaphore, #tpu.memory_space<semaphore_mem>>)
        %dma_wait3A_497 = tpu.memref_slice %arg2[%add3A_33] : memref<409600xi32, #tpu.memory_space<hbm>> -> memref<1600xi32, #tpu.memory_space<hbm>>
        %dma_wait3A_498 = tpu.memref_slice %arg2[%add3A_33] : memref<409600xi32, #tpu.memory_space<hbm>> -> memref<1600xi32, #tpu.memory_space<hbm>>
        tpu.wait_dma2 semaphore(%run_scoped3A : memref<!tpu.dma_semaphore, #tpu.memory_space<semaphore_mem>>) src(%dma_wait3A_498 : memref<1600xi32, #tpu.memory_space<hbm>>) dst(%arg6 : memref<1600xi32, #tpu.memory_space<vmem>>)
        tpu.yield
      }) : () -> ()
      %broadcast_in_dim3A = arith.constant 0 : i32
      %broadcast_in_dim3A_34 = vector.broadcast %broadcast_in_dim3A : i32 to vector<16xi32>
      %scan3A_35 = arith.constant 0 : i32
      %scan3A_36 = arith.constant 50 : i32
      %scan3A_37 = arith.addi %scan3A_35, %scan3A_36 : i32
      %scan3A_38 = arith.constant 1 : i32
      %scan3A_39 = scf.for %scan3A_495 = %scan3A_35 to %scan3A_37 step %scan3A_38 iter_args(%scan3A_496 = %broadcast_in_dim3A_34) -> (vector<16xi32>)  : i32 {
        %mul3A_497 = arith.constant 16 : i32
        %mul3A_498 = arith.muli %scan3A_495, %mul3A_497 : i32
        %add3A_499 = arith.constant 0 : i32
        %add3A_500 = arith.addi %add3A_499, %mul3A_498 : i32
        %get3A = arith.index_cast %add3A_500 : i32 to index
        %get3A_501 = tpu.vector_load %arg6[%get3A] {strides = array<i32>} : memref<1600xi32, #tpu.memory_space<vmem>>, vector<16xi32>,
        %get3A_502 = vector.shape_cast %get3A_501 : vector<16xi32> to vector<16xi32>
        %eq3A = arith.constant 0 : i32
        %eq3A_503 = vector.broadcast %eq3A : i32 to vector<16xi32>
        %eq3A_504 = arith.cmpi eq, %get3A_502, %eq3A_503 : vector<16xi32>
        %jit3A = arith.constant 1 : i32
        %jit3A_505 = arith.constant 0 : i32
        %broadcast_in_dim3A_506 = vector.broadcast %jit3A : i32 to vector<16xi32>
        %broadcast_in_dim3A_507 = vector.broadcast %jit3A_505 : i32 to vector<16xi32>
        %select_n3A = arith.select %eq3A_504, %broadcast_in_dim3A_506, %broadcast_in_dim3A_507 : vector<16xi1>, vector<16xi32>
        %add3A_508 = vector.broadcast %mul3A_30 : i32 to vector<16xi32>
        %add3A_509 = arith.addi %get3A_502, %add3A_508 : vector<16xi32>
        %swap3A = arith.index_cast %add3A_500 : i32 to index
        %swap3A_510 = tpu.vector_load %arg6[%swap3A] {strides = array<i32>} : memref<1600xi32, #tpu.memory_space<vmem>>, vector<16xi32>,
        %swap3A_511 = vector.shape_cast %swap3A_510 : vector<16xi32> to vector<16xi32>
        %swap3A_512 = vector.shape_cast %add3A_509 : vector<16xi32> to vector<16xi32>
        tpu.vector_store %arg6[%swap3A], %swap3A_512 {strides = array<i32>} : memref<1600xi32, #tpu.memory_space<vmem>>, vector<16xi32>,
        %get3A_513 = arith.index_cast %add3A_500 : i32 to index
        %get3A_514 = tpu.vector_load %arg7[%get3A_513] {strides = array<i32>} : memref<1600xi32, #tpu.memory_space<vmem>>, vector<16xi32>,
        %get3A_515 = vector.shape_cast %get3A_514 : vector<16xi32> to vector<16xi32>
        %and3A = arith.andi %get3A_515, %select_n3A : vector<16xi32>
        %swap3A_516 = arith.index_cast %add3A_500 : i32 to index
        %swap3A_517 = tpu.vector_load %arg7[%swap3A_516] {strides = array<i32>} : memref<1600xi32, #tpu.memory_space<vmem>>, vector<16xi32>,
        %swap3A_518 = vector.shape_cast %swap3A_517 : vector<16xi32> to vector<16xi32>
        %swap3A_519 = vector.shape_cast %and3A : vector<16xi32> to vector<16xi32>
        tpu.vector_store %arg7[%swap3A_516], %swap3A_519 {strides = array<i32>} : memref<1600xi32, #tpu.memory_space<vmem>>, vector<16xi32>,
        %or3A_520 = arith.ori %scan3A_496, %select_n3A : vector<16xi32>
        scf.yield %or3A_520 : vector<16xi32>
      }
      %scan3A_40 = arith.constant 50 : i32
      %slice3A = vector.extract_strided_slice %scan3A_39 {offsets = [0], sizes = [1], strides = [1]} : vector<16xi32> to vector<1xi32>
      %squeeze3A = vector.extract %slice3A[0] : i32 from vector<1xi32>
      %slice3A_41 = vector.extract_strided_slice %scan3A_39 {offsets = [1], sizes = [1], strides = [1]} : vector<16xi32> to vector<1xi32>
      %squeeze3A_42 = vector.extract %slice3A_41[0] : i32 from vector<1xi32>
      %or3A = arith.ori %squeeze3A, %squeeze3A_42 : i32
      %slice3A_43 = vector.extract_strided_slice %scan3A_39 {offsets = [2], sizes = [1], strides = [1]} : vector<16xi32> to vector<1xi32>
      %squeeze3A_44 = vector.extract %slice3A_43[0] : i32 from vector<1xi32>
      %or3A_45 = arith.ori %or3A, %squeeze3A_44 : i32
      %slice3A_46 = vector.extract_strided_slice %scan3A_39 {offsets = [3], sizes = [1], strides = [1]} : vector<16xi32> to vector<1xi32>
      %squeeze3A_47 = vector.extract %slice3A_46[0] : i32 from vector<1xi32>
      %or3A_48 = arith.ori %or3A_45, %squeeze3A_47 : i32
      %slice3A_49 = vector.extract_strided_slice %scan3A_39 {offsets = [4], sizes = [1], strides = [1]} : vector<16xi32> to vector<1xi32>
      %squeeze3A_50 = vector.extract %slice3A_49[0] : i32 from vector<1xi32>
      %or3A_51 = arith.ori %or3A_48, %squeeze3A_50 : i32
      %slice3A_52 = vector.extract_strided_slice %scan3A_39 {offsets = [5], sizes = [1], strides = [1]} : vector<16xi32> to vector<1xi32>
      %squeeze3A_53 = vector.extract %slice3A_52[0] : i32 from vector<1xi32>
      %or3A_54 = arith.ori %or3A_51, %squeeze3A_53 : i32
      %slice3A_55 = vector.extract_strided_slice %scan3A_39 {offsets = [6], sizes = [1], strides = [1]} : vector<16xi32> to vector<1xi32>
      %squeeze3A_56 = vector.extract %slice3A_55[0] : i32 from vector<1xi32>
      %or3A_57 = arith.ori %or3A_54, %squeeze3A_56 : i32
      %slice3A_58 = vector.extract_strided_slice %scan3A_39 {offsets = [7], sizes = [1], strides = [1]} : vector<16xi32> to vector<1xi32>
      %squeeze3A_59 = vector.extract %slice3A_58[0] : i32 from vector<1xi32>
      %or3A_60 = arith.ori %or3A_57, %squeeze3A_59 : i32
      %slice3A_61 = vector.extract_strided_slice %scan3A_39 {offsets = [8], sizes = [1], strides = [1]} : vector<16xi32> to vector<1xi32>
      %squeeze3A_62 = vector.extract %slice3A_61[0] : i32 from vector<1xi32>
      %or3A_63 = arith.ori %or3A_60, %squeeze3A_62 : i32
      %slice3A_64 = vector.extract_strided_slice %scan3A_39 {offsets = [9], sizes = [1], strides = [1]} : vector<16xi32> to vector<1xi32>
      %squeeze3A_65 = vector.extract %slice3A_64[0] : i32 from vector<1xi32>
      %or3A_66 = arith.ori %or3A_63, %squeeze3A_65 : i32
      %slice3A_67 = vector.extract_strided_slice %scan3A_39 {offsets = [10], sizes = [1], strides = [1]} : vector<16xi32> to vector<1xi32>
      %squeeze3A_68 = vector.extract %slice3A_67[0] : i32 from vector<1xi32>
      %or3A_69 = arith.ori %or3A_66, %squeeze3A_68 : i32
      %slice3A_70 = vector.extract_strided_slice %scan3A_39 {offsets = [11], sizes = [1], strides = [1]} : vector<16xi32> to vector<1xi32>
      %squeeze3A_71 = vector.extract %slice3A_70[0] : i32 from vector<1xi32>
      %or3A_72 = arith.ori %or3A_69, %squeeze3A_71 : i32
      %slice3A_73 = vector.extract_strided_slice %scan3A_39 {offsets = [12], sizes = [1], strides = [1]} : vector<16xi32> to vector<1xi32>
      %squeeze3A_74 = vector.extract %slice3A_73[0] : i32 from vector<1xi32>
      %or3A_75 = arith.ori %or3A_72, %squeeze3A_74 : i32
      %slice3A_76 = vector.extract_strided_slice %scan3A_39 {offsets = [13], sizes = [1], strides = [1]} : vector<16xi32> to vector<1xi32>
      %squeeze3A_77 = vector.extract %slice3A_76[0] : i32 from vector<1xi32>
      %or3A_78 = arith.ori %or3A_75, %squeeze3A_77 : i32
      %slice3A_79 = vector.extract_strided_slice %scan3A_39 {offsets = [14], sizes = [1], strides = [1]} : vector<16xi32> to vector<1xi32>
      %squeeze3A_80 = vector.extract %slice3A_79[0] : i32 from vector<1xi32>
      %or3A_81 = arith.ori %or3A_78, %squeeze3A_80 : i32
      %slice3A_82 = vector.extract_strided_slice %scan3A_39 {offsets = [15], sizes = [1], strides = [1]} : vector<16xi32> to vector<1xi32>
      %squeeze3A_83 = vector.extract %slice3A_82[0] : i32 from vector<1xi32>
      %or3A_84 = arith.ori %or3A_81, %squeeze3A_83 : i32
      %gt3A = arith.constant 0 : i32
      %gt3A_85 = arith.cmpi sgt, %scan3A_27, %gt3A : i32
      %convert_element_type3A = arith.extui %gt3A_85 : i1 to i32
      %cond3A = arith.constant 0 : i32
      %cond3A_86 = arith.cmpi ne, %convert_element_type3A, %cond3A : i32
      scf.if %cond3A_86 {
        %dma_wait3A_495 = arith.constant 0 : i32
        %dma_wait3A_496 = arith.constant 0 : i32
        %dma_wait3A_497 = tpu.memref_slice %arg4[%dma_wait3A_495, %dma_wait3A_496] : memref<409600x64xf32, #tpu.memory_space<hbm>> -> memref<800x64xf32, #tpu.memory_space<hbm>>
        %dma_wait3A_498 = arith.constant 0 : i32
        %dma_wait3A_499 = arith.constant 0 : i32
        %dma_wait3A_500 = tpu.memref_slice %arg4[%dma_wait3A_498, %dma_wait3A_499] : memref<409600x64xf32, #tpu.memory_space<hbm>> -> memref<800x64xf32, #tpu.memory_space<hbm>>
        tpu.wait_dma2 semaphore(%arg12 : memref<!tpu.dma_semaphore, #tpu.memory_space<semaphore_mem>>) src(%arg8 : memref<800x64xf32, #tpu.memory_space<vmem>>) dst(%dma_wait3A_500 : memref<800x64xf32, #tpu.memory_space<hbm>>)
      } else {
      }
      %dma_start3A = arith.constant 0 : i32
      %dma_start3A_87 = arith.constant 0 : i32
      %dma_start3A_88 = tpu.memref_slice %arg8[%dma_start3A, %dma_start3A_87] : memref<800x64xf32, #tpu.memory_space<vmem>> -> memref<80x64xf32, #tpu.memory_space<vmem>>
      %dma_start3A_89 = arith.constant 0 : i32
      %dma_start3A_90 = tpu.memref_slice %arg6[%dma_start3A_89] : memref<1600xi32, #tpu.memory_space<vmem>> -> memref<80xi32, #tpu.memory_space<vmem>>
      %dma_start3A_91 = arith.constant 0 : i32
      %dma_start3A_92 = arith.constant 0 : i32
      %dma_start3A_93 = tpu.memref_slice %arg3[%dma_start3A_91, %dma_start3A_92] : memref<800000x64xf32, #tpu.memory_space<hbm>> -> memref<800000x64xf32, #tpu.memory_space<hbm>>
      tpu.enqueue_indirect_dma source(%dma_start3A_93 : memref<800000x64xf32, #tpu.memory_space<hbm>>) target(%dma_start3A_88 : memref<80x64xf32, #tpu.memory_space<vmem>>) offsets(%dma_start3A_90 : memref<80xi32, #tpu.memory_space<vmem>>) semaphore(%arg10 : memref<!tpu.dma_semaphore, #tpu.memory_space<semaphore_mem>>)
      %dma_start3A_94 = arith.constant 80 : i32
      %dma_start3A_95 = arith.constant 0 : i32
      %dma_start3A_96 = tpu.memref_slice %arg8[%dma_start3A_94, %dma_start3A_95] : memref<800x64xf32, #tpu.memory_space<vmem>> -> memref<80x64xf32, #tpu.memory_space<vmem>>
      %dma_start3A_97 = arith.constant 80 : i32
      %dma_start3A_98 = tpu.memref_slice %arg6[%dma_start3A_97] : memref<1600xi32, #tpu.memory_space<vmem>> -> memref<80xi32, #tpu.memory_space<vmem>>
      %dma_start3A_99 = arith.constant 0 : i32
      %dma_start3A_100 = arith.constant 0 : i32
      %dma_start3A_101 = tpu.memref_slice %arg3[%dma_start3A_99, %dma_start3A_100] : memref<800000x64xf32, #tpu.memory_space<hbm>> -> memref<800000x64xf32, #tpu.memory_space<hbm>>
      tpu.enqueue_indirect_dma source(%dma_start3A_101 : memref<800000x64xf32, #tpu.memory_space<hbm>>) target(%dma_start3A_96 : memref<80x64xf32, #tpu.memory_space<vmem>>) offsets(%dma_start3A_98 : memref<80xi32, #tpu.memory_space<vmem>>) semaphore(%arg10 : memref<!tpu.dma_semaphore, #tpu.memory_space<semaphore_mem>>)
      %dma_start3A_102 = arith.constant 160 : i32
      %dma_start3A_103 = arith.constant 0 : i32
      %dma_start3A_104 = tpu.memref_slice %arg8[%dma_start3A_102, %dma_start3A_103] : memref<800x64xf32, #tpu.memory_space<vmem>> -> memref<80x64xf32, #tpu.memory_space<vmem>>
      %dma_start3A_105 = arith.constant 160 : i32
      %dma_start3A_106 = tpu.memref_slice %arg6[%dma_start3A_105] : memref<1600xi32, #tpu.memory_space<vmem>> -> memref<80xi32, #tpu.memory_space<vmem>>
      %dma_start3A_107 = arith.constant 0 : i32
      %dma_start3A_108 = arith.constant 0 : i32
      %dma_start3A_109 = tpu.memref_slice %arg3[%dma_start3A_107, %dma_start3A_108] : memref<800000x64xf32, #tpu.memory_space<hbm>> -> memref<800000x64xf32, #tpu.memory_space<hbm>>
      tpu.enqueue_indirect_dma source(%dma_start3A_109 : memref<800000x64xf32, #tpu.memory_space<hbm>>) target(%dma_start3A_104 : memref<80x64xf32, #tpu.memory_space<vmem>>) offsets(%dma_start3A_106 : memref<80xi32, #tpu.memory_space<vmem>>) semaphore(%arg10 : memref<!tpu.dma_semaphore, #tpu.memory_space<semaphore_mem>>)
      %dma_start3A_110 = arith.constant 240 : i32
      %dma_start3A_111 = arith.constant 0 : i32
      %dma_start3A_112 = tpu.memref_slice %arg8[%dma_start3A_110, %dma_start3A_111] : memref<800x64xf32, #tpu.memory_space<vmem>> -> memref<80x64xf32, #tpu.memory_space<vmem>>
      %dma_start3A_113 = arith.constant 240 : i32
      %dma_start3A_114 = tpu.memref_slice %arg6[%dma_start3A_113] : memref<1600xi32, #tpu.memory_space<vmem>> -> memref<80xi32, #tpu.memory_space<vmem>>
      %dma_start3A_115 = arith.constant 0 : i32
      %dma_start3A_116 = arith.constant 0 : i32
      %dma_start3A_117 = tpu.memref_slice %arg3[%dma_start3A_115, %dma_start3A_116] : memref<800000x64xf32, #tpu.memory_space<hbm>> -> memref<800000x64xf32, #tpu.memory_space<hbm>>
      tpu.enqueue_indirect_dma source(%dma_start3A_117 : memref<800000x64xf32, #tpu.memory_space<hbm>>) target(%dma_start3A_112 : memref<80x64xf32, #tpu.memory_space<vmem>>) offsets(%dma_start3A_114 : memref<80xi32, #tpu.memory_space<vmem>>) semaphore(%arg10 : memref<!tpu.dma_semaphore, #tpu.memory_space<semaphore_mem>>)
      %dma_start3A_118 = arith.constant 320 : i32
      %dma_start3A_119 = arith.constant 0 : i32
      %dma_start3A_120 = tpu.memref_slice %arg8[%dma_start3A_118, %dma_start3A_119] : memref<800x64xf32, #tpu.memory_space<vmem>> -> memref<80x64xf32, #tpu.memory_space<vmem>>
      %dma_start3A_121 = arith.constant 320 : i32
      %dma_start3A_122 = tpu.memref_slice %arg6[%dma_start3A_121] : memref<1600xi32, #tpu.memory_space<vmem>> -> memref<80xi32, #tpu.memory_space<vmem>>
      %dma_start3A_123 = arith.constant 0 : i32
      %dma_start3A_124 = arith.constant 0 : i32
      %dma_start3A_125 = tpu.memref_slice %arg3[%dma_start3A_123, %dma_start3A_124] : memref<800000x64xf32, #tpu.memory_space<hbm>> -> memref<800000x64xf32, #tpu.memory_space<hbm>>
      tpu.enqueue_indirect_dma source(%dma_start3A_125 : memref<800000x64xf32, #tpu.memory_space<hbm>>) target(%dma_start3A_120 : memref<80x64xf32, #tpu.memory_space<vmem>>) offsets(%dma_start3A_122 : memref<80xi32, #tpu.memory_space<vmem>>) semaphore(%arg10 : memref<!tpu.dma_semaphore, #tpu.memory_space<semaphore_mem>>)
      %dma_start3A_126 = arith.constant 400 : i32
      %dma_start3A_127 = arith.constant 0 : i32
      %dma_start3A_128 = tpu.memref_slice %arg8[%dma_start3A_126, %dma_start3A_127] : memref<800x64xf32, #tpu.memory_space<vmem>> -> memref<80x64xf32, #tpu.memory_space<vmem>>
      %dma_start3A_129 = arith.constant 400 : i32
      %dma_start3A_130 = tpu.memref_slice %arg6[%dma_start3A_129] : memref<1600xi32, #tpu.memory_space<vmem>> -> memref<80xi32, #tpu.memory_space<vmem>>
      %dma_start3A_131 = arith.constant 0 : i32
      %dma_start3A_132 = arith.constant 0 : i32
      %dma_start3A_133 = tpu.memref_slice %arg3[%dma_start3A_131, %dma_start3A_132] : memref<800000x64xf32, #tpu.memory_space<hbm>> -> memref<800000x64xf32, #tpu.memory_space<hbm>>
      tpu.enqueue_indirect_dma source(%dma_start3A_133 : memref<800000x64xf32, #tpu.memory_space<hbm>>) target(%dma_start3A_128 : memref<80x64xf32, #tpu.memory_space<vmem>>) offsets(%dma_start3A_130 : memref<80xi32, #tpu.memory_space<vmem>>) semaphore(%arg10 : memref<!tpu.dma_semaphore, #tpu.memory_space<semaphore_mem>>)
      %dma_start3A_134 = arith.constant 480 : i32
      %dma_start3A_135 = arith.constant 0 : i32
      %dma_start3A_136 = tpu.memref_slice %arg8[%dma_start3A_134, %dma_start3A_135] : memref<800x64xf32, #tpu.memory_space<vmem>> -> memref<80x64xf32, #tpu.memory_space<vmem>>
      %dma_start3A_137 = arith.constant 480 : i32
      %dma_start3A_138 = tpu.memref_slice %arg6[%dma_start3A_137] : memref<1600xi32, #tpu.memory_space<vmem>> -> memref<80xi32, #tpu.memory_space<vmem>>
      %dma_start3A_139 = arith.constant 0 : i32
      %dma_start3A_140 = arith.constant 0 : i32
      %dma_start3A_141 = tpu.memref_slice %arg3[%dma_start3A_139, %dma_start3A_140] : memref<800000x64xf32, #tpu.memory_space<hbm>> -> memref<800000x64xf32, #tpu.memory_space<hbm>>
      tpu.enqueue_indirect_dma source(%dma_start3A_141 : memref<800000x64xf32, #tpu.memory_space<hbm>>) target(%dma_start3A_136 : memref<80x64xf32, #tpu.memory_space<vmem>>) offsets(%dma_start3A_138 : memref<80xi32, #tpu.memory_space<vmem>>) semaphore(%arg10 : memref<!tpu.dma_semaphore, #tpu.memory_space<semaphore_mem>>)
      %dma_start3A_142 = arith.constant 560 : i32
      %dma_start3A_143 = arith.constant 0 : i32
      %dma_start3A_144 = tpu.memref_slice %arg8[%dma_start3A_142, %dma_start3A_143] : memref<800x64xf32, #tpu.memory_space<vmem>> -> memref<80x64xf32, #tpu.memory_space<vmem>>
      %dma_start3A_145 = arith.constant 560 : i32
      %dma_start3A_146 = tpu.memref_slice %arg6[%dma_start3A_145] : memref<1600xi32, #tpu.memory_space<vmem>> -> memref<80xi32, #tpu.memory_space<vmem>>
      %dma_start3A_147 = arith.constant 0 : i32
      %dma_start3A_148 = arith.constant 0 : i32
      %dma_start3A_149 = tpu.memref_slice %arg3[%dma_start3A_147, %dma_start3A_148] : memref<800000x64xf32, #tpu.memory_space<hbm>> -> memref<800000x64xf32, #tpu.memory_space<hbm>>
      tpu.enqueue_indirect_dma source(%dma_start3A_149 : memref<800000x64xf32, #tpu.memory_space<hbm>>) target(%dma_start3A_144 : memref<80x64xf32, #tpu.memory_space<vmem>>) offsets(%dma_start3A_146 : memref<80xi32, #tpu.memory_space<vmem>>) semaphore(%arg10 : memref<!tpu.dma_semaphore, #tpu.memory_space<semaphore_mem>>)
      %dma_start3A_150 = arith.constant 640 : i32
      %dma_start3A_151 = arith.constant 0 : i32
      %dma_start3A_152 = tpu.memref_slice %arg8[%dma_start3A_150, %dma_start3A_151] : memref<800x64xf32, #tpu.memory_space<vmem>> -> memref<80x64xf32, #tpu.memory_space<vmem>>
      %dma_start3A_153 = arith.constant 640 : i32
      %dma_start3A_154 = tpu.memref_slice %arg6[%dma_start3A_153] : memref<1600xi32, #tpu.memory_space<vmem>> -> memref<80xi32, #tpu.memory_space<vmem>>
      %dma_start3A_155 = arith.constant 0 : i32
      %dma_start3A_156 = arith.constant 0 : i32
      %dma_start3A_157 = tpu.memref_slice %arg3[%dma_start3A_155, %dma_start3A_156] : memref<800000x64xf32, #tpu.memory_space<hbm>> -> memref<800000x64xf32, #tpu.memory_space<hbm>>
      tpu.enqueue_indirect_dma source(%dma_start3A_157 : memref<800000x64xf32, #tpu.memory_space<hbm>>) target(%dma_start3A_152 : memref<80x64xf32, #tpu.memory_space<vmem>>) offsets(%dma_start3A_154 : memref<80xi32, #tpu.memory_space<vmem>>) semaphore(%arg10 : memref<!tpu.dma_semaphore, #tpu.memory_space<semaphore_mem>>)
      %dma_start3A_158 = arith.constant 720 : i32
      %dma_start3A_159 = arith.constant 0 : i32
      %dma_start3A_160 = tpu.memref_slice %arg8[%dma_start3A_158, %dma_start3A_159] : memref<800x64xf32, #tpu.memory_space<vmem>> -> memref<80x64xf32, #tpu.memory_space<vmem>>
      %dma_start3A_161 = arith.constant 720 : i32
      %dma_start3A_162 = tpu.memref_slice %arg6[%dma_start3A_161] : memref<1600xi32, #tpu.memory_space<vmem>> -> memref<80xi32, #tpu.memory_space<vmem>>
      %dma_start3A_163 = arith.constant 0 : i32
      %dma_start3A_164 = arith.constant 0 : i32
      %dma_start3A_165 = tpu.memref_slice %arg3[%dma_start3A_163, %dma_start3A_164] : memref<800000x64xf32, #tpu.memory_space<hbm>> -> memref<800000x64xf32, #tpu.memory_space<hbm>>
      tpu.enqueue_indirect_dma source(%dma_start3A_165 : memref<800000x64xf32, #tpu.memory_space<hbm>>) target(%dma_start3A_160 : memref<80x64xf32, #tpu.memory_space<vmem>>) offsets(%dma_start3A_162 : memref<80xi32, #tpu.memory_space<vmem>>) semaphore(%arg10 : memref<!tpu.dma_semaphore, #tpu.memory_space<semaphore_mem>>)
      %broadcast_in_dim3A_166 = arith.constant 0 : i32
      %broadcast_in_dim3A_167 = vector.broadcast %broadcast_in_dim3A_166 : i32 to vector<16xi32>
      %scan3A_168 = arith.constant 0 : i32
      %scan3A_169 = arith.constant 50 : i32
      %scan3A_170 = arith.addi %scan3A_168, %scan3A_169 : i32
      %scan3A_171 = arith.constant 1 : i32
      %scan3A_172 = scf.for %scan3A_495 = %scan3A_168 to %scan3A_170 step %scan3A_171 iter_args(%scan3A_496 = %broadcast_in_dim3A_167) -> (vector<16xi32>)  : i32 {
        %mul3A_497 = arith.constant 16 : i32
        %mul3A_498 = arith.muli %scan3A_495, %mul3A_497 : i32
        %add3A_499 = arith.constant 800 : i32
        %add3A_500 = arith.addi %add3A_499, %mul3A_498 : i32
        %get3A = arith.index_cast %add3A_500 : i32 to index
        %get3A_501 = tpu.vector_load %arg6[%get3A] {strides = array<i32>} : memref<1600xi32, #tpu.memory_space<vmem>>, vector<16xi32>,
        %get3A_502 = vector.shape_cast %get3A_501 : vector<16xi32> to vector<16xi32>
        %eq3A = arith.constant 0 : i32
        %eq3A_503 = vector.broadcast %eq3A : i32 to vector<16xi32>
        %eq3A_504 = arith.cmpi eq, %get3A_502, %eq3A_503 : vector<16xi32>
        %jit3A = arith.constant 1 : i32
        %jit3A_505 = arith.constant 0 : i32
        %broadcast_in_dim3A_506 = vector.broadcast %jit3A : i32 to vector<16xi32>
        %broadcast_in_dim3A_507 = vector.broadcast %jit3A_505 : i32 to vector<16xi32>
        %select_n3A = arith.select %eq3A_504, %broadcast_in_dim3A_506, %broadcast_in_dim3A_507 : vector<16xi1>, vector<16xi32>
        %add3A_508 = vector.broadcast %mul3A_30 : i32 to vector<16xi32>
        %add3A_509 = arith.addi %get3A_502, %add3A_508 : vector<16xi32>
        %swap3A = arith.index_cast %add3A_500 : i32 to index
        %swap3A_510 = tpu.vector_load %arg6[%swap3A] {strides = array<i32>} : memref<1600xi32, #tpu.memory_space<vmem>>, vector<16xi32>,
        %swap3A_511 = vector.shape_cast %swap3A_510 : vector<16xi32> to vector<16xi32>
        %swap3A_512 = vector.shape_cast %add3A_509 : vector<16xi32> to vector<16xi32>
        tpu.vector_store %arg6[%swap3A], %swap3A_512 {strides = array<i32>} : memref<1600xi32, #tpu.memory_space<vmem>>, vector<16xi32>,
        %get3A_513 = arith.index_cast %add3A_500 : i32 to index
        %get3A_514 = tpu.vector_load %arg7[%get3A_513] {strides = array<i32>} : memref<1600xi32, #tpu.memory_space<vmem>>, vector<16xi32>,
        %get3A_515 = vector.shape_cast %get3A_514 : vector<16xi32> to vector<16xi32>
        %and3A = arith.andi %get3A_515, %select_n3A : vector<16xi32>
        %swap3A_516 = arith.index_cast %add3A_500 : i32 to index
        %swap3A_517 = tpu.vector_load %arg7[%swap3A_516] {strides = array<i32>} : memref<1600xi32, #tpu.memory_space<vmem>>, vector<16xi32>,
        %swap3A_518 = vector.shape_cast %swap3A_517 : vector<16xi32> to vector<16xi32>
        %swap3A_519 = vector.shape_cast %and3A : vector<16xi32> to vector<16xi32>
        tpu.vector_store %arg7[%swap3A_516], %swap3A_519 {strides = array<i32>} : memref<1600xi32, #tpu.memory_space<vmem>>, vector<16xi32>,
        %or3A_520 = arith.ori %scan3A_496, %select_n3A : vector<16xi32>
        scf.yield %or3A_520 : vector<16xi32>
      }
      %scan3A_173 = arith.constant 50 : i32
      %slice3A_174 = vector.extract_strided_slice %scan3A_172 {offsets = [0], sizes = [1], strides = [1]} : vector<16xi32> to vector<1xi32>
      %squeeze3A_175 = vector.extract %slice3A_174[0] : i32 from vector<1xi32>
      %slice3A_176 = vector.extract_strided_slice %scan3A_172 {offsets = [1], sizes = [1], strides = [1]} : vector<16xi32> to vector<1xi32>
      %squeeze3A_177 = vector.extract %slice3A_176[0] : i32 from vector<1xi32>
      %or3A_178 = arith.ori %squeeze3A_175, %squeeze3A_177 : i32
      %slice3A_179 = vector.extract_strided_slice %scan3A_172 {offsets = [2], sizes = [1], strides = [1]} : vector<16xi32> to vector<1xi32>
      %squeeze3A_180 = vector.extract %slice3A_179[0] : i32 from vector<1xi32>
      %or3A_181 = arith.ori %or3A_178, %squeeze3A_180 : i32
      %slice3A_182 = vector.extract_strided_slice %scan3A_172 {offsets = [3], sizes = [1], strides = [1]} : vector<16xi32> to vector<1xi32>
      %squeeze3A_183 = vector.extract %slice3A_182[0] : i32 from vector<1xi32>
      %or3A_184 = arith.ori %or3A_181, %squeeze3A_183 : i32
      %slice3A_185 = vector.extract_strided_slice %scan3A_172 {offsets = [4], sizes = [1], strides = [1]} : vector<16xi32> to vector<1xi32>
      %squeeze3A_186 = vector.extract %slice3A_185[0] : i32 from vector<1xi32>
      %or3A_187 = arith.ori %or3A_184, %squeeze3A_186 : i32
      %slice3A_188 = vector.extract_strided_slice %scan3A_172 {offsets = [5], sizes = [1], strides = [1]} : vector<16xi32> to vector<1xi32>
      %squeeze3A_189 = vector.extract %slice3A_188[0] : i32 from vector<1xi32>
      %or3A_190 = arith.ori %or3A_187, %squeeze3A_189 : i32
      %slice3A_191 = vector.extract_strided_slice %scan3A_172 {offsets = [6], sizes = [1], strides = [1]} : vector<16xi32> to vector<1xi32>
      %squeeze3A_192 = vector.extract %slice3A_191[0] : i32 from vector<1xi32>
      %or3A_193 = arith.ori %or3A_190, %squeeze3A_192 : i32
      %slice3A_194 = vector.extract_strided_slice %scan3A_172 {offsets = [7], sizes = [1], strides = [1]} : vector<16xi32> to vector<1xi32>
      %squeeze3A_195 = vector.extract %slice3A_194[0] : i32 from vector<1xi32>
      %or3A_196 = arith.ori %or3A_193, %squeeze3A_195 : i32
      %slice3A_197 = vector.extract_strided_slice %scan3A_172 {offsets = [8], sizes = [1], strides = [1]} : vector<16xi32> to vector<1xi32>
      %squeeze3A_198 = vector.extract %slice3A_197[0] : i32 from vector<1xi32>
      %or3A_199 = arith.ori %or3A_196, %squeeze3A_198 : i32
      %slice3A_200 = vector.extract_strided_slice %scan3A_172 {offsets = [9], sizes = [1], strides = [1]} : vector<16xi32> to vector<1xi32>
      %squeeze3A_201 = vector.extract %slice3A_200[0] : i32 from vector<1xi32>
      %or3A_202 = arith.ori %or3A_199, %squeeze3A_201 : i32
      %slice3A_203 = vector.extract_strided_slice %scan3A_172 {offsets = [10], sizes = [1], strides = [1]} : vector<16xi32> to vector<1xi32>
      %squeeze3A_204 = vector.extract %slice3A_203[0] : i32 from vector<1xi32>
      %or3A_205 = arith.ori %or3A_202, %squeeze3A_204 : i32
      %slice3A_206 = vector.extract_strided_slice %scan3A_172 {offsets = [11], sizes = [1], strides = [1]} : vector<16xi32> to vector<1xi32>
      %squeeze3A_207 = vector.extract %slice3A_206[0] : i32 from vector<1xi32>
      %or3A_208 = arith.ori %or3A_205, %squeeze3A_207 : i32
      %slice3A_209 = vector.extract_strided_slice %scan3A_172 {offsets = [12], sizes = [1], strides = [1]} : vector<16xi32> to vector<1xi32>
      %squeeze3A_210 = vector.extract %slice3A_209[0] : i32 from vector<1xi32>
      %or3A_211 = arith.ori %or3A_208, %squeeze3A_210 : i32
      %slice3A_212 = vector.extract_strided_slice %scan3A_172 {offsets = [13], sizes = [1], strides = [1]} : vector<16xi32> to vector<1xi32>
      %squeeze3A_213 = vector.extract %slice3A_212[0] : i32 from vector<1xi32>
      %or3A_214 = arith.ori %or3A_211, %squeeze3A_213 : i32
      %slice3A_215 = vector.extract_strided_slice %scan3A_172 {offsets = [14], sizes = [1], strides = [1]} : vector<16xi32> to vector<1xi32>
      %squeeze3A_216 = vector.extract %slice3A_215[0] : i32 from vector<1xi32>
      %or3A_217 = arith.ori %or3A_214, %squeeze3A_216 : i32
      %slice3A_218 = vector.extract_strided_slice %scan3A_172 {offsets = [15], sizes = [1], strides = [1]} : vector<16xi32> to vector<1xi32>
      %squeeze3A_219 = vector.extract %slice3A_218[0] : i32 from vector<1xi32>
      %or3A_220 = arith.ori %or3A_217, %squeeze3A_219 : i32
      %gt3A_221 = arith.constant 0 : i32
      %gt3A_222 = arith.cmpi sgt, %scan3A_27, %gt3A_221 : i32
      %convert_element_type3A_223 = arith.extui %gt3A_222 : i1 to i32
      %cond3A_224 = arith.constant 0 : i32
      %cond3A_225 = arith.cmpi ne, %convert_element_type3A_223, %cond3A_224 : i32
      scf.if %cond3A_225 {
        %dma_wait3A_495 = arith.constant 0 : i32
        %dma_wait3A_496 = arith.constant 0 : i32
        %dma_wait3A_497 = tpu.memref_slice %arg4[%dma_wait3A_495, %dma_wait3A_496] : memref<409600x64xf32, #tpu.memory_space<hbm>> -> memref<800x64xf32, #tpu.memory_space<hbm>>
        %dma_wait3A_498 = arith.constant 0 : i32
        %dma_wait3A_499 = arith.constant 0 : i32
        %dma_wait3A_500 = tpu.memref_slice %arg4[%dma_wait3A_498, %dma_wait3A_499] : memref<409600x64xf32, #tpu.memory_space<hbm>> -> memref<800x64xf32, #tpu.memory_space<hbm>>
        tpu.wait_dma2 semaphore(%arg13 : memref<!tpu.dma_semaphore, #tpu.memory_space<semaphore_mem>>) src(%arg9 : memref<800x64xf32, #tpu.memory_space<vmem>>) dst(%dma_wait3A_500 : memref<800x64xf32, #tpu.memory_space<hbm>>)
      } else {
      }
      %dma_start3A_226 = arith.constant 0 : i32
      %dma_start3A_227 = arith.constant 0 : i32
      %dma_start3A_228 = tpu.memref_slice %arg9[%dma_start3A_226, %dma_start3A_227] : memref<800x64xf32, #tpu.memory_space<vmem>> -> memref<80x64xf32, #tpu.memory_space<vmem>>
      %dma_start3A_229 = arith.constant 800 : i32
      %dma_start3A_230 = tpu.memref_slice %arg6[%dma_start3A_229] : memref<1600xi32, #tpu.memory_space<vmem>> -> memref<80xi32, #tpu.memory_space<vmem>>
      %dma_start3A_231 = arith.constant 0 : i32
      %dma_start3A_232 = arith.constant 0 : i32
      %dma_start3A_233 = tpu.memref_slice %arg3[%dma_start3A_231, %dma_start3A_232] : memref<800000x64xf32, #tpu.memory_space<hbm>> -> memref<800000x64xf32, #tpu.memory_space<hbm>>
      tpu.enqueue_indirect_dma source(%dma_start3A_233 : memref<800000x64xf32, #tpu.memory_space<hbm>>) target(%dma_start3A_228 : memref<80x64xf32, #tpu.memory_space<vmem>>) offsets(%dma_start3A_230 : memref<80xi32, #tpu.memory_space<vmem>>) semaphore(%arg11 : memref<!tpu.dma_semaphore, #tpu.memory_space<semaphore_mem>>)
      %dma_start3A_234 = arith.constant 80 : i32
      %dma_start3A_235 = arith.constant 0 : i32
      %dma_start3A_236 = tpu.memref_slice %arg9[%dma_start3A_234, %dma_start3A_235] : memref<800x64xf32, #tpu.memory_space<vmem>> -> memref<80x64xf32, #tpu.memory_space<vmem>>
      %dma_start3A_237 = arith.constant 880 : i32
      %dma_start3A_238 = tpu.memref_slice %arg6[%dma_start3A_237] : memref<1600xi32, #tpu.memory_space<vmem>> -> memref<80xi32, #tpu.memory_space<vmem>>
      %dma_start3A_239 = arith.constant 0 : i32
      %dma_start3A_240 = arith.constant 0 : i32
      %dma_start3A_241 = tpu.memref_slice %arg3[%dma_start3A_239, %dma_start3A_240] : memref<800000x64xf32, #tpu.memory_space<hbm>> -> memref<800000x64xf32, #tpu.memory_space<hbm>>
      tpu.enqueue_indirect_dma source(%dma_start3A_241 : memref<800000x64xf32, #tpu.memory_space<hbm>>) target(%dma_start3A_236 : memref<80x64xf32, #tpu.memory_space<vmem>>) offsets(%dma_start3A_238 : memref<80xi32, #tpu.memory_space<vmem>>) semaphore(%arg11 : memref<!tpu.dma_semaphore, #tpu.memory_space<semaphore_mem>>)
      %dma_start3A_242 = arith.constant 160 : i32
      %dma_start3A_243 = arith.constant 0 : i32
      %dma_start3A_244 = tpu.memref_slice %arg9[%dma_start3A_242, %dma_start3A_243] : memref<800x64xf32, #tpu.memory_space<vmem>> -> memref<80x64xf32, #tpu.memory_space<vmem>>
      %dma_start3A_245 = arith.constant 960 : i32
      %dma_start3A_246 = tpu.memref_slice %arg6[%dma_start3A_245] : memref<1600xi32, #tpu.memory_space<vmem>> -> memref<80xi32, #tpu.memory_space<vmem>>
      %dma_start3A_247 = arith.constant 0 : i32
      %dma_start3A_248 = arith.constant 0 : i32
      %dma_start3A_249 = tpu.memref_slice %arg3[%dma_start3A_247, %dma_start3A_248] : memref<800000x64xf32, #tpu.memory_space<hbm>> -> memref<800000x64xf32, #tpu.memory_space<hbm>>
      tpu.enqueue_indirect_dma source(%dma_start3A_249 : memref<800000x64xf32, #tpu.memory_space<hbm>>) target(%dma_start3A_244 : memref<80x64xf32, #tpu.memory_space<vmem>>) offsets(%dma_start3A_246 : memref<80xi32, #tpu.memory_space<vmem>>) semaphore(%arg11 : memref<!tpu.dma_semaphore, #tpu.memory_space<semaphore_mem>>)
      %dma_start3A_250 = arith.constant 240 : i32
      %dma_start3A_251 = arith.constant 0 : i32
      %dma_start3A_252 = tpu.memref_slice %arg9[%dma_start3A_250, %dma_start3A_251] : memref<800x64xf32, #tpu.memory_space<vmem>> -> memref<80x64xf32, #tpu.memory_space<vmem>>
      %dma_start3A_253 = arith.constant 1040 : i32
      %dma_start3A_254 = tpu.memref_slice %arg6[%dma_start3A_253] : memref<1600xi32, #tpu.memory_space<vmem>> -> memref<80xi32, #tpu.memory_space<vmem>>
      %dma_start3A_255 = arith.constant 0 : i32
      %dma_start3A_256 = arith.constant 0 : i32
      %dma_start3A_257 = tpu.memref_slice %arg3[%dma_start3A_255, %dma_start3A_256] : memref<800000x64xf32, #tpu.memory_space<hbm>> -> memref<800000x64xf32, #tpu.memory_space<hbm>>
      tpu.enqueue_indirect_dma source(%dma_start3A_257 : memref<800000x64xf32, #tpu.memory_space<hbm>>) target(%dma_start3A_252 : memref<80x64xf32, #tpu.memory_space<vmem>>) offsets(%dma_start3A_254 : memref<80xi32, #tpu.memory_space<vmem>>) semaphore(%arg11 : memref<!tpu.dma_semaphore, #tpu.memory_space<semaphore_mem>>)
      %dma_start3A_258 = arith.constant 320 : i32
      %dma_start3A_259 = arith.constant 0 : i32
      %dma_start3A_260 = tpu.memref_slice %arg9[%dma_start3A_258, %dma_start3A_259] : memref<800x64xf32, #tpu.memory_space<vmem>> -> memref<80x64xf32, #tpu.memory_space<vmem>>
      %dma_start3A_261 = arith.constant 1120 : i32
      %dma_start3A_262 = tpu.memref_slice %arg6[%dma_start3A_261] : memref<1600xi32, #tpu.memory_space<vmem>> -> memref<80xi32, #tpu.memory_space<vmem>>
      %dma_start3A_263 = arith.constant 0 : i32
      %dma_start3A_264 = arith.constant 0 : i32
      %dma_start3A_265 = tpu.memref_slice %arg3[%dma_start3A_263, %dma_start3A_264] : memref<800000x64xf32, #tpu.memory_space<hbm>> -> memref<800000x64xf32, #tpu.memory_space<hbm>>
      tpu.enqueue_indirect_dma source(%dma_start3A_265 : memref<800000x64xf32, #tpu.memory_space<hbm>>) target(%dma_start3A_260 : memref<80x64xf32, #tpu.memory_space<vmem>>) offsets(%dma_start3A_262 : memref<80xi32, #tpu.memory_space<vmem>>) semaphore(%arg11 : memref<!tpu.dma_semaphore, #tpu.memory_space<semaphore_mem>>)
      %dma_start3A_266 = arith.constant 400 : i32
      %dma_start3A_267 = arith.constant 0 : i32
      %dma_start3A_268 = tpu.memref_slice %arg9[%dma_start3A_266, %dma_start3A_267] : memref<800x64xf32, #tpu.memory_space<vmem>> -> memref<80x64xf32, #tpu.memory_space<vmem>>
      %dma_start3A_269 = arith.constant 1200 : i32
      %dma_start3A_270 = tpu.memref_slice %arg6[%dma_start3A_269] : memref<1600xi32, #tpu.memory_space<vmem>> -> memref<80xi32, #tpu.memory_space<vmem>>
      %dma_start3A_271 = arith.constant 0 : i32
      %dma_start3A_272 = arith.constant 0 : i32
      %dma_start3A_273 = tpu.memref_slice %arg3[%dma_start3A_271, %dma_start3A_272] : memref<800000x64xf32, #tpu.memory_space<hbm>> -> memref<800000x64xf32, #tpu.memory_space<hbm>>
      tpu.enqueue_indirect_dma source(%dma_start3A_273 : memref<800000x64xf32, #tpu.memory_space<hbm>>) target(%dma_start3A_268 : memref<80x64xf32, #tpu.memory_space<vmem>>) offsets(%dma_start3A_270 : memref<80xi32, #tpu.memory_space<vmem>>) semaphore(%arg11 : memref<!tpu.dma_semaphore, #tpu.memory_space<semaphore_mem>>)
      %dma_start3A_274 = arith.constant 480 : i32
      %dma_start3A_275 = arith.constant 0 : i32
      %dma_start3A_276 = tpu.memref_slice %arg9[%dma_start3A_274, %dma_start3A_275] : memref<800x64xf32, #tpu.memory_space<vmem>> -> memref<80x64xf32, #tpu.memory_space<vmem>>
      %dma_start3A_277 = arith.constant 1280 : i32
      %dma_start3A_278 = tpu.memref_slice %arg6[%dma_start3A_277] : memref<1600xi32, #tpu.memory_space<vmem>> -> memref<80xi32, #tpu.memory_space<vmem>>
      %dma_start3A_279 = arith.constant 0 : i32
      %dma_start3A_280 = arith.constant 0 : i32
      %dma_start3A_281 = tpu.memref_slice %arg3[%dma_start3A_279, %dma_start3A_280] : memref<800000x64xf32, #tpu.memory_space<hbm>> -> memref<800000x64xf32, #tpu.memory_space<hbm>>
      tpu.enqueue_indirect_dma source(%dma_start3A_281 : memref<800000x64xf32, #tpu.memory_space<hbm>>) target(%dma_start3A_276 : memref<80x64xf32, #tpu.memory_space<vmem>>) offsets(%dma_start3A_278 : memref<80xi32, #tpu.memory_space<vmem>>) semaphore(%arg11 : memref<!tpu.dma_semaphore, #tpu.memory_space<semaphore_mem>>)
      %dma_start3A_282 = arith.constant 560 : i32
      %dma_start3A_283 = arith.constant 0 : i32
      %dma_start3A_284 = tpu.memref_slice %arg9[%dma_start3A_282, %dma_start3A_283] : memref<800x64xf32, #tpu.memory_space<vmem>> -> memref<80x64xf32, #tpu.memory_space<vmem>>
      %dma_start3A_285 = arith.constant 1360 : i32
      %dma_start3A_286 = tpu.memref_slice %arg6[%dma_start3A_285] : memref<1600xi32, #tpu.memory_space<vmem>> -> memref<80xi32, #tpu.memory_space<vmem>>
      %dma_start3A_287 = arith.constant 0 : i32
      %dma_start3A_288 = arith.constant 0 : i32
      %dma_start3A_289 = tpu.memref_slice %arg3[%dma_start3A_287, %dma_start3A_288] : memref<800000x64xf32, #tpu.memory_space<hbm>> -> memref<800000x64xf32, #tpu.memory_space<hbm>>
      tpu.enqueue_indirect_dma source(%dma_start3A_289 : memref<800000x64xf32, #tpu.memory_space<hbm>>) target(%dma_start3A_284 : memref<80x64xf32, #tpu.memory_space<vmem>>) offsets(%dma_start3A_286 : memref<80xi32, #tpu.memory_space<vmem>>) semaphore(%arg11 : memref<!tpu.dma_semaphore, #tpu.memory_space<semaphore_mem>>)
      %dma_start3A_290 = arith.constant 640 : i32
      %dma_start3A_291 = arith.constant 0 : i32
      %dma_start3A_292 = tpu.memref_slice %arg9[%dma_start3A_290, %dma_start3A_291] : memref<800x64xf32, #tpu.memory_space<vmem>> -> memref<80x64xf32, #tpu.memory_space<vmem>>
      %dma_start3A_293 = arith.constant 1440 : i32
      %dma_start3A_294 = tpu.memref_slice %arg6[%dma_start3A_293] : memref<1600xi32, #tpu.memory_space<vmem>> -> memref<80xi32, #tpu.memory_space<vmem>>
      %dma_start3A_295 = arith.constant 0 : i32
      %dma_start3A_296 = arith.constant 0 : i32
      %dma_start3A_297 = tpu.memref_slice %arg3[%dma_start3A_295, %dma_start3A_296] : memref<800000x64xf32, #tpu.memory_space<hbm>> -> memref<800000x64xf32, #tpu.memory_space<hbm>>
      tpu.enqueue_indirect_dma source(%dma_start3A_297 : memref<800000x64xf32, #tpu.memory_space<hbm>>) target(%dma_start3A_292 : memref<80x64xf32, #tpu.memory_space<vmem>>) offsets(%dma_start3A_294 : memref<80xi32, #tpu.memory_space<vmem>>) semaphore(%arg11 : memref<!tpu.dma_semaphore, #tpu.memory_space<semaphore_mem>>)
      %dma_start3A_298 = arith.constant 720 : i32
      %dma_start3A_299 = arith.constant 0 : i32
      %dma_start3A_300 = tpu.memref_slice %arg9[%dma_start3A_298, %dma_start3A_299] : memref<800x64xf32, #tpu.memory_space<vmem>> -> memref<80x64xf32, #tpu.memory_space<vmem>>
      %dma_start3A_301 = arith.constant 1520 : i32
      %dma_start3A_302 = tpu.memref_slice %arg6[%dma_start3A_301] : memref<1600xi32, #tpu.memory_space<vmem>> -> memref<80xi32, #tpu.memory_space<vmem>>
      %dma_start3A_303 = arith.constant 0 : i32
      %dma_start3A_304 = arith.constant 0 : i32
      %dma_start3A_305 = tpu.memref_slice %arg3[%dma_start3A_303, %dma_start3A_304] : memref<800000x64xf32, #tpu.memory_space<hbm>> -> memref<800000x64xf32, #tpu.memory_space<hbm>>
      tpu.enqueue_indirect_dma source(%dma_start3A_305 : memref<800000x64xf32, #tpu.memory_space<hbm>>) target(%dma_start3A_300 : memref<80x64xf32, #tpu.memory_space<vmem>>) offsets(%dma_start3A_302 : memref<80xi32, #tpu.memory_space<vmem>>) semaphore(%arg11 : memref<!tpu.dma_semaphore, #tpu.memory_space<semaphore_mem>>)
      %dma_wait3A_306 = arith.constant 0 : i32
      %dma_wait3A_307 = arith.constant 0 : i32
      %dma_wait3A_308 = tpu.memref_slice %arg8[%dma_wait3A_306, %dma_wait3A_307] : memref<800x64xf32, #tpu.memory_space<vmem>> -> memref<80x64xf32, #tpu.memory_space<vmem>>
      %dma_wait3A_309 = arith.constant 0 : i32
      %dma_wait3A_310 = tpu.memref_slice %arg6[%dma_wait3A_309] : memref<1600xi32, #tpu.memory_space<vmem>> -> memref<80xi32, #tpu.memory_space<vmem>>
      %dma_wait3A_311 = arith.constant 0 : i32
      %dma_wait3A_312 = arith.constant 0 : i32
      %dma_wait3A_313 = tpu.memref_slice %arg3[%dma_wait3A_311, %dma_wait3A_312] : memref<800000x64xf32, #tpu.memory_space<hbm>> -> memref<800000x64xf32, #tpu.memory_space<hbm>>
      tpu.wait_indirect_dma semaphore(%arg10 : memref<!tpu.dma_semaphore, #tpu.memory_space<semaphore_mem>>) src(%dma_wait3A_313 : memref<800000x64xf32, #tpu.memory_space<hbm>>) dst(%dma_wait3A_308 : memref<80x64xf32, #tpu.memory_space<vmem>>)
      %dma_wait3A_314 = arith.constant 80 : i32
      %dma_wait3A_315 = arith.constant 0 : i32
      %dma_wait3A_316 = tpu.memref_slice %arg8[%dma_wait3A_314, %dma_wait3A_315] : memref<800x64xf32, #tpu.memory_space<vmem>> -> memref<80x64xf32, #tpu.memory_space<vmem>>
      %dma_wait3A_317 = arith.constant 80 : i32
      %dma_wait3A_318 = tpu.memref_slice %arg6[%dma_wait3A_317] : memref<1600xi32, #tpu.memory_space<vmem>> -> memref<80xi32, #tpu.memory_space<vmem>>
      %dma_wait3A_319 = arith.constant 0 : i32
      %dma_wait3A_320 = arith.constant 0 : i32
      %dma_wait3A_321 = tpu.memref_slice %arg3[%dma_wait3A_319, %dma_wait3A_320] : memref<800000x64xf32, #tpu.memory_space<hbm>> -> memref<800000x64xf32, #tpu.memory_space<hbm>>
      tpu.wait_indirect_dma semaphore(%arg10 : memref<!tpu.dma_semaphore, #tpu.memory_space<semaphore_mem>>) src(%dma_wait3A_321 : memref<800000x64xf32, #tpu.memory_space<hbm>>) dst(%dma_wait3A_316 : memref<80x64xf32, #tpu.memory_space<vmem>>)
      %dma_wait3A_322 = arith.constant 160 : i32
      %dma_wait3A_323 = arith.constant 0 : i32
      %dma_wait3A_324 = tpu.memref_slice %arg8[%dma_wait3A_322, %dma_wait3A_323] : memref<800x64xf32, #tpu.memory_space<vmem>> -> memref<80x64xf32, #tpu.memory_space<vmem>>
      %dma_wait3A_325 = arith.constant 160 : i32
      %dma_wait3A_326 = tpu.memref_slice %arg6[%dma_wait3A_325] : memref<1600xi32, #tpu.memory_space<vmem>> -> memref<80xi32, #tpu.memory_space<vmem>>
      %dma_wait3A_327 = arith.constant 0 : i32
      %dma_wait3A_328 = arith.constant 0 : i32
      %dma_wait3A_329 = tpu.memref_slice %arg3[%dma_wait3A_327, %dma_wait3A_328] : memref<800000x64xf32, #tpu.memory_space<hbm>> -> memref<800000x64xf32, #tpu.memory_space<hbm>>
      tpu.wait_indirect_dma semaphore(%arg10 : memref<!tpu.dma_semaphore, #tpu.memory_space<semaphore_mem>>) src(%dma_wait3A_329 : memref<800000x64xf32, #tpu.memory_space<hbm>>) dst(%dma_wait3A_324 : memref<80x64xf32, #tpu.memory_space<vmem>>)
      %dma_wait3A_330 = arith.constant 240 : i32
      %dma_wait3A_331 = arith.constant 0 : i32
      %dma_wait3A_332 = tpu.memref_slice %arg8[%dma_wait3A_330, %dma_wait3A_331] : memref<800x64xf32, #tpu.memory_space<vmem>> -> memref<80x64xf32, #tpu.memory_space<vmem>>
      %dma_wait3A_333 = arith.constant 240 : i32
      %dma_wait3A_334 = tpu.memref_slice %arg6[%dma_wait3A_333] : memref<1600xi32, #tpu.memory_space<vmem>> -> memref<80xi32, #tpu.memory_space<vmem>>
      %dma_wait3A_335 = arith.constant 0 : i32
      %dma_wait3A_336 = arith.constant 0 : i32
      %dma_wait3A_337 = tpu.memref_slice %arg3[%dma_wait3A_335, %dma_wait3A_336] : memref<800000x64xf32, #tpu.memory_space<hbm>> -> memref<800000x64xf32, #tpu.memory_space<hbm>>
      tpu.wait_indirect_dma semaphore(%arg10 : memref<!tpu.dma_semaphore, #tpu.memory_space<semaphore_mem>>) src(%dma_wait3A_337 : memref<800000x64xf32, #tpu.memory_space<hbm>>) dst(%dma_wait3A_332 : memref<80x64xf32, #tpu.memory_space<vmem>>)
      %dma_wait3A_338 = arith.constant 320 : i32
      %dma_wait3A_339 = arith.constant 0 : i32
      %dma_wait3A_340 = tpu.memref_slice %arg8[%dma_wait3A_338, %dma_wait3A_339] : memref<800x64xf32, #tpu.memory_space<vmem>> -> memref<80x64xf32, #tpu.memory_space<vmem>>
      %dma_wait3A_341 = arith.constant 320 : i32
      %dma_wait3A_342 = tpu.memref_slice %arg6[%dma_wait3A_341] : memref<1600xi32, #tpu.memory_space<vmem>> -> memref<80xi32, #tpu.memory_space<vmem>>
      %dma_wait3A_343 = arith.constant 0 : i32
      %dma_wait3A_344 = arith.constant 0 : i32
      %dma_wait3A_345 = tpu.memref_slice %arg3[%dma_wait3A_343, %dma_wait3A_344] : memref<800000x64xf32, #tpu.memory_space<hbm>> -> memref<800000x64xf32, #tpu.memory_space<hbm>>
      tpu.wait_indirect_dma semaphore(%arg10 : memref<!tpu.dma_semaphore, #tpu.memory_space<semaphore_mem>>) src(%dma_wait3A_345 : memref<800000x64xf32, #tpu.memory_space<hbm>>) dst(%dma_wait3A_340 : memref<80x64xf32, #tpu.memory_space<vmem>>)
      %dma_wait3A_346 = arith.constant 400 : i32
      %dma_wait3A_347 = arith.constant 0 : i32
      %dma_wait3A_348 = tpu.memref_slice %arg8[%dma_wait3A_346, %dma_wait3A_347] : memref<800x64xf32, #tpu.memory_space<vmem>> -> memref<80x64xf32, #tpu.memory_space<vmem>>
      %dma_wait3A_349 = arith.constant 400 : i32
      %dma_wait3A_350 = tpu.memref_slice %arg6[%dma_wait3A_349] : memref<1600xi32, #tpu.memory_space<vmem>> -> memref<80xi32, #tpu.memory_space<vmem>>
      %dma_wait3A_351 = arith.constant 0 : i32
      %dma_wait3A_352 = arith.constant 0 : i32
      %dma_wait3A_353 = tpu.memref_slice %arg3[%dma_wait3A_351, %dma_wait3A_352] : memref<800000x64xf32, #tpu.memory_space<hbm>> -> memref<800000x64xf32, #tpu.memory_space<hbm>>
      tpu.wait_indirect_dma semaphore(%arg10 : memref<!tpu.dma_semaphore, #tpu.memory_space<semaphore_mem>>) src(%dma_wait3A_353 : memref<800000x64xf32, #tpu.memory_space<hbm>>) dst(%dma_wait3A_348 : memref<80x64xf32, #tpu.memory_space<vmem>>)
      %dma_wait3A_354 = arith.constant 480 : i32
      %dma_wait3A_355 = arith.constant 0 : i32
      %dma_wait3A_356 = tpu.memref_slice %arg8[%dma_wait3A_354, %dma_wait3A_355] : memref<800x64xf32, #tpu.memory_space<vmem>> -> memref<80x64xf32, #tpu.memory_space<vmem>>
      %dma_wait3A_357 = arith.constant 480 : i32
      %dma_wait3A_358 = tpu.memref_slice %arg6[%dma_wait3A_357] : memref<1600xi32, #tpu.memory_space<vmem>> -> memref<80xi32, #tpu.memory_space<vmem>>
      %dma_wait3A_359 = arith.constant 0 : i32
      %dma_wait3A_360 = arith.constant 0 : i32
      %dma_wait3A_361 = tpu.memref_slice %arg3[%dma_wait3A_359, %dma_wait3A_360] : memref<800000x64xf32, #tpu.memory_space<hbm>> -> memref<800000x64xf32, #tpu.memory_space<hbm>>
      tpu.wait_indirect_dma semaphore(%arg10 : memref<!tpu.dma_semaphore, #tpu.memory_space<semaphore_mem>>) src(%dma_wait3A_361 : memref<800000x64xf32, #tpu.memory_space<hbm>>) dst(%dma_wait3A_356 : memref<80x64xf32, #tpu.memory_space<vmem>>)
      %dma_wait3A_362 = arith.constant 560 : i32
      %dma_wait3A_363 = arith.constant 0 : i32
      %dma_wait3A_364 = tpu.memref_slice %arg8[%dma_wait3A_362, %dma_wait3A_363] : memref<800x64xf32, #tpu.memory_space<vmem>> -> memref<80x64xf32, #tpu.memory_space<vmem>>
      %dma_wait3A_365 = arith.constant 560 : i32
      %dma_wait3A_366 = tpu.memref_slice %arg6[%dma_wait3A_365] : memref<1600xi32, #tpu.memory_space<vmem>> -> memref<80xi32, #tpu.memory_space<vmem>>
      %dma_wait3A_367 = arith.constant 0 : i32
      %dma_wait3A_368 = arith.constant 0 : i32
      %dma_wait3A_369 = tpu.memref_slice %arg3[%dma_wait3A_367, %dma_wait3A_368] : memref<800000x64xf32, #tpu.memory_space<hbm>> -> memref<800000x64xf32, #tpu.memory_space<hbm>>
      tpu.wait_indirect_dma semaphore(%arg10 : memref<!tpu.dma_semaphore, #tpu.memory_space<semaphore_mem>>) src(%dma_wait3A_369 : memref<800000x64xf32, #tpu.memory_space<hbm>>) dst(%dma_wait3A_364 : memref<80x64xf32, #tpu.memory_space<vmem>>)
      %dma_wait3A_370 = arith.constant 640 : i32
      %dma_wait3A_371 = arith.constant 0 : i32
      %dma_wait3A_372 = tpu.memref_slice %arg8[%dma_wait3A_370, %dma_wait3A_371] : memref<800x64xf32, #tpu.memory_space<vmem>> -> memref<80x64xf32, #tpu.memory_space<vmem>>
      %dma_wait3A_373 = arith.constant 640 : i32
      %dma_wait3A_374 = tpu.memref_slice %arg6[%dma_wait3A_373] : memref<1600xi32, #tpu.memory_space<vmem>> -> memref<80xi32, #tpu.memory_space<vmem>>
      %dma_wait3A_375 = arith.constant 0 : i32
      %dma_wait3A_376 = arith.constant 0 : i32
      %dma_wait3A_377 = tpu.memref_slice %arg3[%dma_wait3A_375, %dma_wait3A_376] : memref<800000x64xf32, #tpu.memory_space<hbm>> -> memref<800000x64xf32, #tpu.memory_space<hbm>>
      tpu.wait_indirect_dma semaphore(%arg10 : memref<!tpu.dma_semaphore, #tpu.memory_space<semaphore_mem>>) src(%dma_wait3A_377 : memref<800000x64xf32, #tpu.memory_space<hbm>>) dst(%dma_wait3A_372 : memref<80x64xf32, #tpu.memory_space<vmem>>)
      %dma_wait3A_378 = arith.constant 720 : i32
      %dma_wait3A_379 = arith.constant 0 : i32
      %dma_wait3A_380 = tpu.memref_slice %arg8[%dma_wait3A_378, %dma_wait3A_379] : memref<800x64xf32, #tpu.memory_space<vmem>> -> memref<80x64xf32, #tpu.memory_space<vmem>>
      %dma_wait3A_381 = arith.constant 720 : i32
      %dma_wait3A_382 = tpu.memref_slice %arg6[%dma_wait3A_381] : memref<1600xi32, #tpu.memory_space<vmem>> -> memref<80xi32, #tpu.memory_space<vmem>>
      %dma_wait3A_383 = arith.constant 0 : i32
      %dma_wait3A_384 = arith.constant 0 : i32
      %dma_wait3A_385 = tpu.memref_slice %arg3[%dma_wait3A_383, %dma_wait3A_384] : memref<800000x64xf32, #tpu.memory_space<hbm>> -> memref<800000x64xf32, #tpu.memory_space<hbm>>
      tpu.wait_indirect_dma semaphore(%arg10 : memref<!tpu.dma_semaphore, #tpu.memory_space<semaphore_mem>>) src(%dma_wait3A_385 : memref<800000x64xf32, #tpu.memory_space<hbm>>) dst(%dma_wait3A_380 : memref<80x64xf32, #tpu.memory_space<vmem>>)
      %gt3A_386 = arith.constant 0 : i32
      %gt3A_387 = arith.cmpi sgt, %or3A_84, %gt3A_386 : i32
      %convert_element_type3A_388 = arith.extui %gt3A_387 : i1 to i32
      %cond3A_389 = arith.constant 0 : i32
      %cond3A_390 = arith.cmpi ne, %convert_element_type3A_388, %cond3A_389 : i32
      scf.if %cond3A_390 {
        %broadcast_in_dim3A_495 = arith.constant 0.000000e+00 : f32
        %broadcast_in_dim3A_496 = vector.broadcast %broadcast_in_dim3A_495 : f32 to vector<16xf32>
        %scan3A_497 = arith.constant 0 : i32
        %scan3A_498 = arith.constant 0 : i32
        %scan3A_499 = arith.constant 50 : i32
        %scan3A_500 = arith.addi %scan3A_498, %scan3A_499 : i32
        %scan3A_501 = arith.constant 1 : i32
        %scan3A_502 = scf.for %scan3A_504 = %scan3A_498 to %scan3A_500 step %scan3A_501 iter_args(%scan3A_505 = %scan3A_497) -> (i32)  : i32 {
          %mul3A_506 = arith.constant 16 : i32
          %mul3A_507 = arith.muli %scan3A_504, %mul3A_506 : i32
          %add3A_508 = arith.constant 0 : i32
          %add3A_509 = arith.addi %add3A_508, %mul3A_507 : i32
          %get3A = arith.index_cast %add3A_509 : i32 to index
          %get3A_510 = tpu.vector_load %arg6[%get3A] {strides = array<i32>} : memref<1600xi32, #tpu.memory_space<vmem>>, vector<16xi32>,
          %get3A_511 = vector.shape_cast %get3A_510 : vector<16xi32> to vector<16xi32>
          %slice3A_512 = vector.extract_strided_slice %get3A_511 {offsets = [0], sizes = [1], strides = [1]} : vector<16xi32> to vector<1xi32>
          %squeeze3A_513 = vector.extract %slice3A_512[0] : i32 from vector<1xi32>
          %eq3A = arith.cmpi eq, %squeeze3A_513, %mul3A_30 : i32
          %convert_element_type3A_514 = arith.extui %eq3A : i1 to i32
          %cond3A_515 = arith.constant 0 : i32
          %cond3A_516 = arith.cmpi ne, %convert_element_type3A_514, %cond3A_515 : i32
          scf.if %cond3A_516 {
            %mul3A_608 = arith.constant 16 : i32
            %mul3A_609 = arith.muli %scan3A_504, %mul3A_608 : i32
            %add3A_610 = arith.constant 0 : i32
            %add3A_611 = arith.addi %mul3A_609, %add3A_610 : i32
            %swap3A = arith.index_cast %add3A_611 : i32 to index
            %swap3A_612 = arith.constant 0 : index
            %swap3A_613 = tpu.vector_load %arg8[%swap3A, %swap3A_612] {strides = array<i32>} : memref<800x64xf32, #tpu.memory_space<vmem>>, vector<1x16xf32>,
            %swap3A_614 = vector.shape_cast %swap3A_613 : vector<1x16xf32> to vector<16xf32>
            %swap3A_615 = vector.shape_cast %broadcast_in_dim3A_496 : vector<16xf32> to vector<1x16xf32>
            tpu.vector_store %arg8[%swap3A, %swap3A_612], %swap3A_615 {strides = array<i32>} : memref<800x64xf32, #tpu.memory_space<vmem>>, vector<1x16xf32>,
            %mul3A_616 = arith.constant 16 : i32
            %mul3A_617 = arith.muli %scan3A_504, %mul3A_616 : i32
            %add3A_618 = arith.constant 0 : i32
            %add3A_619 = arith.addi %mul3A_617, %add3A_618 : i32
            %swap3A_620 = arith.index_cast %add3A_619 : i32 to index
            %swap3A_621 = arith.constant 16 : index
            %swap3A_622 = tpu.vector_load %arg8[%swap3A_620, %swap3A_621] {strides = array<i32>} : memref<800x64xf32, #tpu.memory_space<vmem>>, vector<1x16xf32>,
            %swap3A_623 = vector.shape_cast %swap3A_622 : vector<1x16xf32> to vector<16xf32>
            %swap3A_624 = vector.shape_cast %broadcast_in_dim3A_496 : vector<16xf32> to vector<1x16xf32>
            tpu.vector_store %arg8[%swap3A_620, %swap3A_621], %swap3A_624 {strides = array<i32>} : memref<800x64xf32, #tpu.memory_space<vmem>>, vector<1x16xf32>,
            %mul3A_625 = arith.constant 16 : i32
            %mul3A_626 = arith.muli %scan3A_504, %mul3A_625 : i32
            %add3A_627 = arith.constant 0 : i32
            %add3A_628 = arith.addi %mul3A_626, %add3A_627 : i32
            %swap3A_629 = arith.index_cast %add3A_628 : i32 to index
            %swap3A_630 = arith.constant 32 : index
            %swap3A_631 = tpu.vector_load %arg8[%swap3A_629, %swap3A_630] {strides = array<i32>} : memref<800x64xf32, #tpu.memory_space<vmem>>, vector<1x16xf32>,
            %swap3A_632 = vector.shape_cast %swap3A_631 : vector<1x16xf32> to vector<16xf32>
            %swap3A_633 = vector.shape_cast %broadcast_in_dim3A_496 : vector<16xf32> to vector<1x16xf32>
            tpu.vector_store %arg8[%swap3A_629, %swap3A_630], %swap3A_633 {strides = array<i32>} : memref<800x64xf32, #tpu.memory_space<vmem>>, vector<1x16xf32>,
            %mul3A_634 = arith.constant 16 : i32
            %mul3A_635 = arith.muli %scan3A_504, %mul3A_634 : i32
            %add3A_636 = arith.constant 0 : i32
            %add3A_637 = arith.addi %mul3A_635, %add3A_636 : i32
            %swap3A_638 = arith.index_cast %add3A_637 : i32 to index
            %swap3A_639 = arith.constant 48 : index
            %swap3A_640 = tpu.vector_load %arg8[%swap3A_638, %swap3A_639] {strides = array<i32>} : memref<800x64xf32, #tpu.memory_space<vmem>>, vector<1x16xf32>,
            %swap3A_641 = vector.shape_cast %swap3A_640 : vector<1x16xf32> to vector<16xf32>
            %swap3A_642 = vector.shape_cast %broadcast_in_dim3A_496 : vector<16xf32> to vector<1x16xf32>
            tpu.vector_store %arg8[%swap3A_638, %swap3A_639], %swap3A_642 {strides = array<i32>} : memref<800x64xf32, #tpu.memory_space<vmem>>, vector<1x16xf32>,
          } else {
          }
          %slice3A_517 = vector.extract_strided_slice %get3A_511 {offsets = [1], sizes = [1], strides = [1]} : vector<16xi32> to vector<1xi32>
          %squeeze3A_518 = vector.extract %slice3A_517[0] : i32 from vector<1xi32>
          %eq3A_519 = arith.cmpi eq, %squeeze3A_518, %mul3A_30 : i32
          %convert_element_type3A_520 = arith.extui %eq3A_519 : i1 to i32
          %cond3A_521 = arith.constant 0 : i32
          %cond3A_522 = arith.cmpi ne, %convert_element_type3A_520, %cond3A_521 : i32
          scf.if %cond3A_522 {
            %mul3A_608 = arith.constant 16 : i32
            %mul3A_609 = arith.muli %scan3A_504, %mul3A_608 : i32
            %add3A_610 = arith.constant 1 : i32
            %add3A_611 = arith.addi %mul3A_609, %add3A_610 : i32
            %swap3A = arith.index_cast %add3A_611 : i32 to index
            %swap3A_612 = arith.constant 0 : index
            %swap3A_613 = tpu.vector_load %arg8[%swap3A, %swap3A_612] {strides = array<i32>} : memref<800x64xf32, #tpu.memory_space<vmem>>, vector<1x16xf32>,
            %swap3A_614 = vector.shape_cast %swap3A_613 : vector<1x16xf32> to vector<16xf32>
            %swap3A_615 = vector.shape_cast %broadcast_in_dim3A_496 : vector<16xf32> to vector<1x16xf32>
            tpu.vector_store %arg8[%swap3A, %swap3A_612], %swap3A_615 {strides = array<i32>} : memref<800x64xf32, #tpu.memory_space<vmem>>, vector<1x16xf32>,
            %mul3A_616 = arith.constant 16 : i32
            %mul3A_617 = arith.muli %scan3A_504, %mul3A_616 : i32
            %add3A_618 = arith.constant 1 : i32
            %add3A_619 = arith.addi %mul3A_617, %add3A_618 : i32
            %swap3A_620 = arith.index_cast %add3A_619 : i32 to index
            %swap3A_621 = arith.constant 16 : index
            %swap3A_622 = tpu.vector_load %arg8[%swap3A_620, %swap3A_621] {strides = array<i32>} : memref<800x64xf32, #tpu.memory_space<vmem>>, vector<1x16xf32>,
            %swap3A_623 = vector.shape_cast %swap3A_622 : vector<1x16xf32> to vector<16xf32>
            %swap3A_624 = vector.shape_cast %broadcast_in_dim3A_496 : vector<16xf32> to vector<1x16xf32>
            tpu.vector_store %arg8[%swap3A_620, %swap3A_621], %swap3A_624 {strides = array<i32>} : memref<800x64xf32, #tpu.memory_space<vmem>>, vector<1x16xf32>,
            %mul3A_625 = arith.constant 16 : i32
            %mul3A_626 = arith.muli %scan3A_504, %mul3A_625 : i32
            %add3A_627 = arith.constant 1 : i32
            %add3A_628 = arith.addi %mul3A_626, %add3A_627 : i32
            %swap3A_629 = arith.index_cast %add3A_628 : i32 to index
            %swap3A_630 = arith.constant 32 : index
            %swap3A_631 = tpu.vector_load %arg8[%swap3A_629, %swap3A_630] {strides = array<i32>} : memref<800x64xf32, #tpu.memory_space<vmem>>, vector<1x16xf32>,
            %swap3A_632 = vector.shape_cast %swap3A_631 : vector<1x16xf32> to vector<16xf32>
            %swap3A_633 = vector.shape_cast %broadcast_in_dim3A_496 : vector<16xf32> to vector<1x16xf32>
            tpu.vector_store %arg8[%swap3A_629, %swap3A_630], %swap3A_633 {strides = array<i32>} : memref<800x64xf32, #tpu.memory_space<vmem>>, vector<1x16xf32>,
            %mul3A_634 = arith.constant 16 : i32
            %mul3A_635 = arith.muli %scan3A_504, %mul3A_634 : i32
            %add3A_636 = arith.constant 1 : i32
            %add3A_637 = arith.addi %mul3A_635, %add3A_636 : i32
            %swap3A_638 = arith.index_cast %add3A_637 : i32 to index
            %swap3A_639 = arith.constant 48 : index
            %swap3A_640 = tpu.vector_load %arg8[%swap3A_638, %swap3A_639] {strides = array<i32>} : memref<800x64xf32, #tpu.memory_space<vmem>>, vector<1x16xf32>,
            %swap3A_641 = vector.shape_cast %swap3A_640 : vector<1x16xf32> to vector<16xf32>
            %swap3A_642 = vector.shape_cast %broadcast_in_dim3A_496 : vector<16xf32> to vector<1x16xf32>
            tpu.vector_store %arg8[%swap3A_638, %swap3A_639], %swap3A_642 {strides = array<i32>} : memref<800x64xf32, #tpu.memory_space<vmem>>, vector<1x16xf32>,
          } else {
          }
          %slice3A_523 = vector.extract_strided_slice %get3A_511 {offsets = [2], sizes = [1], strides = [1]} : vector<16xi32> to vector<1xi32>
          %squeeze3A_524 = vector.extract %slice3A_523[0] : i32 from vector<1xi32>
          %eq3A_525 = arith.cmpi eq, %squeeze3A_524, %mul3A_30 : i32
          %convert_element_type3A_526 = arith.extui %eq3A_525 : i1 to i32
          %cond3A_527 = arith.constant 0 : i32
          %cond3A_528 = arith.cmpi ne, %convert_element_type3A_526, %cond3A_527 : i32
          scf.if %cond3A_528 {
            %mul3A_608 = arith.constant 16 : i32
            %mul3A_609 = arith.muli %scan3A_504, %mul3A_608 : i32
            %add3A_610 = arith.constant 2 : i32
            %add3A_611 = arith.addi %mul3A_609, %add3A_610 : i32
            %swap3A = arith.index_cast %add3A_611 : i32 to index
            %swap3A_612 = arith.constant 0 : index
            %swap3A_613 = tpu.vector_load %arg8[%swap3A, %swap3A_612] {strides = array<i32>} : memref<800x64xf32, #tpu.memory_space<vmem>>, vector<1x16xf32>,
            %swap3A_614 = vector.shape_cast %swap3A_613 : vector<1x16xf32> to vector<16xf32>
            %swap3A_615 = vector.shape_cast %broadcast_in_dim3A_496 : vector<16xf32> to vector<1x16xf32>
            tpu.vector_store %arg8[%swap3A, %swap3A_612], %swap3A_615 {strides = array<i32>} : memref<800x64xf32, #tpu.memory_space<vmem>>, vector<1x16xf32>,
            %mul3A_616 = arith.constant 16 : i32
            %mul3A_617 = arith.muli %scan3A_504, %mul3A_616 : i32
            %add3A_618 = arith.constant 2 : i32
            %add3A_619 = arith.addi %mul3A_617, %add3A_618 : i32
            %swap3A_620 = arith.index_cast %add3A_619 : i32 to index
            %swap3A_621 = arith.constant 16 : index
            %swap3A_622 = tpu.vector_load %arg8[%swap3A_620, %swap3A_621] {strides = array<i32>} : memref<800x64xf32, #tpu.memory_space<vmem>>, vector<1x16xf32>,
            %swap3A_623 = vector.shape_cast %swap3A_622 : vector<1x16xf32> to vector<16xf32>
            %swap3A_624 = vector.shape_cast %broadcast_in_dim3A_496 : vector<16xf32> to vector<1x16xf32>
            tpu.vector_store %arg8[%swap3A_620, %swap3A_621], %swap3A_624 {strides = array<i32>} : memref<800x64xf32, #tpu.memory_space<vmem>>, vector<1x16xf32>,
            %mul3A_625 = arith.constant 16 : i32
            %mul3A_626 = arith.muli %scan3A_504, %mul3A_625 : i32
            %add3A_627 = arith.constant 2 : i32
            %add3A_628 = arith.addi %mul3A_626, %add3A_627 : i32
            %swap3A_629 = arith.index_cast %add3A_628 : i32 to index
            %swap3A_630 = arith.constant 32 : index
            %swap3A_631 = tpu.vector_load %arg8[%swap3A_629, %swap3A_630] {strides = array<i32>} : memref<800x64xf32, #tpu.memory_space<vmem>>, vector<1x16xf32>,
            %swap3A_632 = vector.shape_cast %swap3A_631 : vector<1x16xf32> to vector<16xf32>
            %swap3A_633 = vector.shape_cast %broadcast_in_dim3A_496 : vector<16xf32> to vector<1x16xf32>
            tpu.vector_store %arg8[%swap3A_629, %swap3A_630], %swap3A_633 {strides = array<i32>} : memref<800x64xf32, #tpu.memory_space<vmem>>, vector<1x16xf32>,
            %mul3A_634 = arith.constant 16 : i32
            %mul3A_635 = arith.muli %scan3A_504, %mul3A_634 : i32
            %add3A_636 = arith.constant 2 : i32
            %add3A_637 = arith.addi %mul3A_635, %add3A_636 : i32
            %swap3A_638 = arith.index_cast %add3A_637 : i32 to index
            %swap3A_639 = arith.constant 48 : index
            %swap3A_640 = tpu.vector_load %arg8[%swap3A_638, %swap3A_639] {strides = array<i32>} : memref<800x64xf32, #tpu.memory_space<vmem>>, vector<1x16xf32>,
            %swap3A_641 = vector.shape_cast %swap3A_640 : vector<1x16xf32> to vector<16xf32>
            %swap3A_642 = vector.shape_cast %broadcast_in_dim3A_496 : vector<16xf32> to vector<1x16xf32>
            tpu.vector_store %arg8[%swap3A_638, %swap3A_639], %swap3A_642 {strides = array<i32>} : memref<800x64xf32, #tpu.memory_space<vmem>>, vector<1x16xf32>,
          } else {
          }
          %slice3A_529 = vector.extract_strided_slice %get3A_511 {offsets = [3], sizes = [1], strides = [1]} : vector<16xi32> to vector<1xi32>
          %squeeze3A_530 = vector.extract %slice3A_529[0] : i32 from vector<1xi32>
          %eq3A_531 = arith.cmpi eq, %squeeze3A_530, %mul3A_30 : i32
          %convert_element_type3A_532 = arith.extui %eq3A_531 : i1 to i32
          %cond3A_533 = arith.constant 0 : i32
          %cond3A_534 = arith.cmpi ne, %convert_element_type3A_532, %cond3A_533 : i32
          scf.if %cond3A_534 {
            %mul3A_608 = arith.constant 16 : i32
            %mul3A_609 = arith.muli %scan3A_504, %mul3A_608 : i32
            %add3A_610 = arith.constant 3 : i32
            %add3A_611 = arith.addi %mul3A_609, %add3A_610 : i32
            %swap3A = arith.index_cast %add3A_611 : i32 to index
            %swap3A_612 = arith.constant 0 : index
            %swap3A_613 = tpu.vector_load %arg8[%swap3A, %swap3A_612] {strides = array<i32>} : memref<800x64xf32, #tpu.memory_space<vmem>>, vector<1x16xf32>,
            %swap3A_614 = vector.shape_cast %swap3A_613 : vector<1x16xf32> to vector<16xf32>
            %swap3A_615 = vector.shape_cast %broadcast_in_dim3A_496 : vector<16xf32> to vector<1x16xf32>
            tpu.vector_store %arg8[%swap3A, %swap3A_612], %swap3A_615 {strides = array<i32>} : memref<800x64xf32, #tpu.memory_space<vmem>>, vector<1x16xf32>,
            %mul3A_616 = arith.constant 16 : i32
            %mul3A_617 = arith.muli %scan3A_504, %mul3A_616 : i32
            %add3A_618 = arith.constant 3 : i32
            %add3A_619 = arith.addi %mul3A_617, %add3A_618 : i32
            %swap3A_620 = arith.index_cast %add3A_619 : i32 to index
            %swap3A_621 = arith.constant 16 : index
            %swap3A_622 = tpu.vector_load %arg8[%swap3A_620, %swap3A_621] {strides = array<i32>} : memref<800x64xf32, #tpu.memory_space<vmem>>, vector<1x16xf32>,
            %swap3A_623 = vector.shape_cast %swap3A_622 : vector<1x16xf32> to vector<16xf32>
            %swap3A_624 = vector.shape_cast %broadcast_in_dim3A_496 : vector<16xf32> to vector<1x16xf32>
            tpu.vector_store %arg8[%swap3A_620, %swap3A_621], %swap3A_624 {strides = array<i32>} : memref<800x64xf32, #tpu.memory_space<vmem>>, vector<1x16xf32>,
            %mul3A_625 = arith.constant 16 : i32
            %mul3A_626 = arith.muli %scan3A_504, %mul3A_625 : i32
            %add3A_627 = arith.constant 3 : i32
            %add3A_628 = arith.addi %mul3A_626, %add3A_627 : i32
            %swap3A_629 = arith.index_cast %add3A_628 : i32 to index
            %swap3A_630 = arith.constant 32 : index
            %swap3A_631 = tpu.vector_load %arg8[%swap3A_629, %swap3A_630] {strides = array<i32>} : memref<800x64xf32, #tpu.memory_space<vmem>>, vector<1x16xf32>,
            %swap3A_632 = vector.shape_cast %swap3A_631 : vector<1x16xf32> to vector<16xf32>
            %swap3A_633 = vector.shape_cast %broadcast_in_dim3A_496 : vector<16xf32> to vector<1x16xf32>
            tpu.vector_store %arg8[%swap3A_629, %swap3A_630], %swap3A_633 {strides = array<i32>} : memref<800x64xf32, #tpu.memory_space<vmem>>, vector<1x16xf32>,
            %mul3A_634 = arith.constant 16 : i32
            %mul3A_635 = arith.muli %scan3A_504, %mul3A_634 : i32
            %add3A_636 = arith.constant 3 : i32
            %add3A_637 = arith.addi %mul3A_635, %add3A_636 : i32
            %swap3A_638 = arith.index_cast %add3A_637 : i32 to index
            %swap3A_639 = arith.constant 48 : index
            %swap3A_640 = tpu.vector_load %arg8[%swap3A_638, %swap3A_639] {strides = array<i32>} : memref<800x64xf32, #tpu.memory_space<vmem>>, vector<1x16xf32>,
            %swap3A_641 = vector.shape_cast %swap3A_640 : vector<1x16xf32> to vector<16xf32>
            %swap3A_642 = vector.shape_cast %broadcast_in_dim3A_496 : vector<16xf32> to vector<1x16xf32>
            tpu.vector_store %arg8[%swap3A_638, %swap3A_639], %swap3A_642 {strides = array<i32>} : memref<800x64xf32, #tpu.memory_space<vmem>>, vector<1x16xf32>,
          } else {
          }
          %slice3A_535 = vector.extract_strided_slice %get3A_511 {offsets = [4], sizes = [1], strides = [1]} : vector<16xi32> to vector<1xi32>
          %squeeze3A_536 = vector.extract %slice3A_535[0] : i32 from vector<1xi32>
          %eq3A_537 = arith.cmpi eq, %squeeze3A_536, %mul3A_30 : i32
          %convert_element_type3A_538 = arith.extui %eq3A_537 : i1 to i32
          %cond3A_539 = arith.constant 0 : i32
          %cond3A_540 = arith.cmpi ne, %convert_element_type3A_538, %cond3A_539 : i32
          scf.if %cond3A_540 {
            %mul3A_608 = arith.constant 16 : i32
            %mul3A_609 = arith.muli %scan3A_504, %mul3A_608 : i32
            %add3A_610 = arith.constant 4 : i32
            %add3A_611 = arith.addi %mul3A_609, %add3A_610 : i32
            %swap3A = arith.index_cast %add3A_611 : i32 to index
            %swap3A_612 = arith.constant 0 : index
            %swap3A_613 = tpu.vector_load %arg8[%swap3A, %swap3A_612] {strides = array<i32>} : memref<800x64xf32, #tpu.memory_space<vmem>>, vector<1x16xf32>,
            %swap3A_614 = vector.shape_cast %swap3A_613 : vector<1x16xf32> to vector<16xf32>
            %swap3A_615 = vector.shape_cast %broadcast_in_dim3A_496 : vector<16xf32> to vector<1x16xf32>
            tpu.vector_store %arg8[%swap3A, %swap3A_612], %swap3A_615 {strides = array<i32>} : memref<800x64xf32, #tpu.memory_space<vmem>>, vector<1x16xf32>,
            %mul3A_616 = arith.constant 16 : i32
            %mul3A_617 = arith.muli %scan3A_504, %mul3A_616 : i32
            %add3A_618 = arith.constant 4 : i32
            %add3A_619 = arith.addi %mul3A_617, %add3A_618 : i32
            %swap3A_620 = arith.index_cast %add3A_619 : i32 to index
            %swap3A_621 = arith.constant 16 : index
            %swap3A_622 = tpu.vector_load %arg8[%swap3A_620, %swap3A_621] {strides = array<i32>} : memref<800x64xf32, #tpu.memory_space<vmem>>, vector<1x16xf32>,
            %swap3A_623 = vector.shape_cast %swap3A_622 : vector<1x16xf32> to vector<16xf32>
            %swap3A_624 = vector.shape_cast %broadcast_in_dim3A_496 : vector<16xf32> to vector<1x16xf32>
            tpu.vector_store %arg8[%swap3A_620, %swap3A_621], %swap3A_624 {strides = array<i32>} : memref<800x64xf32, #tpu.memory_space<vmem>>, vector<1x16xf32>,
            %mul3A_625 = arith.constant 16 : i32
            %mul3A_626 = arith.muli %scan3A_504, %mul3A_625 : i32
            %add3A_627 = arith.constant 4 : i32
            %add3A_628 = arith.addi %mul3A_626, %add3A_627 : i32
            %swap3A_629 = arith.index_cast %add3A_628 : i32 to index
            %swap3A_630 = arith.constant 32 : index
            %swap3A_631 = tpu.vector_load %arg8[%swap3A_629, %swap3A_630] {strides = array<i32>} : memref<800x64xf32, #tpu.memory_space<vmem>>, vector<1x16xf32>,
            %swap3A_632 = vector.shape_cast %swap3A_631 : vector<1x16xf32> to vector<16xf32>
            %swap3A_633 = vector.shape_cast %broadcast_in_dim3A_496 : vector<16xf32> to vector<1x16xf32>
            tpu.vector_store %arg8[%swap3A_629, %swap3A_630], %swap3A_633 {strides = array<i32>} : memref<800x64xf32, #tpu.memory_space<vmem>>, vector<1x16xf32>,
            %mul3A_634 = arith.constant 16 : i32
            %mul3A_635 = arith.muli %scan3A_504, %mul3A_634 : i32
            %add3A_636 = arith.constant 4 : i32
            %add3A_637 = arith.addi %mul3A_635, %add3A_636 : i32
            %swap3A_638 = arith.index_cast %add3A_637 : i32 to index
            %swap3A_639 = arith.constant 48 : index
            %swap3A_640 = tpu.vector_load %arg8[%swap3A_638, %swap3A_639] {strides = array<i32>} : memref<800x64xf32, #tpu.memory_space<vmem>>, vector<1x16xf32>,
            %swap3A_641 = vector.shape_cast %swap3A_640 : vector<1x16xf32> to vector<16xf32>
            %swap3A_642 = vector.shape_cast %broadcast_in_dim3A_496 : vector<16xf32> to vector<1x16xf32>
            tpu.vector_store %arg8[%swap3A_638, %swap3A_639], %swap3A_642 {strides = array<i32>} : memref<800x64xf32, #tpu.memory_space<vmem>>, vector<1x16xf32>,
          } else {
          }
          %slice3A_541 = vector.extract_strided_slice %get3A_511 {offsets = [5], sizes = [1], strides = [1]} : vector<16xi32> to vector<1xi32>
          %squeeze3A_542 = vector.extract %slice3A_541[0] : i32 from vector<1xi32>
          %eq3A_543 = arith.cmpi eq, %squeeze3A_542, %mul3A_30 : i32
          %convert_element_type3A_544 = arith.extui %eq3A_543 : i1 to i32
          %cond3A_545 = arith.constant 0 : i32
          %cond3A_546 = arith.cmpi ne, %convert_element_type3A_544, %cond3A_545 : i32
          scf.if %cond3A_546 {
            %mul3A_608 = arith.constant 16 : i32
            %mul3A_609 = arith.muli %scan3A_504, %mul3A_608 : i32
            %add3A_610 = arith.constant 5 : i32
            %add3A_611 = arith.addi %mul3A_609, %add3A_610 : i32
            %swap3A = arith.index_cast %add3A_611 : i32 to index
            %swap3A_612 = arith.constant 0 : index
            %swap3A_613 = tpu.vector_load %arg8[%swap3A, %swap3A_612] {strides = array<i32>} : memref<800x64xf32, #tpu.memory_space<vmem>>, vector<1x16xf32>,
            %swap3A_614 = vector.shape_cast %swap3A_613 : vector<1x16xf32> to vector<16xf32>
            %swap3A_615 = vector.shape_cast %broadcast_in_dim3A_496 : vector<16xf32> to vector<1x16xf32>
            tpu.vector_store %arg8[%swap3A, %swap3A_612], %swap3A_615 {strides = array<i32>} : memref<800x64xf32, #tpu.memory_space<vmem>>, vector<1x16xf32>,
            %mul3A_616 = arith.constant 16 : i32
            %mul3A_617 = arith.muli %scan3A_504, %mul3A_616 : i32
            %add3A_618 = arith.constant 5 : i32
            %add3A_619 = arith.addi %mul3A_617, %add3A_618 : i32
            %swap3A_620 = arith.index_cast %add3A_619 : i32 to index
            %swap3A_621 = arith.constant 16 : index
            %swap3A_622 = tpu.vector_load %arg8[%swap3A_620, %swap3A_621] {strides = array<i32>} : memref<800x64xf32, #tpu.memory_space<vmem>>, vector<1x16xf32>,
            %swap3A_623 = vector.shape_cast %swap3A_622 : vector<1x16xf32> to vector<16xf32>
            %swap3A_624 = vector.shape_cast %broadcast_in_dim3A_496 : vector<16xf32> to vector<1x16xf32>
            tpu.vector_store %arg8[%swap3A_620, %swap3A_621], %swap3A_624 {strides = array<i32>} : memref<800x64xf32, #tpu.memory_space<vmem>>, vector<1x16xf32>,
            %mul3A_625 = arith.constant 16 : i32
            %mul3A_626 = arith.muli %scan3A_504, %mul3A_625 : i32
            %add3A_627 = arith.constant 5 : i32
            %add3A_628 = arith.addi %mul3A_626, %add3A_627 : i32
            %swap3A_629 = arith.index_cast %add3A_628 : i32 to index
            %swap3A_630 = arith.constant 32 : index
            %swap3A_631 = tpu.vector_load %arg8[%swap3A_629, %swap3A_630] {strides = array<i32>} : memref<800x64xf32, #tpu.memory_space<vmem>>, vector<1x16xf32>,
            %swap3A_632 = vector.shape_cast %swap3A_631 : vector<1x16xf32> to vector<16xf32>
            %swap3A_633 = vector.shape_cast %broadcast_in_dim3A_496 : vector<16xf32> to vector<1x16xf32>
            tpu.vector_store %arg8[%swap3A_629, %swap3A_630], %swap3A_633 {strides = array<i32>} : memref<800x64xf32, #tpu.memory_space<vmem>>, vector<1x16xf32>,
            %mul3A_634 = arith.constant 16 : i32
            %mul3A_635 = arith.muli %scan3A_504, %mul3A_634 : i32
            %add3A_636 = arith.constant 5 : i32
            %add3A_637 = arith.addi %mul3A_635, %add3A_636 : i32
            %swap3A_638 = arith.index_cast %add3A_637 : i32 to index
            %swap3A_639 = arith.constant 48 : index
            %swap3A_640 = tpu.vector_load %arg8[%swap3A_638, %swap3A_639] {strides = array<i32>} : memref<800x64xf32, #tpu.memory_space<vmem>>, vector<1x16xf32>,
            %swap3A_641 = vector.shape_cast %swap3A_640 : vector<1x16xf32> to vector<16xf32>
            %swap3A_642 = vector.shape_cast %broadcast_in_dim3A_496 : vector<16xf32> to vector<1x16xf32>
            tpu.vector_store %arg8[%swap3A_638, %swap3A_639], %swap3A_642 {strides = array<i32>} : memref<800x64xf32, #tpu.memory_space<vmem>>, vector<1x16xf32>,
          } else {
          }
          %slice3A_547 = vector.extract_strided_slice %get3A_511 {offsets = [6], sizes = [1], strides = [1]} : vector<16xi32> to vector<1xi32>
          %squeeze3A_548 = vector.extract %slice3A_547[0] : i32 from vector<1xi32>
          %eq3A_549 = arith.cmpi eq, %squeeze3A_548, %mul3A_30 : i32
          %convert_element_type3A_550 = arith.extui %eq3A_549 : i1 to i32
          %cond3A_551 = arith.constant 0 : i32
          %cond3A_552 = arith.cmpi ne, %convert_element_type3A_550, %cond3A_551 : i32
          scf.if %cond3A_552 {
            %mul3A_608 = arith.constant 16 : i32
            %mul3A_609 = arith.muli %scan3A_504, %mul3A_608 : i32
            %add3A_610 = arith.constant 6 : i32
            %add3A_611 = arith.addi %mul3A_609, %add3A_610 : i32
            %swap3A = arith.index_cast %add3A_611 : i32 to index
            %swap3A_612 = arith.constant 0 : index
            %swap3A_613 = tpu.vector_load %arg8[%swap3A, %swap3A_612] {strides = array<i32>} : memref<800x64xf32, #tpu.memory_space<vmem>>, vector<1x16xf32>,
            %swap3A_614 = vector.shape_cast %swap3A_613 : vector<1x16xf32> to vector<16xf32>
            %swap3A_615 = vector.shape_cast %broadcast_in_dim3A_496 : vector<16xf32> to vector<1x16xf32>
            tpu.vector_store %arg8[%swap3A, %swap3A_612], %swap3A_615 {strides = array<i32>} : memref<800x64xf32, #tpu.memory_space<vmem>>, vector<1x16xf32>,
            %mul3A_616 = arith.constant 16 : i32
            %mul3A_617 = arith.muli %scan3A_504, %mul3A_616 : i32
            %add3A_618 = arith.constant 6 : i32
            %add3A_619 = arith.addi %mul3A_617, %add3A_618 : i32
            %swap3A_620 = arith.index_cast %add3A_619 : i32 to index
            %swap3A_621 = arith.constant 16 : index
            %swap3A_622 = tpu.vector_load %arg8[%swap3A_620, %swap3A_621] {strides = array<i32>} : memref<800x64xf32, #tpu.memory_space<vmem>>, vector<1x16xf32>,
            %swap3A_623 = vector.shape_cast %swap3A_622 : vector<1x16xf32> to vector<16xf32>
            %swap3A_624 = vector.shape_cast %broadcast_in_dim3A_496 : vector<16xf32> to vector<1x16xf32>
            tpu.vector_store %arg8[%swap3A_620, %swap3A_621], %swap3A_624 {strides = array<i32>} : memref<800x64xf32, #tpu.memory_space<vmem>>, vector<1x16xf32>,
            %mul3A_625 = arith.constant 16 : i32
            %mul3A_626 = arith.muli %scan3A_504, %mul3A_625 : i32
            %add3A_627 = arith.constant 6 : i32
            %add3A_628 = arith.addi %mul3A_626, %add3A_627 : i32
            %swap3A_629 = arith.index_cast %add3A_628 : i32 to index
            %swap3A_630 = arith.constant 32 : index
            %swap3A_631 = tpu.vector_load %arg8[%swap3A_629, %swap3A_630] {strides = array<i32>} : memref<800x64xf32, #tpu.memory_space<vmem>>, vector<1x16xf32>,
            %swap3A_632 = vector.shape_cast %swap3A_631 : vector<1x16xf32> to vector<16xf32>
            %swap3A_633 = vector.shape_cast %broadcast_in_dim3A_496 : vector<16xf32> to vector<1x16xf32>
            tpu.vector_store %arg8[%swap3A_629, %swap3A_630], %swap3A_633 {strides = array<i32>} : memref<800x64xf32, #tpu.memory_space<vmem>>, vector<1x16xf32>,
            %mul3A_634 = arith.constant 16 : i32
            %mul3A_635 = arith.muli %scan3A_504, %mul3A_634 : i32
            %add3A_636 = arith.constant 6 : i32
            %add3A_637 = arith.addi %mul3A_635, %add3A_636 : i32
            %swap3A_638 = arith.index_cast %add3A_637 : i32 to index
            %swap3A_639 = arith.constant 48 : index
            %swap3A_640 = tpu.vector_load %arg8[%swap3A_638, %swap3A_639] {strides = array<i32>} : memref<800x64xf32, #tpu.memory_space<vmem>>, vector<1x16xf32>,
            %swap3A_641 = vector.shape_cast %swap3A_640 : vector<1x16xf32> to vector<16xf32>
            %swap3A_642 = vector.shape_cast %broadcast_in_dim3A_496 : vector<16xf32> to vector<1x16xf32>
            tpu.vector_store %arg8[%swap3A_638, %swap3A_639], %swap3A_642 {strides = array<i32>} : memref<800x64xf32, #tpu.memory_space<vmem>>, vector<1x16xf32>,
          } else {
          }
          %slice3A_553 = vector.extract_strided_slice %get3A_511 {offsets = [7], sizes = [1], strides = [1]} : vector<16xi32> to vector<1xi32>
          %squeeze3A_554 = vector.extract %slice3A_553[0] : i32 from vector<1xi32>
          %eq3A_555 = arith.cmpi eq, %squeeze3A_554, %mul3A_30 : i32
          %convert_element_type3A_556 = arith.extui %eq3A_555 : i1 to i32
          %cond3A_557 = arith.constant 0 : i32
          %cond3A_558 = arith.cmpi ne, %convert_element_type3A_556, %cond3A_557 : i32
          scf.if %cond3A_558 {
            %mul3A_608 = arith.constant 16 : i32
            %mul3A_609 = arith.muli %scan3A_504, %mul3A_608 : i32
            %add3A_610 = arith.constant 7 : i32
            %add3A_611 = arith.addi %mul3A_609, %add3A_610 : i32
            %swap3A = arith.index_cast %add3A_611 : i32 to index
            %swap3A_612 = arith.constant 0 : index
            %swap3A_613 = tpu.vector_load %arg8[%swap3A, %swap3A_612] {strides = array<i32>} : memref<800x64xf32, #tpu.memory_space<vmem>>, vector<1x16xf32>,
            %swap3A_614 = vector.shape_cast %swap3A_613 : vector<1x16xf32> to vector<16xf32>
            %swap3A_615 = vector.shape_cast %broadcast_in_dim3A_496 : vector<16xf32> to vector<1x16xf32>
            tpu.vector_store %arg8[%swap3A, %swap3A_612], %swap3A_615 {strides = array<i32>} : memref<800x64xf32, #tpu.memory_space<vmem>>, vector<1x16xf32>,
            %mul3A_616 = arith.constant 16 : i32
            %mul3A_617 = arith.muli %scan3A_504, %mul3A_616 : i32
            %add3A_618 = arith.constant 7 : i32
            %add3A_619 = arith.addi %mul3A_617, %add3A_618 : i32
            %swap3A_620 = arith.index_cast %add3A_619 : i32 to index
            %swap3A_621 = arith.constant 16 : index
            %swap3A_622 = tpu.vector_load %arg8[%swap3A_620, %swap3A_621] {strides = array<i32>} : memref<800x64xf32, #tpu.memory_space<vmem>>, vector<1x16xf32>,
            %swap3A_623 = vector.shape_cast %swap3A_622 : vector<1x16xf32> to vector<16xf32>
            %swap3A_624 = vector.shape_cast %broadcast_in_dim3A_496 : vector<16xf32> to vector<1x16xf32>
            tpu.vector_store %arg8[%swap3A_620, %swap3A_621], %swap3A_624 {strides = array<i32>} : memref<800x64xf32, #tpu.memory_space<vmem>>, vector<1x16xf32>,
            %mul3A_625 = arith.constant 16 : i32
            %mul3A_626 = arith.muli %scan3A_504, %mul3A_625 : i32
            %add3A_627 = arith.constant 7 : i32
            %add3A_628 = arith.addi %mul3A_626, %add3A_627 : i32
            %swap3A_629 = arith.index_cast %add3A_628 : i32 to index
            %swap3A_630 = arith.constant 32 : index
            %swap3A_631 = tpu.vector_load %arg8[%swap3A_629, %swap3A_630] {strides = array<i32>} : memref<800x64xf32, #tpu.memory_space<vmem>>, vector<1x16xf32>,
            %swap3A_632 = vector.shape_cast %swap3A_631 : vector<1x16xf32> to vector<16xf32>
            %swap3A_633 = vector.shape_cast %broadcast_in_dim3A_496 : vector<16xf32> to vector<1x16xf32>
            tpu.vector_store %arg8[%swap3A_629, %swap3A_630], %swap3A_633 {strides = array<i32>} : memref<800x64xf32, #tpu.memory_space<vmem>>, vector<1x16xf32>,
            %mul3A_634 = arith.constant 16 : i32
            %mul3A_635 = arith.muli %scan3A_504, %mul3A_634 : i32
            %add3A_636 = arith.constant 7 : i32
            %add3A_637 = arith.addi %mul3A_635, %add3A_636 : i32
            %swap3A_638 = arith.index_cast %add3A_637 : i32 to index
            %swap3A_639 = arith.constant 48 : index
            %swap3A_640 = tpu.vector_load %arg8[%swap3A_638, %swap3A_639] {strides = array<i32>} : memref<800x64xf32, #tpu.memory_space<vmem>>, vector<1x16xf32>,
            %swap3A_641 = vector.shape_cast %swap3A_640 : vector<1x16xf32> to vector<16xf32>
            %swap3A_642 = vector.shape_cast %broadcast_in_dim3A_496 : vector<16xf32> to vector<1x16xf32>
            tpu.vector_store %arg8[%swap3A_638, %swap3A_639], %swap3A_642 {strides = array<i32>} : memref<800x64xf32, #tpu.memory_space<vmem>>, vector<1x16xf32>,
          } else {
          }
          %slice3A_559 = vector.extract_strided_slice %get3A_511 {offsets = [8], sizes = [1], strides = [1]} : vector<16xi32> to vector<1xi32>
          %squeeze3A_560 = vector.extract %slice3A_559[0] : i32 from vector<1xi32>
          %eq3A_561 = arith.cmpi eq, %squeeze3A_560, %mul3A_30 : i32
          %convert_element_type3A_562 = arith.extui %eq3A_561 : i1 to i32
          %cond3A_563 = arith.constant 0 : i32
          %cond3A_564 = arith.cmpi ne, %convert_element_type3A_562, %cond3A_563 : i32
          scf.if %cond3A_564 {
            %mul3A_608 = arith.constant 16 : i32
            %mul3A_609 = arith.muli %scan3A_504, %mul3A_608 : i32
            %add3A_610 = arith.constant 8 : i32
            %add3A_611 = arith.addi %mul3A_609, %add3A_610 : i32
            %swap3A = arith.index_cast %add3A_611 : i32 to index
            %swap3A_612 = arith.constant 0 : index
            %swap3A_613 = tpu.vector_load %arg8[%swap3A, %swap3A_612] {strides = array<i32>} : memref<800x64xf32, #tpu.memory_space<vmem>>, vector<1x16xf32>,
            %swap3A_614 = vector.shape_cast %swap3A_613 : vector<1x16xf32> to vector<16xf32>
            %swap3A_615 = vector.shape_cast %broadcast_in_dim3A_496 : vector<16xf32> to vector<1x16xf32>
            tpu.vector_store %arg8[%swap3A, %swap3A_612], %swap3A_615 {strides = array<i32>} : memref<800x64xf32, #tpu.memory_space<vmem>>, vector<1x16xf32>,
            %mul3A_616 = arith.constant 16 : i32
            %mul3A_617 = arith.muli %scan3A_504, %mul3A_616 : i32
            %add3A_618 = arith.constant 8 : i32
            %add3A_619 = arith.addi %mul3A_617, %add3A_618 : i32
            %swap3A_620 = arith.index_cast %add3A_619 : i32 to index
            %swap3A_621 = arith.constant 16 : index
            %swap3A_622 = tpu.vector_load %arg8[%swap3A_620, %swap3A_621] {strides = array<i32>} : memref<800x64xf32, #tpu.memory_space<vmem>>, vector<1x16xf32>,
            %swap3A_623 = vector.shape_cast %swap3A_622 : vector<1x16xf32> to vector<16xf32>
            %swap3A_624 = vector.shape_cast %broadcast_in_dim3A_496 : vector<16xf32> to vector<1x16xf32>
            tpu.vector_store %arg8[%swap3A_620, %swap3A_621], %swap3A_624 {strides = array<i32>} : memref<800x64xf32, #tpu.memory_space<vmem>>, vector<1x16xf32>,
            %mul3A_625 = arith.constant 16 : i32
            %mul3A_626 = arith.muli %scan3A_504, %mul3A_625 : i32
            %add3A_627 = arith.constant 8 : i32
            %add3A_628 = arith.addi %mul3A_626, %add3A_627 : i32
            %swap3A_629 = arith.index_cast %add3A_628 : i32 to index
            %swap3A_630 = arith.constant 32 : index
            %swap3A_631 = tpu.vector_load %arg8[%swap3A_629, %swap3A_630] {strides = array<i32>} : memref<800x64xf32, #tpu.memory_space<vmem>>, vector<1x16xf32>,
            %swap3A_632 = vector.shape_cast %swap3A_631 : vector<1x16xf32> to vector<16xf32>
            %swap3A_633 = vector.shape_cast %broadcast_in_dim3A_496 : vector<16xf32> to vector<1x16xf32>
            tpu.vector_store %arg8[%swap3A_629, %swap3A_630], %swap3A_633 {strides = array<i32>} : memref<800x64xf32, #tpu.memory_space<vmem>>, vector<1x16xf32>,
            %mul3A_634 = arith.constant 16 : i32
            %mul3A_635 = arith.muli %scan3A_504, %mul3A_634 : i32
            %add3A_636 = arith.constant 8 : i32
            %add3A_637 = arith.addi %mul3A_635, %add3A_636 : i32
            %swap3A_638 = arith.index_cast %add3A_637 : i32 to index
            %swap3A_639 = arith.constant 48 : index
            %swap3A_640 = tpu.vector_load %arg8[%swap3A_638, %swap3A_639] {strides = array<i32>} : memref<800x64xf32, #tpu.memory_space<vmem>>, vector<1x16xf32>,
            %swap3A_641 = vector.shape_cast %swap3A_640 : vector<1x16xf32> to vector<16xf32>
            %swap3A_642 = vector.shape_cast %broadcast_in_dim3A_496 : vector<16xf32> to vector<1x16xf32>
            tpu.vector_store %arg8[%swap3A_638, %swap3A_639], %swap3A_642 {strides = array<i32>} : memref<800x64xf32, #tpu.memory_space<vmem>>, vector<1x16xf32>,
          } else {
          }
          %slice3A_565 = vector.extract_strided_slice %get3A_511 {offsets = [9], sizes = [1], strides = [1]} : vector<16xi32> to vector<1xi32>
          %squeeze3A_566 = vector.extract %slice3A_565[0] : i32 from vector<1xi32>
          %eq3A_567 = arith.cmpi eq, %squeeze3A_566, %mul3A_30 : i32
          %convert_element_type3A_568 = arith.extui %eq3A_567 : i1 to i32
          %cond3A_569 = arith.constant 0 : i32
          %cond3A_570 = arith.cmpi ne, %convert_element_type3A_568, %cond3A_569 : i32
          scf.if %cond3A_570 {
            %mul3A_608 = arith.constant 16 : i32
            %mul3A_609 = arith.muli %scan3A_504, %mul3A_608 : i32
            %add3A_610 = arith.constant 9 : i32
            %add3A_611 = arith.addi %mul3A_609, %add3A_610 : i32
            %swap3A = arith.index_cast %add3A_611 : i32 to index
            %swap3A_612 = arith.constant 0 : index
            %swap3A_613 = tpu.vector_load %arg8[%swap3A, %swap3A_612] {strides = array<i32>} : memref<800x64xf32, #tpu.memory_space<vmem>>, vector<1x16xf32>,
            %swap3A_614 = vector.shape_cast %swap3A_613 : vector<1x16xf32> to vector<16xf32>
            %swap3A_615 = vector.shape_cast %broadcast_in_dim3A_496 : vector<16xf32> to vector<1x16xf32>
            tpu.vector_store %arg8[%swap3A, %swap3A_612], %swap3A_615 {strides = array<i32>} : memref<800x64xf32, #tpu.memory_space<vmem>>, vector<1x16xf32>,
            %mul3A_616 = arith.constant 16 : i32
            %mul3A_617 = arith.muli %scan3A_504, %mul3A_616 : i32
            %add3A_618 = arith.constant 9 : i32
            %add3A_619 = arith.addi %mul3A_617, %add3A_618 : i32
            %swap3A_620 = arith.index_cast %add3A_619 : i32 to index
            %swap3A_621 = arith.constant 16 : index
            %swap3A_622 = tpu.vector_load %arg8[%swap3A_620, %swap3A_621] {strides = array<i32>} : memref<800x64xf32, #tpu.memory_space<vmem>>, vector<1x16xf32>,
            %swap3A_623 = vector.shape_cast %swap3A_622 : vector<1x16xf32> to vector<16xf32>
            %swap3A_624 = vector.shape_cast %broadcast_in_dim3A_496 : vector<16xf32> to vector<1x16xf32>
            tpu.vector_store %arg8[%swap3A_620, %swap3A_621], %swap3A_624 {strides = array<i32>} : memref<800x64xf32, #tpu.memory_space<vmem>>, vector<1x16xf32>,
            %mul3A_625 = arith.constant 16 : i32
            %mul3A_626 = arith.muli %scan3A_504, %mul3A_625 : i32
            %add3A_627 = arith.constant 9 : i32
            %add3A_628 = arith.addi %mul3A_626, %add3A_627 : i32
            %swap3A_629 = arith.index_cast %add3A_628 : i32 to index
            %swap3A_630 = arith.constant 32 : index
            %swap3A_631 = tpu.vector_load %arg8[%swap3A_629, %swap3A_630] {strides = array<i32>} : memref<800x64xf32, #tpu.memory_space<vmem>>, vector<1x16xf32>,
            %swap3A_632 = vector.shape_cast %swap3A_631 : vector<1x16xf32> to vector<16xf32>
            %swap3A_633 = vector.shape_cast %broadcast_in_dim3A_496 : vector<16xf32> to vector<1x16xf32>
            tpu.vector_store %arg8[%swap3A_629, %swap3A_630], %swap3A_633 {strides = array<i32>} : memref<800x64xf32, #tpu.memory_space<vmem>>, vector<1x16xf32>,
            %mul3A_634 = arith.constant 16 : i32
            %mul3A_635 = arith.muli %scan3A_504, %mul3A_634 : i32
            %add3A_636 = arith.constant 9 : i32
            %add3A_637 = arith.addi %mul3A_635, %add3A_636 : i32
            %swap3A_638 = arith.index_cast %add3A_637 : i32 to index
            %swap3A_639 = arith.constant 48 : index
            %swap3A_640 = tpu.vector_load %arg8[%swap3A_638, %swap3A_639] {strides = array<i32>} : memref<800x64xf32, #tpu.memory_space<vmem>>, vector<1x16xf32>,
            %swap3A_641 = vector.shape_cast %swap3A_640 : vector<1x16xf32> to vector<16xf32>
            %swap3A_642 = vector.shape_cast %broadcast_in_dim3A_496 : vector<16xf32> to vector<1x16xf32>
            tpu.vector_store %arg8[%swap3A_638, %swap3A_639], %swap3A_642 {strides = array<i32>} : memref<800x64xf32, #tpu.memory_space<vmem>>, vector<1x16xf32>,
          } else {
          }
          %slice3A_571 = vector.extract_strided_slice %get3A_511 {offsets = [10], sizes = [1], strides = [1]} : vector<16xi32> to vector<1xi32>
          %squeeze3A_572 = vector.extract %slice3A_571[0] : i32 from vector<1xi32>
          %eq3A_573 = arith.cmpi eq, %squeeze3A_572, %mul3A_30 : i32
          %convert_element_type3A_574 = arith.extui %eq3A_573 : i1 to i32
          %cond3A_575 = arith.constant 0 : i32
          %cond3A_576 = arith.cmpi ne, %convert_element_type3A_574, %cond3A_575 : i32
          scf.if %cond3A_576 {
            %mul3A_608 = arith.constant 16 : i32
            %mul3A_609 = arith.muli %scan3A_504, %mul3A_608 : i32
            %add3A_610 = arith.constant 10 : i32
            %add3A_611 = arith.addi %mul3A_609, %add3A_610 : i32
            %swap3A = arith.index_cast %add3A_611 : i32 to index
            %swap3A_612 = arith.constant 0 : index
            %swap3A_613 = tpu.vector_load %arg8[%swap3A, %swap3A_612] {strides = array<i32>} : memref<800x64xf32, #tpu.memory_space<vmem>>, vector<1x16xf32>,
            %swap3A_614 = vector.shape_cast %swap3A_613 : vector<1x16xf32> to vector<16xf32>
            %swap3A_615 = vector.shape_cast %broadcast_in_dim3A_496 : vector<16xf32> to vector<1x16xf32>
            tpu.vector_store %arg8[%swap3A, %swap3A_612], %swap3A_615 {strides = array<i32>} : memref<800x64xf32, #tpu.memory_space<vmem>>, vector<1x16xf32>,
            %mul3A_616 = arith.constant 16 : i32
            %mul3A_617 = arith.muli %scan3A_504, %mul3A_616 : i32
            %add3A_618 = arith.constant 10 : i32
            %add3A_619 = arith.addi %mul3A_617, %add3A_618 : i32
            %swap3A_620 = arith.index_cast %add3A_619 : i32 to index
            %swap3A_621 = arith.constant 16 : index
            %swap3A_622 = tpu.vector_load %arg8[%swap3A_620, %swap3A_621] {strides = array<i32>} : memref<800x64xf32, #tpu.memory_space<vmem>>, vector<1x16xf32>,
            %swap3A_623 = vector.shape_cast %swap3A_622 : vector<1x16xf32> to vector<16xf32>
            %swap3A_624 = vector.shape_cast %broadcast_in_dim3A_496 : vector<16xf32> to vector<1x16xf32>
            tpu.vector_store %arg8[%swap3A_620, %swap3A_621], %swap3A_624 {strides = array<i32>} : memref<800x64xf32, #tpu.memory_space<vmem>>, vector<1x16xf32>,
            %mul3A_625 = arith.constant 16 : i32
            %mul3A_626 = arith.muli %scan3A_504, %mul3A_625 : i32
            %add3A_627 = arith.constant 10 : i32
            %add3A_628 = arith.addi %mul3A_626, %add3A_627 : i32
            %swap3A_629 = arith.index_cast %add3A_628 : i32 to index
            %swap3A_630 = arith.constant 32 : index
            %swap3A_631 = tpu.vector_load %arg8[%swap3A_629, %swap3A_630] {strides = array<i32>} : memref<800x64xf32, #tpu.memory_space<vmem>>, vector<1x16xf32>,
            %swap3A_632 = vector.shape_cast %swap3A_631 : vector<1x16xf32> to vector<16xf32>
            %swap3A_633 = vector.shape_cast %broadcast_in_dim3A_496 : vector<16xf32> to vector<1x16xf32>
            tpu.vector_store %arg8[%swap3A_629, %swap3A_630], %swap3A_633 {strides = array<i32>} : memref<800x64xf32, #tpu.memory_space<vmem>>, vector<1x16xf32>,
            %mul3A_634 = arith.constant 16 : i32
            %mul3A_635 = arith.muli %scan3A_504, %mul3A_634 : i32
            %add3A_636 = arith.constant 10 : i32
            %add3A_637 = arith.addi %mul3A_635, %add3A_636 : i32
            %swap3A_638 = arith.index_cast %add3A_637 : i32 to index
            %swap3A_639 = arith.constant 48 : index
            %swap3A_640 = tpu.vector_load %arg8[%swap3A_638, %swap3A_639] {strides = array<i32>} : memref<800x64xf32, #tpu.memory_space<vmem>>, vector<1x16xf32>,
            %swap3A_641 = vector.shape_cast %swap3A_640 : vector<1x16xf32> to vector<16xf32>
            %swap3A_642 = vector.shape_cast %broadcast_in_dim3A_496 : vector<16xf32> to vector<1x16xf32>
            tpu.vector_store %arg8[%swap3A_638, %swap3A_639], %swap3A_642 {strides = array<i32>} : memref<800x64xf32, #tpu.memory_space<vmem>>, vector<1x16xf32>,
          } else {
          }
          %slice3A_577 = vector.extract_strided_slice %get3A_511 {offsets = [11], sizes = [1], strides = [1]} : vector<16xi32> to vector<1xi32>
          %squeeze3A_578 = vector.extract %slice3A_577[0] : i32 from vector<1xi32>
          %eq3A_579 = arith.cmpi eq, %squeeze3A_578, %mul3A_30 : i32
          %convert_element_type3A_580 = arith.extui %eq3A_579 : i1 to i32
          %cond3A_581 = arith.constant 0 : i32
          %cond3A_582 = arith.cmpi ne, %convert_element_type3A_580, %cond3A_581 : i32
          scf.if %cond3A_582 {
            %mul3A_608 = arith.constant 16 : i32
            %mul3A_609 = arith.muli %scan3A_504, %mul3A_608 : i32
            %add3A_610 = arith.constant 11 : i32
            %add3A_611 = arith.addi %mul3A_609, %add3A_610 : i32
            %swap3A = arith.index_cast %add3A_611 : i32 to index
            %swap3A_612 = arith.constant 0 : index
            %swap3A_613 = tpu.vector_load %arg8[%swap3A, %swap3A_612] {strides = array<i32>} : memref<800x64xf32, #tpu.memory_space<vmem>>, vector<1x16xf32>,
            %swap3A_614 = vector.shape_cast %swap3A_613 : vector<1x16xf32> to vector<16xf32>
            %swap3A_615 = vector.shape_cast %broadcast_in_dim3A_496 : vector<16xf32> to vector<1x16xf32>
            tpu.vector_store %arg8[%swap3A, %swap3A_612], %swap3A_615 {strides = array<i32>} : memref<800x64xf32, #tpu.memory_space<vmem>>, vector<1x16xf32>,
            %mul3A_616 = arith.constant 16 : i32
            %mul3A_617 = arith.muli %scan3A_504, %mul3A_616 : i32
            %add3A_618 = arith.constant 11 : i32
            %add3A_619 = arith.addi %mul3A_617, %add3A_618 : i32
            %swap3A_620 = arith.index_cast %add3A_619 : i32 to index
            %swap3A_621 = arith.constant 16 : index
            %swap3A_622 = tpu.vector_load %arg8[%swap3A_620, %swap3A_621] {strides = array<i32>} : memref<800x64xf32, #tpu.memory_space<vmem>>, vector<1x16xf32>,
            %swap3A_623 = vector.shape_cast %swap3A_622 : vector<1x16xf32> to vector<16xf32>
            %swap3A_624 = vector.shape_cast %broadcast_in_dim3A_496 : vector<16xf32> to vector<1x16xf32>
            tpu.vector_store %arg8[%swap3A_620, %swap3A_621], %swap3A_624 {strides = array<i32>} : memref<800x64xf32, #tpu.memory_space<vmem>>, vector<1x16xf32>,
            %mul3A_625 = arith.constant 16 : i32
            %mul3A_626 = arith.muli %scan3A_504, %mul3A_625 : i32
            %add3A_627 = arith.constant 11 : i32
            %add3A_628 = arith.addi %mul3A_626, %add3A_627 : i32
            %swap3A_629 = arith.index_cast %add3A_628 : i32 to index
            %swap3A_630 = arith.constant 32 : index
            %swap3A_631 = tpu.vector_load %arg8[%swap3A_629, %swap3A_630] {strides = array<i32>} : memref<800x64xf32, #tpu.memory_space<vmem>>, vector<1x16xf32>,
            %swap3A_632 = vector.shape_cast %swap3A_631 : vector<1x16xf32> to vector<16xf32>
            %swap3A_633 = vector.shape_cast %broadcast_in_dim3A_496 : vector<16xf32> to vector<1x16xf32>
            tpu.vector_store %arg8[%swap3A_629, %swap3A_630], %swap3A_633 {strides = array<i32>} : memref<800x64xf32, #tpu.memory_space<vmem>>, vector<1x16xf32>,
            %mul3A_634 = arith.constant 16 : i32
            %mul3A_635 = arith.muli %scan3A_504, %mul3A_634 : i32
            %add3A_636 = arith.constant 11 : i32
            %add3A_637 = arith.addi %mul3A_635, %add3A_636 : i32
            %swap3A_638 = arith.index_cast %add3A_637 : i32 to index
            %swap3A_639 = arith.constant 48 : index
            %swap3A_640 = tpu.vector_load %arg8[%swap3A_638, %swap3A_639] {strides = array<i32>} : memref<800x64xf32, #tpu.memory_space<vmem>>, vector<1x16xf32>,
            %swap3A_641 = vector.shape_cast %swap3A_640 : vector<1x16xf32> to vector<16xf32>
            %swap3A_642 = vector.shape_cast %broadcast_in_dim3A_496 : vector<16xf32> to vector<1x16xf32>
            tpu.vector_store %arg8[%swap3A_638, %swap3A_639], %swap3A_642 {strides = array<i32>} : memref<800x64xf32, #tpu.memory_space<vmem>>, vector<1x16xf32>,
          } else {
          }
          %slice3A_583 = vector.extract_strided_slice %get3A_511 {offsets = [12], sizes = [1], strides = [1]} : vector<16xi32> to vector<1xi32>
          %squeeze3A_584 = vector.extract %slice3A_583[0] : i32 from vector<1xi32>
          %eq3A_585 = arith.cmpi eq, %squeeze3A_584, %mul3A_30 : i32
          %convert_element_type3A_586 = arith.extui %eq3A_585 : i1 to i32
          %cond3A_587 = arith.constant 0 : i32
          %cond3A_588 = arith.cmpi ne, %convert_element_type3A_586, %cond3A_587 : i32
          scf.if %cond3A_588 {
            %mul3A_608 = arith.constant 16 : i32
            %mul3A_609 = arith.muli %scan3A_504, %mul3A_608 : i32
            %add3A_610 = arith.constant 12 : i32
            %add3A_611 = arith.addi %mul3A_609, %add3A_610 : i32
            %swap3A = arith.index_cast %add3A_611 : i32 to index
            %swap3A_612 = arith.constant 0 : index
            %swap3A_613 = tpu.vector_load %arg8[%swap3A, %swap3A_612] {strides = array<i32>} : memref<800x64xf32, #tpu.memory_space<vmem>>, vector<1x16xf32>,
            %swap3A_614 = vector.shape_cast %swap3A_613 : vector<1x16xf32> to vector<16xf32>
            %swap3A_615 = vector.shape_cast %broadcast_in_dim3A_496 : vector<16xf32> to vector<1x16xf32>
            tpu.vector_store %arg8[%swap3A, %swap3A_612], %swap3A_615 {strides = array<i32>} : memref<800x64xf32, #tpu.memory_space<vmem>>, vector<1x16xf32>,
            %mul3A_616 = arith.constant 16 : i32
            %mul3A_617 = arith.muli %scan3A_504, %mul3A_616 : i32
            %add3A_618 = arith.constant 12 : i32
            %add3A_619 = arith.addi %mul3A_617, %add3A_618 : i32
            %swap3A_620 = arith.index_cast %add3A_619 : i32 to index
            %swap3A_621 = arith.constant 16 : index
            %swap3A_622 = tpu.vector_load %arg8[%swap3A_620, %swap3A_621] {strides = array<i32>} : memref<800x64xf32, #tpu.memory_space<vmem>>, vector<1x16xf32>,
            %swap3A_623 = vector.shape_cast %swap3A_622 : vector<1x16xf32> to vector<16xf32>
            %swap3A_624 = vector.shape_cast %broadcast_in_dim3A_496 : vector<16xf32> to vector<1x16xf32>
            tpu.vector_store %arg8[%swap3A_620, %swap3A_621], %swap3A_624 {strides = array<i32>} : memref<800x64xf32, #tpu.memory_space<vmem>>, vector<1x16xf32>,
            %mul3A_625 = arith.constant 16 : i32
            %mul3A_626 = arith.muli %scan3A_504, %mul3A_625 : i32
            %add3A_627 = arith.constant 12 : i32
            %add3A_628 = arith.addi %mul3A_626, %add3A_627 : i32
            %swap3A_629 = arith.index_cast %add3A_628 : i32 to index
            %swap3A_630 = arith.constant 32 : index
            %swap3A_631 = tpu.vector_load %arg8[%swap3A_629, %swap3A_630] {strides = array<i32>} : memref<800x64xf32, #tpu.memory_space<vmem>>, vector<1x16xf32>,
            %swap3A_632 = vector.shape_cast %swap3A_631 : vector<1x16xf32> to vector<16xf32>
            %swap3A_633 = vector.shape_cast %broadcast_in_dim3A_496 : vector<16xf32> to vector<1x16xf32>
            tpu.vector_store %arg8[%swap3A_629, %swap3A_630], %swap3A_633 {strides = array<i32>} : memref<800x64xf32, #tpu.memory_space<vmem>>, vector<1x16xf32>,
            %mul3A_634 = arith.constant 16 : i32
            %mul3A_635 = arith.muli %scan3A_504, %mul3A_634 : i32
            %add3A_636 = arith.constant 12 : i32
            %add3A_637 = arith.addi %mul3A_635, %add3A_636 : i32
            %swap3A_638 = arith.index_cast %add3A_637 : i32 to index
            %swap3A_639 = arith.constant 48 : index
            %swap3A_640 = tpu.vector_load %arg8[%swap3A_638, %swap3A_639] {strides = array<i32>} : memref<800x64xf32, #tpu.memory_space<vmem>>, vector<1x16xf32>,
            %swap3A_641 = vector.shape_cast %swap3A_640 : vector<1x16xf32> to vector<16xf32>
            %swap3A_642 = vector.shape_cast %broadcast_in_dim3A_496 : vector<16xf32> to vector<1x16xf32>
            tpu.vector_store %arg8[%swap3A_638, %swap3A_639], %swap3A_642 {strides = array<i32>} : memref<800x64xf32, #tpu.memory_space<vmem>>, vector<1x16xf32>,
          } else {
          }
          %slice3A_589 = vector.extract_strided_slice %get3A_511 {offsets = [13], sizes = [1], strides = [1]} : vector<16xi32> to vector<1xi32>
          %squeeze3A_590 = vector.extract %slice3A_589[0] : i32 from vector<1xi32>
          %eq3A_591 = arith.cmpi eq, %squeeze3A_590, %mul3A_30 : i32
          %convert_element_type3A_592 = arith.extui %eq3A_591 : i1 to i32
          %cond3A_593 = arith.constant 0 : i32
          %cond3A_594 = arith.cmpi ne, %convert_element_type3A_592, %cond3A_593 : i32
          scf.if %cond3A_594 {
            %mul3A_608 = arith.constant 16 : i32
            %mul3A_609 = arith.muli %scan3A_504, %mul3A_608 : i32
            %add3A_610 = arith.constant 13 : i32
            %add3A_611 = arith.addi %mul3A_609, %add3A_610 : i32
            %swap3A = arith.index_cast %add3A_611 : i32 to index
            %swap3A_612 = arith.constant 0 : index
            %swap3A_613 = tpu.vector_load %arg8[%swap3A, %swap3A_612] {strides = array<i32>} : memref<800x64xf32, #tpu.memory_space<vmem>>, vector<1x16xf32>,
            %swap3A_614 = vector.shape_cast %swap3A_613 : vector<1x16xf32> to vector<16xf32>
            %swap3A_615 = vector.shape_cast %broadcast_in_dim3A_496 : vector<16xf32> to vector<1x16xf32>
            tpu.vector_store %arg8[%swap3A, %swap3A_612], %swap3A_615 {strides = array<i32>} : memref<800x64xf32, #tpu.memory_space<vmem>>, vector<1x16xf32>,
            %mul3A_616 = arith.constant 16 : i32
            %mul3A_617 = arith.muli %scan3A_504, %mul3A_616 : i32
            %add3A_618 = arith.constant 13 : i32
            %add3A_619 = arith.addi %mul3A_617, %add3A_618 : i32
            %swap3A_620 = arith.index_cast %add3A_619 : i32 to index
            %swap3A_621 = arith.constant 16 : index
            %swap3A_622 = tpu.vector_load %arg8[%swap3A_620, %swap3A_621] {strides = array<i32>} : memref<800x64xf32, #tpu.memory_space<vmem>>, vector<1x16xf32>,
            %swap3A_623 = vector.shape_cast %swap3A_622 : vector<1x16xf32> to vector<16xf32>
            %swap3A_624 = vector.shape_cast %broadcast_in_dim3A_496 : vector<16xf32> to vector<1x16xf32>
            tpu.vector_store %arg8[%swap3A_620, %swap3A_621], %swap3A_624 {strides = array<i32>} : memref<800x64xf32, #tpu.memory_space<vmem>>, vector<1x16xf32>,
            %mul3A_625 = arith.constant 16 : i32
            %mul3A_626 = arith.muli %scan3A_504, %mul3A_625 : i32
            %add3A_627 = arith.constant 13 : i32
            %add3A_628 = arith.addi %mul3A_626, %add3A_627 : i32
            %swap3A_629 = arith.index_cast %add3A_628 : i32 to index
            %swap3A_630 = arith.constant 32 : index
            %swap3A_631 = tpu.vector_load %arg8[%swap3A_629, %swap3A_630] {strides = array<i32>} : memref<800x64xf32, #tpu.memory_space<vmem>>, vector<1x16xf32>,
            %swap3A_632 = vector.shape_cast %swap3A_631 : vector<1x16xf32> to vector<16xf32>
            %swap3A_633 = vector.shape_cast %broadcast_in_dim3A_496 : vector<16xf32> to vector<1x16xf32>
            tpu.vector_store %arg8[%swap3A_629, %swap3A_630], %swap3A_633 {strides = array<i32>} : memref<800x64xf32, #tpu.memory_space<vmem>>, vector<1x16xf32>,
            %mul3A_634 = arith.constant 16 : i32
            %mul3A_635 = arith.muli %scan3A_504, %mul3A_634 : i32
            %add3A_636 = arith.constant 13 : i32
            %add3A_637 = arith.addi %mul3A_635, %add3A_636 : i32
            %swap3A_638 = arith.index_cast %add3A_637 : i32 to index
            %swap3A_639 = arith.constant 48 : index
            %swap3A_640 = tpu.vector_load %arg8[%swap3A_638, %swap3A_639] {strides = array<i32>} : memref<800x64xf32, #tpu.memory_space<vmem>>, vector<1x16xf32>,
            %swap3A_641 = vector.shape_cast %swap3A_640 : vector<1x16xf32> to vector<16xf32>
            %swap3A_642 = vector.shape_cast %broadcast_in_dim3A_496 : vector<16xf32> to vector<1x16xf32>
            tpu.vector_store %arg8[%swap3A_638, %swap3A_639], %swap3A_642 {strides = array<i32>} : memref<800x64xf32, #tpu.memory_space<vmem>>, vector<1x16xf32>,
          } else {
          }
          %slice3A_595 = vector.extract_strided_slice %get3A_511 {offsets = [14], sizes = [1], strides = [1]} : vector<16xi32> to vector<1xi32>
          %squeeze3A_596 = vector.extract %slice3A_595[0] : i32 from vector<1xi32>
          %eq3A_597 = arith.cmpi eq, %squeeze3A_596, %mul3A_30 : i32
          %convert_element_type3A_598 = arith.extui %eq3A_597 : i1 to i32
          %cond3A_599 = arith.constant 0 : i32
          %cond3A_600 = arith.cmpi ne, %convert_element_type3A_598, %cond3A_599 : i32
          scf.if %cond3A_600 {
            %mul3A_608 = arith.constant 16 : i32
            %mul3A_609 = arith.muli %scan3A_504, %mul3A_608 : i32
            %add3A_610 = arith.constant 14 : i32
            %add3A_611 = arith.addi %mul3A_609, %add3A_610 : i32
            %swap3A = arith.index_cast %add3A_611 : i32 to index
            %swap3A_612 = arith.constant 0 : index
            %swap3A_613 = tpu.vector_load %arg8[%swap3A, %swap3A_612] {strides = array<i32>} : memref<800x64xf32, #tpu.memory_space<vmem>>, vector<1x16xf32>,
            %swap3A_614 = vector.shape_cast %swap3A_613 : vector<1x16xf32> to vector<16xf32>
            %swap3A_615 = vector.shape_cast %broadcast_in_dim3A_496 : vector<16xf32> to vector<1x16xf32>
            tpu.vector_store %arg8[%swap3A, %swap3A_612], %swap3A_615 {strides = array<i32>} : memref<800x64xf32, #tpu.memory_space<vmem>>, vector<1x16xf32>,
            %mul3A_616 = arith.constant 16 : i32
            %mul3A_617 = arith.muli %scan3A_504, %mul3A_616 : i32
            %add3A_618 = arith.constant 14 : i32
            %add3A_619 = arith.addi %mul3A_617, %add3A_618 : i32
            %swap3A_620 = arith.index_cast %add3A_619 : i32 to index
            %swap3A_621 = arith.constant 16 : index
            %swap3A_622 = tpu.vector_load %arg8[%swap3A_620, %swap3A_621] {strides = array<i32>} : memref<800x64xf32, #tpu.memory_space<vmem>>, vector<1x16xf32>,
            %swap3A_623 = vector.shape_cast %swap3A_622 : vector<1x16xf32> to vector<16xf32>
            %swap3A_624 = vector.shape_cast %broadcast_in_dim3A_496 : vector<16xf32> to vector<1x16xf32>
            tpu.vector_store %arg8[%swap3A_620, %swap3A_621], %swap3A_624 {strides = array<i32>} : memref<800x64xf32, #tpu.memory_space<vmem>>, vector<1x16xf32>,
            %mul3A_625 = arith.constant 16 : i32
            %mul3A_626 = arith.muli %scan3A_504, %mul3A_625 : i32
            %add3A_627 = arith.constant 14 : i32
            %add3A_628 = arith.addi %mul3A_626, %add3A_627 : i32
            %swap3A_629 = arith.index_cast %add3A_628 : i32 to index
            %swap3A_630 = arith.constant 32 : index
            %swap3A_631 = tpu.vector_load %arg8[%swap3A_629, %swap3A_630] {strides = array<i32>} : memref<800x64xf32, #tpu.memory_space<vmem>>, vector<1x16xf32>,
            %swap3A_632 = vector.shape_cast %swap3A_631 : vector<1x16xf32> to vector<16xf32>
            %swap3A_633 = vector.shape_cast %broadcast_in_dim3A_496 : vector<16xf32> to vector<1x16xf32>
            tpu.vector_store %arg8[%swap3A_629, %swap3A_630], %swap3A_633 {strides = array<i32>} : memref<800x64xf32, #tpu.memory_space<vmem>>, vector<1x16xf32>,
            %mul3A_634 = arith.constant 16 : i32
            %mul3A_635 = arith.muli %scan3A_504, %mul3A_634 : i32
            %add3A_636 = arith.constant 14 : i32
            %add3A_637 = arith.addi %mul3A_635, %add3A_636 : i32
            %swap3A_638 = arith.index_cast %add3A_637 : i32 to index
            %swap3A_639 = arith.constant 48 : index
            %swap3A_640 = tpu.vector_load %arg8[%swap3A_638, %swap3A_639] {strides = array<i32>} : memref<800x64xf32, #tpu.memory_space<vmem>>, vector<1x16xf32>,
            %swap3A_641 = vector.shape_cast %swap3A_640 : vector<1x16xf32> to vector<16xf32>
            %swap3A_642 = vector.shape_cast %broadcast_in_dim3A_496 : vector<16xf32> to vector<1x16xf32>
            tpu.vector_store %arg8[%swap3A_638, %swap3A_639], %swap3A_642 {strides = array<i32>} : memref<800x64xf32, #tpu.memory_space<vmem>>, vector<1x16xf32>,
          } else {
          }
          %slice3A_601 = vector.extract_strided_slice %get3A_511 {offsets = [15], sizes = [1], strides = [1]} : vector<16xi32> to vector<1xi32>
          %squeeze3A_602 = vector.extract %slice3A_601[0] : i32 from vector<1xi32>
          %eq3A_603 = arith.cmpi eq, %squeeze3A_602, %mul3A_30 : i32
          %convert_element_type3A_604 = arith.extui %eq3A_603 : i1 to i32
          %cond3A_605 = arith.constant 0 : i32
          %cond3A_606 = arith.cmpi ne, %convert_element_type3A_604, %cond3A_605 : i32
          scf.if %cond3A_606 {
            %mul3A_608 = arith.constant 16 : i32
            %mul3A_609 = arith.muli %scan3A_504, %mul3A_608 : i32
            %add3A_610 = arith.constant 15 : i32
            %add3A_611 = arith.addi %mul3A_609, %add3A_610 : i32
            %swap3A = arith.index_cast %add3A_611 : i32 to index
            %swap3A_612 = arith.constant 0 : index
            %swap3A_613 = tpu.vector_load %arg8[%swap3A, %swap3A_612] {strides = array<i32>} : memref<800x64xf32, #tpu.memory_space<vmem>>, vector<1x16xf32>,
            %swap3A_614 = vector.shape_cast %swap3A_613 : vector<1x16xf32> to vector<16xf32>
            %swap3A_615 = vector.shape_cast %broadcast_in_dim3A_496 : vector<16xf32> to vector<1x16xf32>
            tpu.vector_store %arg8[%swap3A, %swap3A_612], %swap3A_615 {strides = array<i32>} : memref<800x64xf32, #tpu.memory_space<vmem>>, vector<1x16xf32>,
            %mul3A_616 = arith.constant 16 : i32
            %mul3A_617 = arith.muli %scan3A_504, %mul3A_616 : i32
            %add3A_618 = arith.constant 15 : i32
            %add3A_619 = arith.addi %mul3A_617, %add3A_618 : i32
            %swap3A_620 = arith.index_cast %add3A_619 : i32 to index
            %swap3A_621 = arith.constant 16 : index
            %swap3A_622 = tpu.vector_load %arg8[%swap3A_620, %swap3A_621] {strides = array<i32>} : memref<800x64xf32, #tpu.memory_space<vmem>>, vector<1x16xf32>,
            %swap3A_623 = vector.shape_cast %swap3A_622 : vector<1x16xf32> to vector<16xf32>
            %swap3A_624 = vector.shape_cast %broadcast_in_dim3A_496 : vector<16xf32> to vector<1x16xf32>
            tpu.vector_store %arg8[%swap3A_620, %swap3A_621], %swap3A_624 {strides = array<i32>} : memref<800x64xf32, #tpu.memory_space<vmem>>, vector<1x16xf32>,
            %mul3A_625 = arith.constant 16 : i32
            %mul3A_626 = arith.muli %scan3A_504, %mul3A_625 : i32
            %add3A_627 = arith.constant 15 : i32
            %add3A_628 = arith.addi %mul3A_626, %add3A_627 : i32
            %swap3A_629 = arith.index_cast %add3A_628 : i32 to index
            %swap3A_630 = arith.constant 32 : index
            %swap3A_631 = tpu.vector_load %arg8[%swap3A_629, %swap3A_630] {strides = array<i32>} : memref<800x64xf32, #tpu.memory_space<vmem>>, vector<1x16xf32>,
            %swap3A_632 = vector.shape_cast %swap3A_631 : vector<1x16xf32> to vector<16xf32>
            %swap3A_633 = vector.shape_cast %broadcast_in_dim3A_496 : vector<16xf32> to vector<1x16xf32>
            tpu.vector_store %arg8[%swap3A_629, %swap3A_630], %swap3A_633 {strides = array<i32>} : memref<800x64xf32, #tpu.memory_space<vmem>>, vector<1x16xf32>,
            %mul3A_634 = arith.constant 16 : i32
            %mul3A_635 = arith.muli %scan3A_504, %mul3A_634 : i32
            %add3A_636 = arith.constant 15 : i32
            %add3A_637 = arith.addi %mul3A_635, %add3A_636 : i32
            %swap3A_638 = arith.index_cast %add3A_637 : i32 to index
            %swap3A_639 = arith.constant 48 : index
            %swap3A_640 = tpu.vector_load %arg8[%swap3A_638, %swap3A_639] {strides = array<i32>} : memref<800x64xf32, #tpu.memory_space<vmem>>, vector<1x16xf32>,
            %swap3A_641 = vector.shape_cast %swap3A_640 : vector<1x16xf32> to vector<16xf32>
            %swap3A_642 = vector.shape_cast %broadcast_in_dim3A_496 : vector<16xf32> to vector<1x16xf32>
            tpu.vector_store %arg8[%swap3A_638, %swap3A_639], %swap3A_642 {strides = array<i32>} : memref<800x64xf32, #tpu.memory_space<vmem>>, vector<1x16xf32>,
          } else {
          }
          %scan3A_607 = arith.constant 0 : i32
          scf.yield %scan3A_607 : i32
        }
        %scan3A_503 = arith.constant 50 : i32
      } else {
      }
      %mul3A_391 = arith.constant 51200 : i32
      %mul3A_392 = arith.muli %scan3A_27, %mul3A_391 : i32
      %add3A_393 = arith.addi %mul3A_392, %mul3A_2 : i32
      %add3A_394 = arith.constant 0 : i32
      %add3A_395 = arith.addi %add3A_393, %add3A_394 : i32
      %dma_start3A_396 = arith.constant 0 : i32
      %dma_start3A_397 = tpu.memref_slice %arg4[%add3A_395, %dma_start3A_396] : memref<409600x64xf32, #tpu.memory_space<hbm>> -> memref<800x64xf32, #tpu.memory_space<hbm>>
      %dma_start3A_398 = arith.constant 0 : i32
      %dma_start3A_399 = tpu.memref_slice %arg4[%add3A_395, %dma_start3A_398] : memref<409600x64xf32, #tpu.memory_space<hbm>> -> memref<800x64xf32, #tpu.memory_space<hbm>>
      tpu.enqueue_dma source(%arg8 : memref<800x64xf32, #tpu.memory_space<vmem>>) target(%dma_start3A_399 : memref<800x64xf32, #tpu.memory_space<hbm>>) target_semaphore(%arg12 : memref<!tpu.dma_semaphore, #tpu.memory_space<semaphore_mem>>)
      %dma_wait3A_400 = arith.constant 0 : i32
      %dma_wait3A_401 = arith.constant 0 : i32
      %dma_wait3A_402 = tpu.memref_slice %arg9[%dma_wait3A_400, %dma_wait3A_401] : memref<800x64xf32, #tpu.memory_space<vmem>> -> memref<80x64xf32, #tpu.memory_space<vmem>>
      %dma_wait3A_403 = arith.constant 800 : i32
      %dma_wait3A_404 = tpu.memref_slice %arg6[%dma_wait3A_403] : memref<1600xi32, #tpu.memory_space<vmem>> -> memref<80xi32, #tpu.memory_space<vmem>>
      %dma_wait3A_405 = arith.constant 0 : i32
      %dma_wait3A_406 = arith.constant 0 : i32
      %dma_wait3A_407 = tpu.memref_slice %arg3[%dma_wait3A_405, %dma_wait3A_406] : memref<800000x64xf32, #tpu.memory_space<hbm>> -> memref<800000x64xf32, #tpu.memory_space<hbm>>
      tpu.wait_indirect_dma semaphore(%arg11 : memref<!tpu.dma_semaphore, #tpu.memory_space<semaphore_mem>>) src(%dma_wait3A_407 : memref<800000x64xf32, #tpu.memory_space<hbm>>) dst(%dma_wait3A_402 : memref<80x64xf32, #tpu.memory_space<vmem>>)
      %dma_wait3A_408 = arith.constant 80 : i32
      %dma_wait3A_409 = arith.constant 0 : i32
      %dma_wait3A_410 = tpu.memref_slice %arg9[%dma_wait3A_408, %dma_wait3A_409] : memref<800x64xf32, #tpu.memory_space<vmem>> -> memref<80x64xf32, #tpu.memory_space<vmem>>
      %dma_wait3A_411 = arith.constant 880 : i32
      %dma_wait3A_412 = tpu.memref_slice %arg6[%dma_wait3A_411] : memref<1600xi32, #tpu.memory_space<vmem>> -> memref<80xi32, #tpu.memory_space<vmem>>
      %dma_wait3A_413 = arith.constant 0 : i32
      %dma_wait3A_414 = arith.constant 0 : i32
      %dma_wait3A_415 = tpu.memref_slice %arg3[%dma_wait3A_413, %dma_wait3A_414] : memref<800000x64xf32, #tpu.memory_space<hbm>> -> memref<800000x64xf32, #tpu.memory_space<hbm>>
      tpu.wait_indirect_dma semaphore(%arg11 : memref<!tpu.dma_semaphore, #tpu.memory_space<semaphore_mem>>) src(%dma_wait3A_415 : memref<800000x64xf32, #tpu.memory_space<hbm>>) dst(%dma_wait3A_410 : memref<80x64xf32, #tpu.memory_space<vmem>>)
      %dma_wait3A_416 = arith.constant 160 : i32
      %dma_wait3A_417 = arith.constant 0 : i32
      %dma_wait3A_418 = tpu.memref_slice %arg9[%dma_wait3A_416, %dma_wait3A_417] : memref<800x64xf32, #tpu.memory_space<vmem>> -> memref<80x64xf32, #tpu.memory_space<vmem>>
      %dma_wait3A_419 = arith.constant 960 : i32
      %dma_wait3A_420 = tpu.memref_slice %arg6[%dma_wait3A_419] : memref<1600xi32, #tpu.memory_space<vmem>> -> memref<80xi32, #tpu.memory_space<vmem>>
      %dma_wait3A_421 = arith.constant 0 : i32
      %dma_wait3A_422 = arith.constant 0 : i32
      %dma_wait3A_423 = tpu.memref_slice %arg3[%dma_wait3A_421, %dma_wait3A_422] : memref<800000x64xf32, #tpu.memory_space<hbm>> -> memref<800000x64xf32, #tpu.memory_space<hbm>>
      tpu.wait_indirect_dma semaphore(%arg11 : memref<!tpu.dma_semaphore, #tpu.memory_space<semaphore_mem>>) src(%dma_wait3A_423 : memref<800000x64xf32, #tpu.memory_space<hbm>>) dst(%dma_wait3A_418 : memref<80x64xf32, #tpu.memory_space<vmem>>)
      %dma_wait3A_424 = arith.constant 240 : i32
      %dma_wait3A_425 = arith.constant 0 : i32
      %dma_wait3A_426 = tpu.memref_slice %arg9[%dma_wait3A_424, %dma_wait3A_425] : memref<800x64xf32, #tpu.memory_space<vmem>> -> memref<80x64xf32, #tpu.memory_space<vmem>>
      %dma_wait3A_427 = arith.constant 1040 : i32
      %dma_wait3A_428 = tpu.memref_slice %arg6[%dma_wait3A_427] : memref<1600xi32, #tpu.memory_space<vmem>> -> memref<80xi32, #tpu.memory_space<vmem>>
      %dma_wait3A_429 = arith.constant 0 : i32
      %dma_wait3A_430 = arith.constant 0 : i32
      %dma_wait3A_431 = tpu.memref_slice %arg3[%dma_wait3A_429, %dma_wait3A_430] : memref<800000x64xf32, #tpu.memory_space<hbm>> -> memref<800000x64xf32, #tpu.memory_space<hbm>>
      tpu.wait_indirect_dma semaphore(%arg11 : memref<!tpu.dma_semaphore, #tpu.memory_space<semaphore_mem>>) src(%dma_wait3A_431 : memref<800000x64xf32, #tpu.memory_space<hbm>>) dst(%dma_wait3A_426 : memref<80x64xf32, #tpu.memory_space<vmem>>)
      %dma_wait3A_432 = arith.constant 320 : i32
      %dma_wait3A_433 = arith.constant 0 : i32
      %dma_wait3A_434 = tpu.memref_slice %arg9[%dma_wait3A_432, %dma_wait3A_433] : memref<800x64xf32, #tpu.memory_space<vmem>> -> memref<80x64xf32, #tpu.memory_space<vmem>>
      %dma_wait3A_435 = arith.constant 1120 : i32
      %dma_wait3A_436 = tpu.memref_slice %arg6[%dma_wait3A_435] : memref<1600xi32, #tpu.memory_space<vmem>> -> memref<80xi32, #tpu.memory_space<vmem>>
      %dma_wait3A_437 = arith.constant 0 : i32
      %dma_wait3A_438 = arith.constant 0 : i32
      %dma_wait3A_439 = tpu.memref_slice %arg3[%dma_wait3A_437, %dma_wait3A_438] : memref<800000x64xf32, #tpu.memory_space<hbm>> -> memref<800000x64xf32, #tpu.memory_space<hbm>>
      tpu.wait_indirect_dma semaphore(%arg11 : memref<!tpu.dma_semaphore, #tpu.memory_space<semaphore_mem>>) src(%dma_wait3A_439 : memref<800000x64xf32, #tpu.memory_space<hbm>>) dst(%dma_wait3A_434 : memref<80x64xf32, #tpu.memory_space<vmem>>)
      %dma_wait3A_440 = arith.constant 400 : i32
      %dma_wait3A_441 = arith.constant 0 : i32
      %dma_wait3A_442 = tpu.memref_slice %arg9[%dma_wait3A_440, %dma_wait3A_441] : memref<800x64xf32, #tpu.memory_space<vmem>> -> memref<80x64xf32, #tpu.memory_space<vmem>>
      %dma_wait3A_443 = arith.constant 1200 : i32
      %dma_wait3A_444 = tpu.memref_slice %arg6[%dma_wait3A_443] : memref<1600xi32, #tpu.memory_space<vmem>> -> memref<80xi32, #tpu.memory_space<vmem>>
      %dma_wait3A_445 = arith.constant 0 : i32
      %dma_wait3A_446 = arith.constant 0 : i32
      %dma_wait3A_447 = tpu.memref_slice %arg3[%dma_wait3A_445, %dma_wait3A_446] : memref<800000x64xf32, #tpu.memory_space<hbm>> -> memref<800000x64xf32, #tpu.memory_space<hbm>>
      tpu.wait_indirect_dma semaphore(%arg11 : memref<!tpu.dma_semaphore, #tpu.memory_space<semaphore_mem>>) src(%dma_wait3A_447 : memref<800000x64xf32, #tpu.memory_space<hbm>>) dst(%dma_wait3A_442 : memref<80x64xf32, #tpu.memory_space<vmem>>)
      %dma_wait3A_448 = arith.constant 480 : i32
      %dma_wait3A_449 = arith.constant 0 : i32
      %dma_wait3A_450 = tpu.memref_slice %arg9[%dma_wait3A_448, %dma_wait3A_449] : memref<800x64xf32, #tpu.memory_space<vmem>> -> memref<80x64xf32, #tpu.memory_space<vmem>>
      %dma_wait3A_451 = arith.constant 1280 : i32
      %dma_wait3A_452 = tpu.memref_slice %arg6[%dma_wait3A_451] : memref<1600xi32, #tpu.memory_space<vmem>> -> memref<80xi32, #tpu.memory_space<vmem>>
      %dma_wait3A_453 = arith.constant 0 : i32
      %dma_wait3A_454 = arith.constant 0 : i32
      %dma_wait3A_455 = tpu.memref_slice %arg3[%dma_wait3A_453, %dma_wait3A_454] : memref<800000x64xf32, #tpu.memory_space<hbm>> -> memref<800000x64xf32, #tpu.memory_space<hbm>>
      tpu.wait_indirect_dma semaphore(%arg11 : memref<!tpu.dma_semaphore, #tpu.memory_space<semaphore_mem>>) src(%dma_wait3A_455 : memref<800000x64xf32, #tpu.memory_space<hbm>>) dst(%dma_wait3A_450 : memref<80x64xf32, #tpu.memory_space<vmem>>)
      %dma_wait3A_456 = arith.constant 560 : i32
      %dma_wait3A_457 = arith.constant 0 : i32
      %dma_wait3A_458 = tpu.memref_slice %arg9[%dma_wait3A_456, %dma_wait3A_457] : memref<800x64xf32, #tpu.memory_space<vmem>> -> memref<80x64xf32, #tpu.memory_space<vmem>>
      %dma_wait3A_459 = arith.constant 1360 : i32
      %dma_wait3A_460 = tpu.memref_slice %arg6[%dma_wait3A_459] : memref<1600xi32, #tpu.memory_space<vmem>> -> memref<80xi32, #tpu.memory_space<vmem>>
      %dma_wait3A_461 = arith.constant 0 : i32
      %dma_wait3A_462 = arith.constant 0 : i32
      %dma_wait3A_463 = tpu.memref_slice %arg3[%dma_wait3A_461, %dma_wait3A_462] : memref<800000x64xf32, #tpu.memory_space<hbm>> -> memref<800000x64xf32, #tpu.memory_space<hbm>>
      tpu.wait_indirect_dma semaphore(%arg11 : memref<!tpu.dma_semaphore, #tpu.memory_space<semaphore_mem>>) src(%dma_wait3A_463 : memref<800000x64xf32, #tpu.memory_space<hbm>>) dst(%dma_wait3A_458 : memref<80x64xf32, #tpu.memory_space<vmem>>)
      %dma_wait3A_464 = arith.constant 640 : i32
      %dma_wait3A_465 = arith.constant 0 : i32
      %dma_wait3A_466 = tpu.memref_slice %arg9[%dma_wait3A_464, %dma_wait3A_465] : memref<800x64xf32, #tpu.memory_space<vmem>> -> memref<80x64xf32, #tpu.memory_space<vmem>>
      %dma_wait3A_467 = arith.constant 1440 : i32
      %dma_wait3A_468 = tpu.memref_slice %arg6[%dma_wait3A_467] : memref<1600xi32, #tpu.memory_space<vmem>> -> memref<80xi32, #tpu.memory_space<vmem>>
      %dma_wait3A_469 = arith.constant 0 : i32
      %dma_wait3A_470 = arith.constant 0 : i32
      %dma_wait3A_471 = tpu.memref_slice %arg3[%dma_wait3A_469, %dma_wait3A_470] : memref<800000x64xf32, #tpu.memory_space<hbm>> -> memref<800000x64xf32, #tpu.memory_space<hbm>>
      tpu.wait_indirect_dma semaphore(%arg11 : memref<!tpu.dma_semaphore, #tpu.memory_space<semaphore_mem>>) src(%dma_wait3A_471 : memref<800000x64xf32, #tpu.memory_space<hbm>>) dst(%dma_wait3A_466 : memref<80x64xf32, #tpu.memory_space<vmem>>)
      %dma_wait3A_472 = arith.constant 720 : i32
      %dma_wait3A_473 = arith.constant 0 : i32
      %dma_wait3A_474 = tpu.memref_slice %arg9[%dma_wait3A_472, %dma_wait3A_473] : memref<800x64xf32, #tpu.memory_space<vmem>> -> memref<80x64xf32, #tpu.memory_space<vmem>>
      %dma_wait3A_475 = arith.constant 1520 : i32
      %dma_wait3A_476 = tpu.memref_slice %arg6[%dma_wait3A_475] : memref<1600xi32, #tpu.memory_space<vmem>> -> memref<80xi32, #tpu.memory_space<vmem>>
      %dma_wait3A_477 = arith.constant 0 : i32
      %dma_wait3A_478 = arith.constant 0 : i32
      %dma_wait3A_479 = tpu.memref_slice %arg3[%dma_wait3A_477, %dma_wait3A_478] : memref<800000x64xf32, #tpu.memory_space<hbm>> -> memref<800000x64xf32, #tpu.memory_space<hbm>>
      tpu.wait_indirect_dma semaphore(%arg11 : memref<!tpu.dma_semaphore, #tpu.memory_space<semaphore_mem>>) src(%dma_wait3A_479 : memref<800000x64xf32, #tpu.memory_space<hbm>>) dst(%dma_wait3A_474 : memref<80x64xf32, #tpu.memory_space<vmem>>)
      %gt3A_480 = arith.constant 0 : i32
      %gt3A_481 = arith.cmpi sgt, %or3A_220, %gt3A_480 : i32
      %convert_element_type3A_482 = arith.extui %gt3A_481 : i1 to i32
      %cond3A_483 = arith.constant 0 : i32
      %cond3A_484 = arith.cmpi ne, %convert_element_type3A_482, %cond3A_483 : i32
      scf.if %cond3A_484 {
        %broadcast_in_dim3A_495 = arith.constant 0.000000e+00 : f32
        %broadcast_in_dim3A_496 = vector.broadcast %broadcast_in_dim3A_495 : f32 to vector<16xf32>
        %scan3A_497 = arith.constant 0 : i32
        %scan3A_498 = arith.constant 0 : i32
        %scan3A_499 = arith.constant 50 : i32
        %scan3A_500 = arith.addi %scan3A_498, %scan3A_499 : i32
        %scan3A_501 = arith.constant 1 : i32
        %scan3A_502 = scf.for %scan3A_504 = %scan3A_498 to %scan3A_500 step %scan3A_501 iter_args(%scan3A_505 = %scan3A_497) -> (i32)  : i32 {
          %mul3A_506 = arith.constant 16 : i32
          %mul3A_507 = arith.muli %scan3A_504, %mul3A_506 : i32
          %add3A_508 = arith.constant 800 : i32
          %add3A_509 = arith.addi %add3A_508, %mul3A_507 : i32
          %get3A = arith.index_cast %add3A_509 : i32 to index
          %get3A_510 = tpu.vector_load %arg6[%get3A] {strides = array<i32>} : memref<1600xi32, #tpu.memory_space<vmem>>, vector<16xi32>,
          %get3A_511 = vector.shape_cast %get3A_510 : vector<16xi32> to vector<16xi32>
          %slice3A_512 = vector.extract_strided_slice %get3A_511 {offsets = [0], sizes = [1], strides = [1]} : vector<16xi32> to vector<1xi32>
          %squeeze3A_513 = vector.extract %slice3A_512[0] : i32 from vector<1xi32>
          %eq3A = arith.cmpi eq, %squeeze3A_513, %mul3A_30 : i32
          %convert_element_type3A_514 = arith.extui %eq3A : i1 to i32
          %cond3A_515 = arith.constant 0 : i32
          %cond3A_516 = arith.cmpi ne, %convert_element_type3A_514, %cond3A_515 : i32
          scf.if %cond3A_516 {
            %mul3A_608 = arith.constant 16 : i32
            %mul3A_609 = arith.muli %scan3A_504, %mul3A_608 : i32
            %add3A_610 = arith.constant 0 : i32
            %add3A_611 = arith.addi %mul3A_609, %add3A_610 : i32
            %swap3A = arith.index_cast %add3A_611 : i32 to index
            %swap3A_612 = arith.constant 0 : index
            %swap3A_613 = tpu.vector_load %arg9[%swap3A, %swap3A_612] {strides = array<i32>} : memref<800x64xf32, #tpu.memory_space<vmem>>, vector<1x16xf32>,
            %swap3A_614 = vector.shape_cast %swap3A_613 : vector<1x16xf32> to vector<16xf32>
            %swap3A_615 = vector.shape_cast %broadcast_in_dim3A_496 : vector<16xf32> to vector<1x16xf32>
            tpu.vector_store %arg9[%swap3A, %swap3A_612], %swap3A_615 {strides = array<i32>} : memref<800x64xf32, #tpu.memory_space<vmem>>, vector<1x16xf32>,
            %mul3A_616 = arith.constant 16 : i32
            %mul3A_617 = arith.muli %scan3A_504, %mul3A_616 : i32
            %add3A_618 = arith.constant 0 : i32
            %add3A_619 = arith.addi %mul3A_617, %add3A_618 : i32
            %swap3A_620 = arith.index_cast %add3A_619 : i32 to index
            %swap3A_621 = arith.constant 16 : index
            %swap3A_622 = tpu.vector_load %arg9[%swap3A_620, %swap3A_621] {strides = array<i32>} : memref<800x64xf32, #tpu.memory_space<vmem>>, vector<1x16xf32>,
            %swap3A_623 = vector.shape_cast %swap3A_622 : vector<1x16xf32> to vector<16xf32>
            %swap3A_624 = vector.shape_cast %broadcast_in_dim3A_496 : vector<16xf32> to vector<1x16xf32>
            tpu.vector_store %arg9[%swap3A_620, %swap3A_621], %swap3A_624 {strides = array<i32>} : memref<800x64xf32, #tpu.memory_space<vmem>>, vector<1x16xf32>,
            %mul3A_625 = arith.constant 16 : i32
            %mul3A_626 = arith.muli %scan3A_504, %mul3A_625 : i32
            %add3A_627 = arith.constant 0 : i32
            %add3A_628 = arith.addi %mul3A_626, %add3A_627 : i32
            %swap3A_629 = arith.index_cast %add3A_628 : i32 to index
            %swap3A_630 = arith.constant 32 : index
            %swap3A_631 = tpu.vector_load %arg9[%swap3A_629, %swap3A_630] {strides = array<i32>} : memref<800x64xf32, #tpu.memory_space<vmem>>, vector<1x16xf32>,
            %swap3A_632 = vector.shape_cast %swap3A_631 : vector<1x16xf32> to vector<16xf32>
            %swap3A_633 = vector.shape_cast %broadcast_in_dim3A_496 : vector<16xf32> to vector<1x16xf32>
            tpu.vector_store %arg9[%swap3A_629, %swap3A_630], %swap3A_633 {strides = array<i32>} : memref<800x64xf32, #tpu.memory_space<vmem>>, vector<1x16xf32>,
            %mul3A_634 = arith.constant 16 : i32
            %mul3A_635 = arith.muli %scan3A_504, %mul3A_634 : i32
            %add3A_636 = arith.constant 0 : i32
            %add3A_637 = arith.addi %mul3A_635, %add3A_636 : i32
            %swap3A_638 = arith.index_cast %add3A_637 : i32 to index
            %swap3A_639 = arith.constant 48 : index
            %swap3A_640 = tpu.vector_load %arg9[%swap3A_638, %swap3A_639] {strides = array<i32>} : memref<800x64xf32, #tpu.memory_space<vmem>>, vector<1x16xf32>,
            %swap3A_641 = vector.shape_cast %swap3A_640 : vector<1x16xf32> to vector<16xf32>
            %swap3A_642 = vector.shape_cast %broadcast_in_dim3A_496 : vector<16xf32> to vector<1x16xf32>
            tpu.vector_store %arg9[%swap3A_638, %swap3A_639], %swap3A_642 {strides = array<i32>} : memref<800x64xf32, #tpu.memory_space<vmem>>, vector<1x16xf32>,
          } else {
          }
          %slice3A_517 = vector.extract_strided_slice %get3A_511 {offsets = [1], sizes = [1], strides = [1]} : vector<16xi32> to vector<1xi32>
          %squeeze3A_518 = vector.extract %slice3A_517[0] : i32 from vector<1xi32>
          %eq3A_519 = arith.cmpi eq, %squeeze3A_518, %mul3A_30 : i32
          %convert_element_type3A_520 = arith.extui %eq3A_519 : i1 to i32
          %cond3A_521 = arith.constant 0 : i32
          %cond3A_522 = arith.cmpi ne, %convert_element_type3A_520, %cond3A_521 : i32
          scf.if %cond3A_522 {
            %mul3A_608 = arith.constant 16 : i32
            %mul3A_609 = arith.muli %scan3A_504, %mul3A_608 : i32
            %add3A_610 = arith.constant 1 : i32
            %add3A_611 = arith.addi %mul3A_609, %add3A_610 : i32
            %swap3A = arith.index_cast %add3A_611 : i32 to index
            %swap3A_612 = arith.constant 0 : index
            %swap3A_613 = tpu.vector_load %arg9[%swap3A, %swap3A_612] {strides = array<i32>} : memref<800x64xf32, #tpu.memory_space<vmem>>, vector<1x16xf32>,
            %swap3A_614 = vector.shape_cast %swap3A_613 : vector<1x16xf32> to vector<16xf32>
            %swap3A_615 = vector.shape_cast %broadcast_in_dim3A_496 : vector<16xf32> to vector<1x16xf32>
            tpu.vector_store %arg9[%swap3A, %swap3A_612], %swap3A_615 {strides = array<i32>} : memref<800x64xf32, #tpu.memory_space<vmem>>, vector<1x16xf32>,
            %mul3A_616 = arith.constant 16 : i32
            %mul3A_617 = arith.muli %scan3A_504, %mul3A_616 : i32
            %add3A_618 = arith.constant 1 : i32
            %add3A_619 = arith.addi %mul3A_617, %add3A_618 : i32
            %swap3A_620 = arith.index_cast %add3A_619 : i32 to index
            %swap3A_621 = arith.constant 16 : index
            %swap3A_622 = tpu.vector_load %arg9[%swap3A_620, %swap3A_621] {strides = array<i32>} : memref<800x64xf32, #tpu.memory_space<vmem>>, vector<1x16xf32>,
            %swap3A_623 = vector.shape_cast %swap3A_622 : vector<1x16xf32> to vector<16xf32>
            %swap3A_624 = vector.shape_cast %broadcast_in_dim3A_496 : vector<16xf32> to vector<1x16xf32>
            tpu.vector_store %arg9[%swap3A_620, %swap3A_621], %swap3A_624 {strides = array<i32>} : memref<800x64xf32, #tpu.memory_space<vmem>>, vector<1x16xf32>,
            %mul3A_625 = arith.constant 16 : i32
            %mul3A_626 = arith.muli %scan3A_504, %mul3A_625 : i32
            %add3A_627 = arith.constant 1 : i32
            %add3A_628 = arith.addi %mul3A_626, %add3A_627 : i32
            %swap3A_629 = arith.index_cast %add3A_628 : i32 to index
            %swap3A_630 = arith.constant 32 : index
            %swap3A_631 = tpu.vector_load %arg9[%swap3A_629, %swap3A_630] {strides = array<i32>} : memref<800x64xf32, #tpu.memory_space<vmem>>, vector<1x16xf32>,
            %swap3A_632 = vector.shape_cast %swap3A_631 : vector<1x16xf32> to vector<16xf32>
            %swap3A_633 = vector.shape_cast %broadcast_in_dim3A_496 : vector<16xf32> to vector<1x16xf32>
            tpu.vector_store %arg9[%swap3A_629, %swap3A_630], %swap3A_633 {strides = array<i32>} : memref<800x64xf32, #tpu.memory_space<vmem>>, vector<1x16xf32>,
            %mul3A_634 = arith.constant 16 : i32
            %mul3A_635 = arith.muli %scan3A_504, %mul3A_634 : i32
            %add3A_636 = arith.constant 1 : i32
            %add3A_637 = arith.addi %mul3A_635, %add3A_636 : i32
            %swap3A_638 = arith.index_cast %add3A_637 : i32 to index
            %swap3A_639 = arith.constant 48 : index
            %swap3A_640 = tpu.vector_load %arg9[%swap3A_638, %swap3A_639] {strides = array<i32>} : memref<800x64xf32, #tpu.memory_space<vmem>>, vector<1x16xf32>,
            %swap3A_641 = vector.shape_cast %swap3A_640 : vector<1x16xf32> to vector<16xf32>
            %swap3A_642 = vector.shape_cast %broadcast_in_dim3A_496 : vector<16xf32> to vector<1x16xf32>
            tpu.vector_store %arg9[%swap3A_638, %swap3A_639], %swap3A_642 {strides = array<i32>} : memref<800x64xf32, #tpu.memory_space<vmem>>, vector<1x16xf32>,
          } else {
          }
          %slice3A_523 = vector.extract_strided_slice %get3A_511 {offsets = [2], sizes = [1], strides = [1]} : vector<16xi32> to vector<1xi32>
          %squeeze3A_524 = vector.extract %slice3A_523[0] : i32 from vector<1xi32>
          %eq3A_525 = arith.cmpi eq, %squeeze3A_524, %mul3A_30 : i32
          %convert_element_type3A_526 = arith.extui %eq3A_525 : i1 to i32
          %cond3A_527 = arith.constant 0 : i32
          %cond3A_528 = arith.cmpi ne, %convert_element_type3A_526, %cond3A_527 : i32
          scf.if %cond3A_528 {
            %mul3A_608 = arith.constant 16 : i32
            %mul3A_609 = arith.muli %scan3A_504, %mul3A_608 : i32
            %add3A_610 = arith.constant 2 : i32
            %add3A_611 = arith.addi %mul3A_609, %add3A_610 : i32
            %swap3A = arith.index_cast %add3A_611 : i32 to index
            %swap3A_612 = arith.constant 0 : index
            %swap3A_613 = tpu.vector_load %arg9[%swap3A, %swap3A_612] {strides = array<i32>} : memref<800x64xf32, #tpu.memory_space<vmem>>, vector<1x16xf32>,
            %swap3A_614 = vector.shape_cast %swap3A_613 : vector<1x16xf32> to vector<16xf32>
            %swap3A_615 = vector.shape_cast %broadcast_in_dim3A_496 : vector<16xf32> to vector<1x16xf32>
            tpu.vector_store %arg9[%swap3A, %swap3A_612], %swap3A_615 {strides = array<i32>} : memref<800x64xf32, #tpu.memory_space<vmem>>, vector<1x16xf32>,
            %mul3A_616 = arith.constant 16 : i32
            %mul3A_617 = arith.muli %scan3A_504, %mul3A_616 : i32
            %add3A_618 = arith.constant 2 : i32
            %add3A_619 = arith.addi %mul3A_617, %add3A_618 : i32
            %swap3A_620 = arith.index_cast %add3A_619 : i32 to index
            %swap3A_621 = arith.constant 16 : index
            %swap3A_622 = tpu.vector_load %arg9[%swap3A_620, %swap3A_621] {strides = array<i32>} : memref<800x64xf32, #tpu.memory_space<vmem>>, vector<1x16xf32>,
            %swap3A_623 = vector.shape_cast %swap3A_622 : vector<1x16xf32> to vector<16xf32>
            %swap3A_624 = vector.shape_cast %broadcast_in_dim3A_496 : vector<16xf32> to vector<1x16xf32>
            tpu.vector_store %arg9[%swap3A_620, %swap3A_621], %swap3A_624 {strides = array<i32>} : memref<800x64xf32, #tpu.memory_space<vmem>>, vector<1x16xf32>,
            %mul3A_625 = arith.constant 16 : i32
            %mul3A_626 = arith.muli %scan3A_504, %mul3A_625 : i32
            %add3A_627 = arith.constant 2 : i32
            %add3A_628 = arith.addi %mul3A_626, %add3A_627 : i32
            %swap3A_629 = arith.index_cast %add3A_628 : i32 to index
            %swap3A_630 = arith.constant 32 : index
            %swap3A_631 = tpu.vector_load %arg9[%swap3A_629, %swap3A_630] {strides = array<i32>} : memref<800x64xf32, #tpu.memory_space<vmem>>, vector<1x16xf32>,
            %swap3A_632 = vector.shape_cast %swap3A_631 : vector<1x16xf32> to vector<16xf32>
            %swap3A_633 = vector.shape_cast %broadcast_in_dim3A_496 : vector<16xf32> to vector<1x16xf32>
            tpu.vector_store %arg9[%swap3A_629, %swap3A_630], %swap3A_633 {strides = array<i32>} : memref<800x64xf32, #tpu.memory_space<vmem>>, vector<1x16xf32>,
            %mul3A_634 = arith.constant 16 : i32
            %mul3A_635 = arith.muli %scan3A_504, %mul3A_634 : i32
            %add3A_636 = arith.constant 2 : i32
            %add3A_637 = arith.addi %mul3A_635, %add3A_636 : i32
            %swap3A_638 = arith.index_cast %add3A_637 : i32 to index
            %swap3A_639 = arith.constant 48 : index
            %swap3A_640 = tpu.vector_load %arg9[%swap3A_638, %swap3A_639] {strides = array<i32>} : memref<800x64xf32, #tpu.memory_space<vmem>>, vector<1x16xf32>,
            %swap3A_641 = vector.shape_cast %swap3A_640 : vector<1x16xf32> to vector<16xf32>
            %swap3A_642 = vector.shape_cast %broadcast_in_dim3A_496 : vector<16xf32> to vector<1x16xf32>
            tpu.vector_store %arg9[%swap3A_638, %swap3A_639], %swap3A_642 {strides = array<i32>} : memref<800x64xf32, #tpu.memory_space<vmem>>, vector<1x16xf32>,
          } else {
          }
          %slice3A_529 = vector.extract_strided_slice %get3A_511 {offsets = [3], sizes = [1], strides = [1]} : vector<16xi32> to vector<1xi32>
          %squeeze3A_530 = vector.extract %slice3A_529[0] : i32 from vector<1xi32>
          %eq3A_531 = arith.cmpi eq, %squeeze3A_530, %mul3A_30 : i32
          %convert_element_type3A_532 = arith.extui %eq3A_531 : i1 to i32
          %cond3A_533 = arith.constant 0 : i32
          %cond3A_534 = arith.cmpi ne, %convert_element_type3A_532, %cond3A_533 : i32
          scf.if %cond3A_534 {
            %mul3A_608 = arith.constant 16 : i32
            %mul3A_609 = arith.muli %scan3A_504, %mul3A_608 : i32
            %add3A_610 = arith.constant 3 : i32
            %add3A_611 = arith.addi %mul3A_609, %add3A_610 : i32
            %swap3A = arith.index_cast %add3A_611 : i32 to index
            %swap3A_612 = arith.constant 0 : index
            %swap3A_613 = tpu.vector_load %arg9[%swap3A, %swap3A_612] {strides = array<i32>} : memref<800x64xf32, #tpu.memory_space<vmem>>, vector<1x16xf32>,
            %swap3A_614 = vector.shape_cast %swap3A_613 : vector<1x16xf32> to vector<16xf32>
            %swap3A_615 = vector.shape_cast %broadcast_in_dim3A_496 : vector<16xf32> to vector<1x16xf32>
            tpu.vector_store %arg9[%swap3A, %swap3A_612], %swap3A_615 {strides = array<i32>} : memref<800x64xf32, #tpu.memory_space<vmem>>, vector<1x16xf32>,
            %mul3A_616 = arith.constant 16 : i32
            %mul3A_617 = arith.muli %scan3A_504, %mul3A_616 : i32
            %add3A_618 = arith.constant 3 : i32
            %add3A_619 = arith.addi %mul3A_617, %add3A_618 : i32
            %swap3A_620 = arith.index_cast %add3A_619 : i32 to index
            %swap3A_621 = arith.constant 16 : index
            %swap3A_622 = tpu.vector_load %arg9[%swap3A_620, %swap3A_621] {strides = array<i32>} : memref<800x64xf32, #tpu.memory_space<vmem>>, vector<1x16xf32>,
            %swap3A_623 = vector.shape_cast %swap3A_622 : vector<1x16xf32> to vector<16xf32>
            %swap3A_624 = vector.shape_cast %broadcast_in_dim3A_496 : vector<16xf32> to vector<1x16xf32>
            tpu.vector_store %arg9[%swap3A_620, %swap3A_621], %swap3A_624 {strides = array<i32>} : memref<800x64xf32, #tpu.memory_space<vmem>>, vector<1x16xf32>,
            %mul3A_625 = arith.constant 16 : i32
            %mul3A_626 = arith.muli %scan3A_504, %mul3A_625 : i32
            %add3A_627 = arith.constant 3 : i32
            %add3A_628 = arith.addi %mul3A_626, %add3A_627 : i32
            %swap3A_629 = arith.index_cast %add3A_628 : i32 to index
            %swap3A_630 = arith.constant 32 : index
            %swap3A_631 = tpu.vector_load %arg9[%swap3A_629, %swap3A_630] {strides = array<i32>} : memref<800x64xf32, #tpu.memory_space<vmem>>, vector<1x16xf32>,
            %swap3A_632 = vector.shape_cast %swap3A_631 : vector<1x16xf32> to vector<16xf32>
            %swap3A_633 = vector.shape_cast %broadcast_in_dim3A_496 : vector<16xf32> to vector<1x16xf32>
            tpu.vector_store %arg9[%swap3A_629, %swap3A_630], %swap3A_633 {strides = array<i32>} : memref<800x64xf32, #tpu.memory_space<vmem>>, vector<1x16xf32>,
            %mul3A_634 = arith.constant 16 : i32
            %mul3A_635 = arith.muli %scan3A_504, %mul3A_634 : i32
            %add3A_636 = arith.constant 3 : i32
            %add3A_637 = arith.addi %mul3A_635, %add3A_636 : i32
            %swap3A_638 = arith.index_cast %add3A_637 : i32 to index
            %swap3A_639 = arith.constant 48 : index
            %swap3A_640 = tpu.vector_load %arg9[%swap3A_638, %swap3A_639] {strides = array<i32>} : memref<800x64xf32, #tpu.memory_space<vmem>>, vector<1x16xf32>,
            %swap3A_641 = vector.shape_cast %swap3A_640 : vector<1x16xf32> to vector<16xf32>
            %swap3A_642 = vector.shape_cast %broadcast_in_dim3A_496 : vector<16xf32> to vector<1x16xf32>
            tpu.vector_store %arg9[%swap3A_638, %swap3A_639], %swap3A_642 {strides = array<i32>} : memref<800x64xf32, #tpu.memory_space<vmem>>, vector<1x16xf32>,
          } else {
          }
          %slice3A_535 = vector.extract_strided_slice %get3A_511 {offsets = [4], sizes = [1], strides = [1]} : vector<16xi32> to vector<1xi32>
          %squeeze3A_536 = vector.extract %slice3A_535[0] : i32 from vector<1xi32>
          %eq3A_537 = arith.cmpi eq, %squeeze3A_536, %mul3A_30 : i32
          %convert_element_type3A_538 = arith.extui %eq3A_537 : i1 to i32
          %cond3A_539 = arith.constant 0 : i32
          %cond3A_540 = arith.cmpi ne, %convert_element_type3A_538, %cond3A_539 : i32
          scf.if %cond3A_540 {
            %mul3A_608 = arith.constant 16 : i32
            %mul3A_609 = arith.muli %scan3A_504, %mul3A_608 : i32
            %add3A_610 = arith.constant 4 : i32
            %add3A_611 = arith.addi %mul3A_609, %add3A_610 : i32
            %swap3A = arith.index_cast %add3A_611 : i32 to index
            %swap3A_612 = arith.constant 0 : index
            %swap3A_613 = tpu.vector_load %arg9[%swap3A, %swap3A_612] {strides = array<i32>} : memref<800x64xf32, #tpu.memory_space<vmem>>, vector<1x16xf32>,
            %swap3A_614 = vector.shape_cast %swap3A_613 : vector<1x16xf32> to vector<16xf32>
            %swap3A_615 = vector.shape_cast %broadcast_in_dim3A_496 : vector<16xf32> to vector<1x16xf32>
            tpu.vector_store %arg9[%swap3A, %swap3A_612], %swap3A_615 {strides = array<i32>} : memref<800x64xf32, #tpu.memory_space<vmem>>, vector<1x16xf32>,
            %mul3A_616 = arith.constant 16 : i32
            %mul3A_617 = arith.muli %scan3A_504, %mul3A_616 : i32
            %add3A_618 = arith.constant 4 : i32
            %add3A_619 = arith.addi %mul3A_617, %add3A_618 : i32
            %swap3A_620 = arith.index_cast %add3A_619 : i32 to index
            %swap3A_621 = arith.constant 16 : index
            %swap3A_622 = tpu.vector_load %arg9[%swap3A_620, %swap3A_621] {strides = array<i32>} : memref<800x64xf32, #tpu.memory_space<vmem>>, vector<1x16xf32>,
            %swap3A_623 = vector.shape_cast %swap3A_622 : vector<1x16xf32> to vector<16xf32>
            %swap3A_624 = vector.shape_cast %broadcast_in_dim3A_496 : vector<16xf32> to vector<1x16xf32>
            tpu.vector_store %arg9[%swap3A_620, %swap3A_621], %swap3A_624 {strides = array<i32>} : memref<800x64xf32, #tpu.memory_space<vmem>>, vector<1x16xf32>,
            %mul3A_625 = arith.constant 16 : i32
            %mul3A_626 = arith.muli %scan3A_504, %mul3A_625 : i32
            %add3A_627 = arith.constant 4 : i32
            %add3A_628 = arith.addi %mul3A_626, %add3A_627 : i32
            %swap3A_629 = arith.index_cast %add3A_628 : i32 to index
            %swap3A_630 = arith.constant 32 : index
            %swap3A_631 = tpu.vector_load %arg9[%swap3A_629, %swap3A_630] {strides = array<i32>} : memref<800x64xf32, #tpu.memory_space<vmem>>, vector<1x16xf32>,
            %swap3A_632 = vector.shape_cast %swap3A_631 : vector<1x16xf32> to vector<16xf32>
            %swap3A_633 = vector.shape_cast %broadcast_in_dim3A_496 : vector<16xf32> to vector<1x16xf32>
            tpu.vector_store %arg9[%swap3A_629, %swap3A_630], %swap3A_633 {strides = array<i32>} : memref<800x64xf32, #tpu.memory_space<vmem>>, vector<1x16xf32>,
            %mul3A_634 = arith.constant 16 : i32
            %mul3A_635 = arith.muli %scan3A_504, %mul3A_634 : i32
            %add3A_636 = arith.constant 4 : i32
            %add3A_637 = arith.addi %mul3A_635, %add3A_636 : i32
            %swap3A_638 = arith.index_cast %add3A_637 : i32 to index
            %swap3A_639 = arith.constant 48 : index
            %swap3A_640 = tpu.vector_load %arg9[%swap3A_638, %swap3A_639] {strides = array<i32>} : memref<800x64xf32, #tpu.memory_space<vmem>>, vector<1x16xf32>,
            %swap3A_641 = vector.shape_cast %swap3A_640 : vector<1x16xf32> to vector<16xf32>
            %swap3A_642 = vector.shape_cast %broadcast_in_dim3A_496 : vector<16xf32> to vector<1x16xf32>
            tpu.vector_store %arg9[%swap3A_638, %swap3A_639], %swap3A_642 {strides = array<i32>} : memref<800x64xf32, #tpu.memory_space<vmem>>, vector<1x16xf32>,
          } else {
          }
          %slice3A_541 = vector.extract_strided_slice %get3A_511 {offsets = [5], sizes = [1], strides = [1]} : vector<16xi32> to vector<1xi32>
          %squeeze3A_542 = vector.extract %slice3A_541[0] : i32 from vector<1xi32>
          %eq3A_543 = arith.cmpi eq, %squeeze3A_542, %mul3A_30 : i32
          %convert_element_type3A_544 = arith.extui %eq3A_543 : i1 to i32
          %cond3A_545 = arith.constant 0 : i32
          %cond3A_546 = arith.cmpi ne, %convert_element_type3A_544, %cond3A_545 : i32
          scf.if %cond3A_546 {
            %mul3A_608 = arith.constant 16 : i32
            %mul3A_609 = arith.muli %scan3A_504, %mul3A_608 : i32
            %add3A_610 = arith.constant 5 : i32
            %add3A_611 = arith.addi %mul3A_609, %add3A_610 : i32
            %swap3A = arith.index_cast %add3A_611 : i32 to index
            %swap3A_612 = arith.constant 0 : index
            %swap3A_613 = tpu.vector_load %arg9[%swap3A, %swap3A_612] {strides = array<i32>} : memref<800x64xf32, #tpu.memory_space<vmem>>, vector<1x16xf32>,
            %swap3A_614 = vector.shape_cast %swap3A_613 : vector<1x16xf32> to vector<16xf32>
            %swap3A_615 = vector.shape_cast %broadcast_in_dim3A_496 : vector<16xf32> to vector<1x16xf32>
            tpu.vector_store %arg9[%swap3A, %swap3A_612], %swap3A_615 {strides = array<i32>} : memref<800x64xf32, #tpu.memory_space<vmem>>, vector<1x16xf32>,
            %mul3A_616 = arith.constant 16 : i32
            %mul3A_617 = arith.muli %scan3A_504, %mul3A_616 : i32
            %add3A_618 = arith.constant 5 : i32
            %add3A_619 = arith.addi %mul3A_617, %add3A_618 : i32
            %swap3A_620 = arith.index_cast %add3A_619 : i32 to index
            %swap3A_621 = arith.constant 16 : index
            %swap3A_622 = tpu.vector_load %arg9[%swap3A_620, %swap3A_621] {strides = array<i32>} : memref<800x64xf32, #tpu.memory_space<vmem>>, vector<1x16xf32>,
            %swap3A_623 = vector.shape_cast %swap3A_622 : vector<1x16xf32> to vector<16xf32>
            %swap3A_624 = vector.shape_cast %broadcast_in_dim3A_496 : vector<16xf32> to vector<1x16xf32>
            tpu.vector_store %arg9[%swap3A_620, %swap3A_621], %swap3A_624 {strides = array<i32>} : memref<800x64xf32, #tpu.memory_space<vmem>>, vector<1x16xf32>,
            %mul3A_625 = arith.constant 16 : i32
            %mul3A_626 = arith.muli %scan3A_504, %mul3A_625 : i32
            %add3A_627 = arith.constant 5 : i32
            %add3A_628 = arith.addi %mul3A_626, %add3A_627 : i32
            %swap3A_629 = arith.index_cast %add3A_628 : i32 to index
            %swap3A_630 = arith.constant 32 : index
            %swap3A_631 = tpu.vector_load %arg9[%swap3A_629, %swap3A_630] {strides = array<i32>} : memref<800x64xf32, #tpu.memory_space<vmem>>, vector<1x16xf32>,
            %swap3A_632 = vector.shape_cast %swap3A_631 : vector<1x16xf32> to vector<16xf32>
            %swap3A_633 = vector.shape_cast %broadcast_in_dim3A_496 : vector<16xf32> to vector<1x16xf32>
            tpu.vector_store %arg9[%swap3A_629, %swap3A_630], %swap3A_633 {strides = array<i32>} : memref<800x64xf32, #tpu.memory_space<vmem>>, vector<1x16xf32>,
            %mul3A_634 = arith.constant 16 : i32
            %mul3A_635 = arith.muli %scan3A_504, %mul3A_634 : i32
            %add3A_636 = arith.constant 5 : i32
            %add3A_637 = arith.addi %mul3A_635, %add3A_636 : i32
            %swap3A_638 = arith.index_cast %add3A_637 : i32 to index
            %swap3A_639 = arith.constant 48 : index
            %swap3A_640 = tpu.vector_load %arg9[%swap3A_638, %swap3A_639] {strides = array<i32>} : memref<800x64xf32, #tpu.memory_space<vmem>>, vector<1x16xf32>,
            %swap3A_641 = vector.shape_cast %swap3A_640 : vector<1x16xf32> to vector<16xf32>
            %swap3A_642 = vector.shape_cast %broadcast_in_dim3A_496 : vector<16xf32> to vector<1x16xf32>
            tpu.vector_store %arg9[%swap3A_638, %swap3A_639], %swap3A_642 {strides = array<i32>} : memref<800x64xf32, #tpu.memory_space<vmem>>, vector<1x16xf32>,
          } else {
          }
          %slice3A_547 = vector.extract_strided_slice %get3A_511 {offsets = [6], sizes = [1], strides = [1]} : vector<16xi32> to vector<1xi32>
          %squeeze3A_548 = vector.extract %slice3A_547[0] : i32 from vector<1xi32>
          %eq3A_549 = arith.cmpi eq, %squeeze3A_548, %mul3A_30 : i32
          %convert_element_type3A_550 = arith.extui %eq3A_549 : i1 to i32
          %cond3A_551 = arith.constant 0 : i32
          %cond3A_552 = arith.cmpi ne, %convert_element_type3A_550, %cond3A_551 : i32
          scf.if %cond3A_552 {
            %mul3A_608 = arith.constant 16 : i32
            %mul3A_609 = arith.muli %scan3A_504, %mul3A_608 : i32
            %add3A_610 = arith.constant 6 : i32
            %add3A_611 = arith.addi %mul3A_609, %add3A_610 : i32
            %swap3A = arith.index_cast %add3A_611 : i32 to index
            %swap3A_612 = arith.constant 0 : index
            %swap3A_613 = tpu.vector_load %arg9[%swap3A, %swap3A_612] {strides = array<i32>} : memref<800x64xf32, #tpu.memory_space<vmem>>, vector<1x16xf32>,
            %swap3A_614 = vector.shape_cast %swap3A_613 : vector<1x16xf32> to vector<16xf32>
            %swap3A_615 = vector.shape_cast %broadcast_in_dim3A_496 : vector<16xf32> to vector<1x16xf32>
            tpu.vector_store %arg9[%swap3A, %swap3A_612], %swap3A_615 {strides = array<i32>} : memref<800x64xf32, #tpu.memory_space<vmem>>, vector<1x16xf32>,
            %mul3A_616 = arith.constant 16 : i32
            %mul3A_617 = arith.muli %scan3A_504, %mul3A_616 : i32
            %add3A_618 = arith.constant 6 : i32
            %add3A_619 = arith.addi %mul3A_617, %add3A_618 : i32
            %swap3A_620 = arith.index_cast %add3A_619 : i32 to index
            %swap3A_621 = arith.constant 16 : index
            %swap3A_622 = tpu.vector_load %arg9[%swap3A_620, %swap3A_621] {strides = array<i32>} : memref<800x64xf32, #tpu.memory_space<vmem>>, vector<1x16xf32>,
            %swap3A_623 = vector.shape_cast %swap3A_622 : vector<1x16xf32> to vector<16xf32>
            %swap3A_624 = vector.shape_cast %broadcast_in_dim3A_496 : vector<16xf32> to vector<1x16xf32>
            tpu.vector_store %arg9[%swap3A_620, %swap3A_621], %swap3A_624 {strides = array<i32>} : memref<800x64xf32, #tpu.memory_space<vmem>>, vector<1x16xf32>,
            %mul3A_625 = arith.constant 16 : i32
            %mul3A_626 = arith.muli %scan3A_504, %mul3A_625 : i32
            %add3A_627 = arith.constant 6 : i32
            %add3A_628 = arith.addi %mul3A_626, %add3A_627 : i32
            %swap3A_629 = arith.index_cast %add3A_628 : i32 to index
            %swap3A_630 = arith.constant 32 : index
            %swap3A_631 = tpu.vector_load %arg9[%swap3A_629, %swap3A_630] {strides = array<i32>} : memref<800x64xf32, #tpu.memory_space<vmem>>, vector<1x16xf32>,
            %swap3A_632 = vector.shape_cast %swap3A_631 : vector<1x16xf32> to vector<16xf32>
            %swap3A_633 = vector.shape_cast %broadcast_in_dim3A_496 : vector<16xf32> to vector<1x16xf32>
            tpu.vector_store %arg9[%swap3A_629, %swap3A_630], %swap3A_633 {strides = array<i32>} : memref<800x64xf32, #tpu.memory_space<vmem>>, vector<1x16xf32>,
            %mul3A_634 = arith.constant 16 : i32
            %mul3A_635 = arith.muli %scan3A_504, %mul3A_634 : i32
            %add3A_636 = arith.constant 6 : i32
            %add3A_637 = arith.addi %mul3A_635, %add3A_636 : i32
            %swap3A_638 = arith.index_cast %add3A_637 : i32 to index
            %swap3A_639 = arith.constant 48 : index
            %swap3A_640 = tpu.vector_load %arg9[%swap3A_638, %swap3A_639] {strides = array<i32>} : memref<800x64xf32, #tpu.memory_space<vmem>>, vector<1x16xf32>,
            %swap3A_641 = vector.shape_cast %swap3A_640 : vector<1x16xf32> to vector<16xf32>
            %swap3A_642 = vector.shape_cast %broadcast_in_dim3A_496 : vector<16xf32> to vector<1x16xf32>
            tpu.vector_store %arg9[%swap3A_638, %swap3A_639], %swap3A_642 {strides = array<i32>} : memref<800x64xf32, #tpu.memory_space<vmem>>, vector<1x16xf32>,
          } else {
          }
          %slice3A_553 = vector.extract_strided_slice %get3A_511 {offsets = [7], sizes = [1], strides = [1]} : vector<16xi32> to vector<1xi32>
          %squeeze3A_554 = vector.extract %slice3A_553[0] : i32 from vector<1xi32>
          %eq3A_555 = arith.cmpi eq, %squeeze3A_554, %mul3A_30 : i32
          %convert_element_type3A_556 = arith.extui %eq3A_555 : i1 to i32
          %cond3A_557 = arith.constant 0 : i32
          %cond3A_558 = arith.cmpi ne, %convert_element_type3A_556, %cond3A_557 : i32
          scf.if %cond3A_558 {
            %mul3A_608 = arith.constant 16 : i32
            %mul3A_609 = arith.muli %scan3A_504, %mul3A_608 : i32
            %add3A_610 = arith.constant 7 : i32
            %add3A_611 = arith.addi %mul3A_609, %add3A_610 : i32
            %swap3A = arith.index_cast %add3A_611 : i32 to index
            %swap3A_612 = arith.constant 0 : index
            %swap3A_613 = tpu.vector_load %arg9[%swap3A, %swap3A_612] {strides = array<i32>} : memref<800x64xf32, #tpu.memory_space<vmem>>, vector<1x16xf32>,
            %swap3A_614 = vector.shape_cast %swap3A_613 : vector<1x16xf32> to vector<16xf32>
            %swap3A_615 = vector.shape_cast %broadcast_in_dim3A_496 : vector<16xf32> to vector<1x16xf32>
            tpu.vector_store %arg9[%swap3A, %swap3A_612], %swap3A_615 {strides = array<i32>} : memref<800x64xf32, #tpu.memory_space<vmem>>, vector<1x16xf32>,
            %mul3A_616 = arith.constant 16 : i32
            %mul3A_617 = arith.muli %scan3A_504, %mul3A_616 : i32
            %add3A_618 = arith.constant 7 : i32
            %add3A_619 = arith.addi %mul3A_617, %add3A_618 : i32
            %swap3A_620 = arith.index_cast %add3A_619 : i32 to index
            %swap3A_621 = arith.constant 16 : index
            %swap3A_622 = tpu.vector_load %arg9[%swap3A_620, %swap3A_621] {strides = array<i32>} : memref<800x64xf32, #tpu.memory_space<vmem>>, vector<1x16xf32>,
            %swap3A_623 = vector.shape_cast %swap3A_622 : vector<1x16xf32> to vector<16xf32>
            %swap3A_624 = vector.shape_cast %broadcast_in_dim3A_496 : vector<16xf32> to vector<1x16xf32>
            tpu.vector_store %arg9[%swap3A_620, %swap3A_621], %swap3A_624 {strides = array<i32>} : memref<800x64xf32, #tpu.memory_space<vmem>>, vector<1x16xf32>,
            %mul3A_625 = arith.constant 16 : i32
            %mul3A_626 = arith.muli %scan3A_504, %mul3A_625 : i32
            %add3A_627 = arith.constant 7 : i32
            %add3A_628 = arith.addi %mul3A_626, %add3A_627 : i32
            %swap3A_629 = arith.index_cast %add3A_628 : i32 to index
            %swap3A_630 = arith.constant 32 : index
            %swap3A_631 = tpu.vector_load %arg9[%swap3A_629, %swap3A_630] {strides = array<i32>} : memref<800x64xf32, #tpu.memory_space<vmem>>, vector<1x16xf32>,
            %swap3A_632 = vector.shape_cast %swap3A_631 : vector<1x16xf32> to vector<16xf32>
            %swap3A_633 = vector.shape_cast %broadcast_in_dim3A_496 : vector<16xf32> to vector<1x16xf32>
            tpu.vector_store %arg9[%swap3A_629, %swap3A_630], %swap3A_633 {strides = array<i32>} : memref<800x64xf32, #tpu.memory_space<vmem>>, vector<1x16xf32>,
            %mul3A_634 = arith.constant 16 : i32
            %mul3A_635 = arith.muli %scan3A_504, %mul3A_634 : i32
            %add3A_636 = arith.constant 7 : i32
            %add3A_637 = arith.addi %mul3A_635, %add3A_636 : i32
            %swap3A_638 = arith.index_cast %add3A_637 : i32 to index
            %swap3A_639 = arith.constant 48 : index
            %swap3A_640 = tpu.vector_load %arg9[%swap3A_638, %swap3A_639] {strides = array<i32>} : memref<800x64xf32, #tpu.memory_space<vmem>>, vector<1x16xf32>,
            %swap3A_641 = vector.shape_cast %swap3A_640 : vector<1x16xf32> to vector<16xf32>
            %swap3A_642 = vector.shape_cast %broadcast_in_dim3A_496 : vector<16xf32> to vector<1x16xf32>
            tpu.vector_store %arg9[%swap3A_638, %swap3A_639], %swap3A_642 {strides = array<i32>} : memref<800x64xf32, #tpu.memory_space<vmem>>, vector<1x16xf32>,
          } else {
          }
          %slice3A_559 = vector.extract_strided_slice %get3A_511 {offsets = [8], sizes = [1], strides = [1]} : vector<16xi32> to vector<1xi32>
          %squeeze3A_560 = vector.extract %slice3A_559[0] : i32 from vector<1xi32>
          %eq3A_561 = arith.cmpi eq, %squeeze3A_560, %mul3A_30 : i32
          %convert_element_type3A_562 = arith.extui %eq3A_561 : i1 to i32
          %cond3A_563 = arith.constant 0 : i32
          %cond3A_564 = arith.cmpi ne, %convert_element_type3A_562, %cond3A_563 : i32
          scf.if %cond3A_564 {
            %mul3A_608 = arith.constant 16 : i32
            %mul3A_609 = arith.muli %scan3A_504, %mul3A_608 : i32
            %add3A_610 = arith.constant 8 : i32
            %add3A_611 = arith.addi %mul3A_609, %add3A_610 : i32
            %swap3A = arith.index_cast %add3A_611 : i32 to index
            %swap3A_612 = arith.constant 0 : index
            %swap3A_613 = tpu.vector_load %arg9[%swap3A, %swap3A_612] {strides = array<i32>} : memref<800x64xf32, #tpu.memory_space<vmem>>, vector<1x16xf32>,
            %swap3A_614 = vector.shape_cast %swap3A_613 : vector<1x16xf32> to vector<16xf32>
            %swap3A_615 = vector.shape_cast %broadcast_in_dim3A_496 : vector<16xf32> to vector<1x16xf32>
            tpu.vector_store %arg9[%swap3A, %swap3A_612], %swap3A_615 {strides = array<i32>} : memref<800x64xf32, #tpu.memory_space<vmem>>, vector<1x16xf32>,
            %mul3A_616 = arith.constant 16 : i32
            %mul3A_617 = arith.muli %scan3A_504, %mul3A_616 : i32
            %add3A_618 = arith.constant 8 : i32
            %add3A_619 = arith.addi %mul3A_617, %add3A_618 : i32
            %swap3A_620 = arith.index_cast %add3A_619 : i32 to index
            %swap3A_621 = arith.constant 16 : index
            %swap3A_622 = tpu.vector_load %arg9[%swap3A_620, %swap3A_621] {strides = array<i32>} : memref<800x64xf32, #tpu.memory_space<vmem>>, vector<1x16xf32>,
            %swap3A_623 = vector.shape_cast %swap3A_622 : vector<1x16xf32> to vector<16xf32>
            %swap3A_624 = vector.shape_cast %broadcast_in_dim3A_496 : vector<16xf32> to vector<1x16xf32>
            tpu.vector_store %arg9[%swap3A_620, %swap3A_621], %swap3A_624 {strides = array<i32>} : memref<800x64xf32, #tpu.memory_space<vmem>>, vector<1x16xf32>,
            %mul3A_625 = arith.constant 16 : i32
            %mul3A_626 = arith.muli %scan3A_504, %mul3A_625 : i32
            %add3A_627 = arith.constant 8 : i32
            %add3A_628 = arith.addi %mul3A_626, %add3A_627 : i32
            %swap3A_629 = arith.index_cast %add3A_628 : i32 to index
            %swap3A_630 = arith.constant 32 : index
            %swap3A_631 = tpu.vector_load %arg9[%swap3A_629, %swap3A_630] {strides = array<i32>} : memref<800x64xf32, #tpu.memory_space<vmem>>, vector<1x16xf32>,
            %swap3A_632 = vector.shape_cast %swap3A_631 : vector<1x16xf32> to vector<16xf32>
            %swap3A_633 = vector.shape_cast %broadcast_in_dim3A_496 : vector<16xf32> to vector<1x16xf32>
            tpu.vector_store %arg9[%swap3A_629, %swap3A_630], %swap3A_633 {strides = array<i32>} : memref<800x64xf32, #tpu.memory_space<vmem>>, vector<1x16xf32>,
            %mul3A_634 = arith.constant 16 : i32
            %mul3A_635 = arith.muli %scan3A_504, %mul3A_634 : i32
            %add3A_636 = arith.constant 8 : i32
            %add3A_637 = arith.addi %mul3A_635, %add3A_636 : i32
            %swap3A_638 = arith.index_cast %add3A_637 : i32 to index
            %swap3A_639 = arith.constant 48 : index
            %swap3A_640 = tpu.vector_load %arg9[%swap3A_638, %swap3A_639] {strides = array<i32>} : memref<800x64xf32, #tpu.memory_space<vmem>>, vector<1x16xf32>,
            %swap3A_641 = vector.shape_cast %swap3A_640 : vector<1x16xf32> to vector<16xf32>
            %swap3A_642 = vector.shape_cast %broadcast_in_dim3A_496 : vector<16xf32> to vector<1x16xf32>
            tpu.vector_store %arg9[%swap3A_638, %swap3A_639], %swap3A_642 {strides = array<i32>} : memref<800x64xf32, #tpu.memory_space<vmem>>, vector<1x16xf32>,
          } else {
          }
          %slice3A_565 = vector.extract_strided_slice %get3A_511 {offsets = [9], sizes = [1], strides = [1]} : vector<16xi32> to vector<1xi32>
          %squeeze3A_566 = vector.extract %slice3A_565[0] : i32 from vector<1xi32>
          %eq3A_567 = arith.cmpi eq, %squeeze3A_566, %mul3A_30 : i32
          %convert_element_type3A_568 = arith.extui %eq3A_567 : i1 to i32
          %cond3A_569 = arith.constant 0 : i32
          %cond3A_570 = arith.cmpi ne, %convert_element_type3A_568, %cond3A_569 : i32
          scf.if %cond3A_570 {
            %mul3A_608 = arith.constant 16 : i32
            %mul3A_609 = arith.muli %scan3A_504, %mul3A_608 : i32
            %add3A_610 = arith.constant 9 : i32
            %add3A_611 = arith.addi %mul3A_609, %add3A_610 : i32
            %swap3A = arith.index_cast %add3A_611 : i32 to index
            %swap3A_612 = arith.constant 0 : index
            %swap3A_613 = tpu.vector_load %arg9[%swap3A, %swap3A_612] {strides = array<i32>} : memref<800x64xf32, #tpu.memory_space<vmem>>, vector<1x16xf32>,
            %swap3A_614 = vector.shape_cast %swap3A_613 : vector<1x16xf32> to vector<16xf32>
            %swap3A_615 = vector.shape_cast %broadcast_in_dim3A_496 : vector<16xf32> to vector<1x16xf32>
            tpu.vector_store %arg9[%swap3A, %swap3A_612], %swap3A_615 {strides = array<i32>} : memref<800x64xf32, #tpu.memory_space<vmem>>, vector<1x16xf32>,
            %mul3A_616 = arith.constant 16 : i32
            %mul3A_617 = arith.muli %scan3A_504, %mul3A_616 : i32
            %add3A_618 = arith.constant 9 : i32
            %add3A_619 = arith.addi %mul3A_617, %add3A_618 : i32
            %swap3A_620 = arith.index_cast %add3A_619 : i32 to index
            %swap3A_621 = arith.constant 16 : index
            %swap3A_622 = tpu.vector_load %arg9[%swap3A_620, %swap3A_621] {strides = array<i32>} : memref<800x64xf32, #tpu.memory_space<vmem>>, vector<1x16xf32>,
            %swap3A_623 = vector.shape_cast %swap3A_622 : vector<1x16xf32> to vector<16xf32>
            %swap3A_624 = vector.shape_cast %broadcast_in_dim3A_496 : vector<16xf32> to vector<1x16xf32>
            tpu.vector_store %arg9[%swap3A_620, %swap3A_621], %swap3A_624 {strides = array<i32>} : memref<800x64xf32, #tpu.memory_space<vmem>>, vector<1x16xf32>,
            %mul3A_625 = arith.constant 16 : i32
            %mul3A_626 = arith.muli %scan3A_504, %mul3A_625 : i32
            %add3A_627 = arith.constant 9 : i32
            %add3A_628 = arith.addi %mul3A_626, %add3A_627 : i32
            %swap3A_629 = arith.index_cast %add3A_628 : i32 to index
            %swap3A_630 = arith.constant 32 : index
            %swap3A_631 = tpu.vector_load %arg9[%swap3A_629, %swap3A_630] {strides = array<i32>} : memref<800x64xf32, #tpu.memory_space<vmem>>, vector<1x16xf32>,
            %swap3A_632 = vector.shape_cast %swap3A_631 : vector<1x16xf32> to vector<16xf32>
            %swap3A_633 = vector.shape_cast %broadcast_in_dim3A_496 : vector<16xf32> to vector<1x16xf32>
            tpu.vector_store %arg9[%swap3A_629, %swap3A_630], %swap3A_633 {strides = array<i32>} : memref<800x64xf32, #tpu.memory_space<vmem>>, vector<1x16xf32>,
            %mul3A_634 = arith.constant 16 : i32
            %mul3A_635 = arith.muli %scan3A_504, %mul3A_634 : i32
            %add3A_636 = arith.constant 9 : i32
            %add3A_637 = arith.addi %mul3A_635, %add3A_636 : i32
            %swap3A_638 = arith.index_cast %add3A_637 : i32 to index
            %swap3A_639 = arith.constant 48 : index
            %swap3A_640 = tpu.vector_load %arg9[%swap3A_638, %swap3A_639] {strides = array<i32>} : memref<800x64xf32, #tpu.memory_space<vmem>>, vector<1x16xf32>,
            %swap3A_641 = vector.shape_cast %swap3A_640 : vector<1x16xf32> to vector<16xf32>
            %swap3A_642 = vector.shape_cast %broadcast_in_dim3A_496 : vector<16xf32> to vector<1x16xf32>
            tpu.vector_store %arg9[%swap3A_638, %swap3A_639], %swap3A_642 {strides = array<i32>} : memref<800x64xf32, #tpu.memory_space<vmem>>, vector<1x16xf32>,
          } else {
          }
          %slice3A_571 = vector.extract_strided_slice %get3A_511 {offsets = [10], sizes = [1], strides = [1]} : vector<16xi32> to vector<1xi32>
          %squeeze3A_572 = vector.extract %slice3A_571[0] : i32 from vector<1xi32>
          %eq3A_573 = arith.cmpi eq, %squeeze3A_572, %mul3A_30 : i32
          %convert_element_type3A_574 = arith.extui %eq3A_573 : i1 to i32
          %cond3A_575 = arith.constant 0 : i32
          %cond3A_576 = arith.cmpi ne, %convert_element_type3A_574, %cond3A_575 : i32
          scf.if %cond3A_576 {
            %mul3A_608 = arith.constant 16 : i32
            %mul3A_609 = arith.muli %scan3A_504, %mul3A_608 : i32
            %add3A_610 = arith.constant 10 : i32
            %add3A_611 = arith.addi %mul3A_609, %add3A_610 : i32
            %swap3A = arith.index_cast %add3A_611 : i32 to index
            %swap3A_612 = arith.constant 0 : index
            %swap3A_613 = tpu.vector_load %arg9[%swap3A, %swap3A_612] {strides = array<i32>} : memref<800x64xf32, #tpu.memory_space<vmem>>, vector<1x16xf32>,
            %swap3A_614 = vector.shape_cast %swap3A_613 : vector<1x16xf32> to vector<16xf32>
            %swap3A_615 = vector.shape_cast %broadcast_in_dim3A_496 : vector<16xf32> to vector<1x16xf32>
            tpu.vector_store %arg9[%swap3A, %swap3A_612], %swap3A_615 {strides = array<i32>} : memref<800x64xf32, #tpu.memory_space<vmem>>, vector<1x16xf32>,
            %mul3A_616 = arith.constant 16 : i32
            %mul3A_617 = arith.muli %scan3A_504, %mul3A_616 : i32
            %add3A_618 = arith.constant 10 : i32
            %add3A_619 = arith.addi %mul3A_617, %add3A_618 : i32
            %swap3A_620 = arith.index_cast %add3A_619 : i32 to index
            %swap3A_621 = arith.constant 16 : index
            %swap3A_622 = tpu.vector_load %arg9[%swap3A_620, %swap3A_621] {strides = array<i32>} : memref<800x64xf32, #tpu.memory_space<vmem>>, vector<1x16xf32>,
            %swap3A_623 = vector.shape_cast %swap3A_622 : vector<1x16xf32> to vector<16xf32>
            %swap3A_624 = vector.shape_cast %broadcast_in_dim3A_496 : vector<16xf32> to vector<1x16xf32>
            tpu.vector_store %arg9[%swap3A_620, %swap3A_621], %swap3A_624 {strides = array<i32>} : memref<800x64xf32, #tpu.memory_space<vmem>>, vector<1x16xf32>,
            %mul3A_625 = arith.constant 16 : i32
            %mul3A_626 = arith.muli %scan3A_504, %mul3A_625 : i32
            %add3A_627 = arith.constant 10 : i32
            %add3A_628 = arith.addi %mul3A_626, %add3A_627 : i32
            %swap3A_629 = arith.index_cast %add3A_628 : i32 to index
            %swap3A_630 = arith.constant 32 : index
            %swap3A_631 = tpu.vector_load %arg9[%swap3A_629, %swap3A_630] {strides = array<i32>} : memref<800x64xf32, #tpu.memory_space<vmem>>, vector<1x16xf32>,
            %swap3A_632 = vector.shape_cast %swap3A_631 : vector<1x16xf32> to vector<16xf32>
            %swap3A_633 = vector.shape_cast %broadcast_in_dim3A_496 : vector<16xf32> to vector<1x16xf32>
            tpu.vector_store %arg9[%swap3A_629, %swap3A_630], %swap3A_633 {strides = array<i32>} : memref<800x64xf32, #tpu.memory_space<vmem>>, vector<1x16xf32>,
            %mul3A_634 = arith.constant 16 : i32
            %mul3A_635 = arith.muli %scan3A_504, %mul3A_634 : i32
            %add3A_636 = arith.constant 10 : i32
            %add3A_637 = arith.addi %mul3A_635, %add3A_636 : i32
            %swap3A_638 = arith.index_cast %add3A_637 : i32 to index
            %swap3A_639 = arith.constant 48 : index
            %swap3A_640 = tpu.vector_load %arg9[%swap3A_638, %swap3A_639] {strides = array<i32>} : memref<800x64xf32, #tpu.memory_space<vmem>>, vector<1x16xf32>,
            %swap3A_641 = vector.shape_cast %swap3A_640 : vector<1x16xf32> to vector<16xf32>
            %swap3A_642 = vector.shape_cast %broadcast_in_dim3A_496 : vector<16xf32> to vector<1x16xf32>
            tpu.vector_store %arg9[%swap3A_638, %swap3A_639], %swap3A_642 {strides = array<i32>} : memref<800x64xf32, #tpu.memory_space<vmem>>, vector<1x16xf32>,
          } else {
          }
          %slice3A_577 = vector.extract_strided_slice %get3A_511 {offsets = [11], sizes = [1], strides = [1]} : vector<16xi32> to vector<1xi32>
          %squeeze3A_578 = vector.extract %slice3A_577[0] : i32 from vector<1xi32>
          %eq3A_579 = arith.cmpi eq, %squeeze3A_578, %mul3A_30 : i32
          %convert_element_type3A_580 = arith.extui %eq3A_579 : i1 to i32
          %cond3A_581 = arith.constant 0 : i32
          %cond3A_582 = arith.cmpi ne, %convert_element_type3A_580, %cond3A_581 : i32
          scf.if %cond3A_582 {
            %mul3A_608 = arith.constant 16 : i32
            %mul3A_609 = arith.muli %scan3A_504, %mul3A_608 : i32
            %add3A_610 = arith.constant 11 : i32
            %add3A_611 = arith.addi %mul3A_609, %add3A_610 : i32
            %swap3A = arith.index_cast %add3A_611 : i32 to index
            %swap3A_612 = arith.constant 0 : index
            %swap3A_613 = tpu.vector_load %arg9[%swap3A, %swap3A_612] {strides = array<i32>} : memref<800x64xf32, #tpu.memory_space<vmem>>, vector<1x16xf32>,
            %swap3A_614 = vector.shape_cast %swap3A_613 : vector<1x16xf32> to vector<16xf32>
            %swap3A_615 = vector.shape_cast %broadcast_in_dim3A_496 : vector<16xf32> to vector<1x16xf32>
            tpu.vector_store %arg9[%swap3A, %swap3A_612], %swap3A_615 {strides = array<i32>} : memref<800x64xf32, #tpu.memory_space<vmem>>, vector<1x16xf32>,
            %mul3A_616 = arith.constant 16 : i32
            %mul3A_617 = arith.muli %scan3A_504, %mul3A_616 : i32
            %add3A_618 = arith.constant 11 : i32
            %add3A_619 = arith.addi %mul3A_617, %add3A_618 : i32
            %swap3A_620 = arith.index_cast %add3A_619 : i32 to index
            %swap3A_621 = arith.constant 16 : index
            %swap3A_622 = tpu.vector_load %arg9[%swap3A_620, %swap3A_621] {strides = array<i32>} : memref<800x64xf32, #tpu.memory_space<vmem>>, vector<1x16xf32>,
            %swap3A_623 = vector.shape_cast %swap3A_622 : vector<1x16xf32> to vector<16xf32>
            %swap3A_624 = vector.shape_cast %broadcast_in_dim3A_496 : vector<16xf32> to vector<1x16xf32>
            tpu.vector_store %arg9[%swap3A_620, %swap3A_621], %swap3A_624 {strides = array<i32>} : memref<800x64xf32, #tpu.memory_space<vmem>>, vector<1x16xf32>,
            %mul3A_625 = arith.constant 16 : i32
            %mul3A_626 = arith.muli %scan3A_504, %mul3A_625 : i32
            %add3A_627 = arith.constant 11 : i32
            %add3A_628 = arith.addi %mul3A_626, %add3A_627 : i32
            %swap3A_629 = arith.index_cast %add3A_628 : i32 to index
            %swap3A_630 = arith.constant 32 : index
            %swap3A_631 = tpu.vector_load %arg9[%swap3A_629, %swap3A_630] {strides = array<i32>} : memref<800x64xf32, #tpu.memory_space<vmem>>, vector<1x16xf32>,
            %swap3A_632 = vector.shape_cast %swap3A_631 : vector<1x16xf32> to vector<16xf32>
            %swap3A_633 = vector.shape_cast %broadcast_in_dim3A_496 : vector<16xf32> to vector<1x16xf32>
            tpu.vector_store %arg9[%swap3A_629, %swap3A_630], %swap3A_633 {strides = array<i32>} : memref<800x64xf32, #tpu.memory_space<vmem>>, vector<1x16xf32>,
            %mul3A_634 = arith.constant 16 : i32
            %mul3A_635 = arith.muli %scan3A_504, %mul3A_634 : i32
            %add3A_636 = arith.constant 11 : i32
            %add3A_637 = arith.addi %mul3A_635, %add3A_636 : i32
            %swap3A_638 = arith.index_cast %add3A_637 : i32 to index
            %swap3A_639 = arith.constant 48 : index
            %swap3A_640 = tpu.vector_load %arg9[%swap3A_638, %swap3A_639] {strides = array<i32>} : memref<800x64xf32, #tpu.memory_space<vmem>>, vector<1x16xf32>,
            %swap3A_641 = vector.shape_cast %swap3A_640 : vector<1x16xf32> to vector<16xf32>
            %swap3A_642 = vector.shape_cast %broadcast_in_dim3A_496 : vector<16xf32> to vector<1x16xf32>
            tpu.vector_store %arg9[%swap3A_638, %swap3A_639], %swap3A_642 {strides = array<i32>} : memref<800x64xf32, #tpu.memory_space<vmem>>, vector<1x16xf32>,
          } else {
          }
          %slice3A_583 = vector.extract_strided_slice %get3A_511 {offsets = [12], sizes = [1], strides = [1]} : vector<16xi32> to vector<1xi32>
          %squeeze3A_584 = vector.extract %slice3A_583[0] : i32 from vector<1xi32>
          %eq3A_585 = arith.cmpi eq, %squeeze3A_584, %mul3A_30 : i32
          %convert_element_type3A_586 = arith.extui %eq3A_585 : i1 to i32
          %cond3A_587 = arith.constant 0 : i32
          %cond3A_588 = arith.cmpi ne, %convert_element_type3A_586, %cond3A_587 : i32
          scf.if %cond3A_588 {
            %mul3A_608 = arith.constant 16 : i32
            %mul3A_609 = arith.muli %scan3A_504, %mul3A_608 : i32
            %add3A_610 = arith.constant 12 : i32
            %add3A_611 = arith.addi %mul3A_609, %add3A_610 : i32
            %swap3A = arith.index_cast %add3A_611 : i32 to index
            %swap3A_612 = arith.constant 0 : index
            %swap3A_613 = tpu.vector_load %arg9[%swap3A, %swap3A_612] {strides = array<i32>} : memref<800x64xf32, #tpu.memory_space<vmem>>, vector<1x16xf32>,
            %swap3A_614 = vector.shape_cast %swap3A_613 : vector<1x16xf32> to vector<16xf32>
            %swap3A_615 = vector.shape_cast %broadcast_in_dim3A_496 : vector<16xf32> to vector<1x16xf32>
            tpu.vector_store %arg9[%swap3A, %swap3A_612], %swap3A_615 {strides = array<i32>} : memref<800x64xf32, #tpu.memory_space<vmem>>, vector<1x16xf32>,
            %mul3A_616 = arith.constant 16 : i32
            %mul3A_617 = arith.muli %scan3A_504, %mul3A_616 : i32
            %add3A_618 = arith.constant 12 : i32
            %add3A_619 = arith.addi %mul3A_617, %add3A_618 : i32
            %swap3A_620 = arith.index_cast %add3A_619 : i32 to index
            %swap3A_621 = arith.constant 16 : index
            %swap3A_622 = tpu.vector_load %arg9[%swap3A_620, %swap3A_621] {strides = array<i32>} : memref<800x64xf32, #tpu.memory_space<vmem>>, vector<1x16xf32>,
            %swap3A_623 = vector.shape_cast %swap3A_622 : vector<1x16xf32> to vector<16xf32>
            %swap3A_624 = vector.shape_cast %broadcast_in_dim3A_496 : vector<16xf32> to vector<1x16xf32>
            tpu.vector_store %arg9[%swap3A_620, %swap3A_621], %swap3A_624 {strides = array<i32>} : memref<800x64xf32, #tpu.memory_space<vmem>>, vector<1x16xf32>,
            %mul3A_625 = arith.constant 16 : i32
            %mul3A_626 = arith.muli %scan3A_504, %mul3A_625 : i32
            %add3A_627 = arith.constant 12 : i32
            %add3A_628 = arith.addi %mul3A_626, %add3A_627 : i32
            %swap3A_629 = arith.index_cast %add3A_628 : i32 to index
            %swap3A_630 = arith.constant 32 : index
            %swap3A_631 = tpu.vector_load %arg9[%swap3A_629, %swap3A_630] {strides = array<i32>} : memref<800x64xf32, #tpu.memory_space<vmem>>, vector<1x16xf32>,
            %swap3A_632 = vector.shape_cast %swap3A_631 : vector<1x16xf32> to vector<16xf32>
            %swap3A_633 = vector.shape_cast %broadcast_in_dim3A_496 : vector<16xf32> to vector<1x16xf32>
            tpu.vector_store %arg9[%swap3A_629, %swap3A_630], %swap3A_633 {strides = array<i32>} : memref<800x64xf32, #tpu.memory_space<vmem>>, vector<1x16xf32>,
            %mul3A_634 = arith.constant 16 : i32
            %mul3A_635 = arith.muli %scan3A_504, %mul3A_634 : i32
            %add3A_636 = arith.constant 12 : i32
            %add3A_637 = arith.addi %mul3A_635, %add3A_636 : i32
            %swap3A_638 = arith.index_cast %add3A_637 : i32 to index
            %swap3A_639 = arith.constant 48 : index
            %swap3A_640 = tpu.vector_load %arg9[%swap3A_638, %swap3A_639] {strides = array<i32>} : memref<800x64xf32, #tpu.memory_space<vmem>>, vector<1x16xf32>,
            %swap3A_641 = vector.shape_cast %swap3A_640 : vector<1x16xf32> to vector<16xf32>
            %swap3A_642 = vector.shape_cast %broadcast_in_dim3A_496 : vector<16xf32> to vector<1x16xf32>
            tpu.vector_store %arg9[%swap3A_638, %swap3A_639], %swap3A_642 {strides = array<i32>} : memref<800x64xf32, #tpu.memory_space<vmem>>, vector<1x16xf32>,
          } else {
          }
          %slice3A_589 = vector.extract_strided_slice %get3A_511 {offsets = [13], sizes = [1], strides = [1]} : vector<16xi32> to vector<1xi32>
          %squeeze3A_590 = vector.extract %slice3A_589[0] : i32 from vector<1xi32>
          %eq3A_591 = arith.cmpi eq, %squeeze3A_590, %mul3A_30 : i32
          %convert_element_type3A_592 = arith.extui %eq3A_591 : i1 to i32
          %cond3A_593 = arith.constant 0 : i32
          %cond3A_594 = arith.cmpi ne, %convert_element_type3A_592, %cond3A_593 : i32
          scf.if %cond3A_594 {
            %mul3A_608 = arith.constant 16 : i32
            %mul3A_609 = arith.muli %scan3A_504, %mul3A_608 : i32
            %add3A_610 = arith.constant 13 : i32
            %add3A_611 = arith.addi %mul3A_609, %add3A_610 : i32
            %swap3A = arith.index_cast %add3A_611 : i32 to index
            %swap3A_612 = arith.constant 0 : index
            %swap3A_613 = tpu.vector_load %arg9[%swap3A, %swap3A_612] {strides = array<i32>} : memref<800x64xf32, #tpu.memory_space<vmem>>, vector<1x16xf32>,
            %swap3A_614 = vector.shape_cast %swap3A_613 : vector<1x16xf32> to vector<16xf32>
            %swap3A_615 = vector.shape_cast %broadcast_in_dim3A_496 : vector<16xf32> to vector<1x16xf32>
            tpu.vector_store %arg9[%swap3A, %swap3A_612], %swap3A_615 {strides = array<i32>} : memref<800x64xf32, #tpu.memory_space<vmem>>, vector<1x16xf32>,
            %mul3A_616 = arith.constant 16 : i32
            %mul3A_617 = arith.muli %scan3A_504, %mul3A_616 : i32
            %add3A_618 = arith.constant 13 : i32
            %add3A_619 = arith.addi %mul3A_617, %add3A_618 : i32
            %swap3A_620 = arith.index_cast %add3A_619 : i32 to index
            %swap3A_621 = arith.constant 16 : index
            %swap3A_622 = tpu.vector_load %arg9[%swap3A_620, %swap3A_621] {strides = array<i32>} : memref<800x64xf32, #tpu.memory_space<vmem>>, vector<1x16xf32>,
            %swap3A_623 = vector.shape_cast %swap3A_622 : vector<1x16xf32> to vector<16xf32>
            %swap3A_624 = vector.shape_cast %broadcast_in_dim3A_496 : vector<16xf32> to vector<1x16xf32>
            tpu.vector_store %arg9[%swap3A_620, %swap3A_621], %swap3A_624 {strides = array<i32>} : memref<800x64xf32, #tpu.memory_space<vmem>>, vector<1x16xf32>,
            %mul3A_625 = arith.constant 16 : i32
            %mul3A_626 = arith.muli %scan3A_504, %mul3A_625 : i32
            %add3A_627 = arith.constant 13 : i32
            %add3A_628 = arith.addi %mul3A_626, %add3A_627 : i32
            %swap3A_629 = arith.index_cast %add3A_628 : i32 to index
            %swap3A_630 = arith.constant 32 : index
            %swap3A_631 = tpu.vector_load %arg9[%swap3A_629, %swap3A_630] {strides = array<i32>} : memref<800x64xf32, #tpu.memory_space<vmem>>, vector<1x16xf32>,
            %swap3A_632 = vector.shape_cast %swap3A_631 : vector<1x16xf32> to vector<16xf32>
            %swap3A_633 = vector.shape_cast %broadcast_in_dim3A_496 : vector<16xf32> to vector<1x16xf32>
            tpu.vector_store %arg9[%swap3A_629, %swap3A_630], %swap3A_633 {strides = array<i32>} : memref<800x64xf32, #tpu.memory_space<vmem>>, vector<1x16xf32>,
            %mul3A_634 = arith.constant 16 : i32
            %mul3A_635 = arith.muli %scan3A_504, %mul3A_634 : i32
            %add3A_636 = arith.constant 13 : i32
            %add3A_637 = arith.addi %mul3A_635, %add3A_636 : i32
            %swap3A_638 = arith.index_cast %add3A_637 : i32 to index
            %swap3A_639 = arith.constant 48 : index
            %swap3A_640 = tpu.vector_load %arg9[%swap3A_638, %swap3A_639] {strides = array<i32>} : memref<800x64xf32, #tpu.memory_space<vmem>>, vector<1x16xf32>,
            %swap3A_641 = vector.shape_cast %swap3A_640 : vector<1x16xf32> to vector<16xf32>
            %swap3A_642 = vector.shape_cast %broadcast_in_dim3A_496 : vector<16xf32> to vector<1x16xf32>
            tpu.vector_store %arg9[%swap3A_638, %swap3A_639], %swap3A_642 {strides = array<i32>} : memref<800x64xf32, #tpu.memory_space<vmem>>, vector<1x16xf32>,
          } else {
          }
          %slice3A_595 = vector.extract_strided_slice %get3A_511 {offsets = [14], sizes = [1], strides = [1]} : vector<16xi32> to vector<1xi32>
          %squeeze3A_596 = vector.extract %slice3A_595[0] : i32 from vector<1xi32>
          %eq3A_597 = arith.cmpi eq, %squeeze3A_596, %mul3A_30 : i32
          %convert_element_type3A_598 = arith.extui %eq3A_597 : i1 to i32
          %cond3A_599 = arith.constant 0 : i32
          %cond3A_600 = arith.cmpi ne, %convert_element_type3A_598, %cond3A_599 : i32
          scf.if %cond3A_600 {
            %mul3A_608 = arith.constant 16 : i32
            %mul3A_609 = arith.muli %scan3A_504, %mul3A_608 : i32
            %add3A_610 = arith.constant 14 : i32
            %add3A_611 = arith.addi %mul3A_609, %add3A_610 : i32
            %swap3A = arith.index_cast %add3A_611 : i32 to index
            %swap3A_612 = arith.constant 0 : index
            %swap3A_613 = tpu.vector_load %arg9[%swap3A, %swap3A_612] {strides = array<i32>} : memref<800x64xf32, #tpu.memory_space<vmem>>, vector<1x16xf32>,
            %swap3A_614 = vector.shape_cast %swap3A_613 : vector<1x16xf32> to vector<16xf32>
            %swap3A_615 = vector.shape_cast %broadcast_in_dim3A_496 : vector<16xf32> to vector<1x16xf32>
            tpu.vector_store %arg9[%swap3A, %swap3A_612], %swap3A_615 {strides = array<i32>} : memref<800x64xf32, #tpu.memory_space<vmem>>, vector<1x16xf32>,
            %mul3A_616 = arith.constant 16 : i32
            %mul3A_617 = arith.muli %scan3A_504, %mul3A_616 : i32
            %add3A_618 = arith.constant 14 : i32
            %add3A_619 = arith.addi %mul3A_617, %add3A_618 : i32
            %swap3A_620 = arith.index_cast %add3A_619 : i32 to index
            %swap3A_621 = arith.constant 16 : index
            %swap3A_622 = tpu.vector_load %arg9[%swap3A_620, %swap3A_621] {strides = array<i32>} : memref<800x64xf32, #tpu.memory_space<vmem>>, vector<1x16xf32>,
            %swap3A_623 = vector.shape_cast %swap3A_622 : vector<1x16xf32> to vector<16xf32>
            %swap3A_624 = vector.shape_cast %broadcast_in_dim3A_496 : vector<16xf32> to vector<1x16xf32>
            tpu.vector_store %arg9[%swap3A_620, %swap3A_621], %swap3A_624 {strides = array<i32>} : memref<800x64xf32, #tpu.memory_space<vmem>>, vector<1x16xf32>,
            %mul3A_625 = arith.constant 16 : i32
            %mul3A_626 = arith.muli %scan3A_504, %mul3A_625 : i32
            %add3A_627 = arith.constant 14 : i32
            %add3A_628 = arith.addi %mul3A_626, %add3A_627 : i32
            %swap3A_629 = arith.index_cast %add3A_628 : i32 to index
            %swap3A_630 = arith.constant 32 : index
            %swap3A_631 = tpu.vector_load %arg9[%swap3A_629, %swap3A_630] {strides = array<i32>} : memref<800x64xf32, #tpu.memory_space<vmem>>, vector<1x16xf32>,
            %swap3A_632 = vector.shape_cast %swap3A_631 : vector<1x16xf32> to vector<16xf32>
            %swap3A_633 = vector.shape_cast %broadcast_in_dim3A_496 : vector<16xf32> to vector<1x16xf32>
            tpu.vector_store %arg9[%swap3A_629, %swap3A_630], %swap3A_633 {strides = array<i32>} : memref<800x64xf32, #tpu.memory_space<vmem>>, vector<1x16xf32>,
            %mul3A_634 = arith.constant 16 : i32
            %mul3A_635 = arith.muli %scan3A_504, %mul3A_634 : i32
            %add3A_636 = arith.constant 14 : i32
            %add3A_637 = arith.addi %mul3A_635, %add3A_636 : i32
            %swap3A_638 = arith.index_cast %add3A_637 : i32 to index
            %swap3A_639 = arith.constant 48 : index
            %swap3A_640 = tpu.vector_load %arg9[%swap3A_638, %swap3A_639] {strides = array<i32>} : memref<800x64xf32, #tpu.memory_space<vmem>>, vector<1x16xf32>,
            %swap3A_641 = vector.shape_cast %swap3A_640 : vector<1x16xf32> to vector<16xf32>
            %swap3A_642 = vector.shape_cast %broadcast_in_dim3A_496 : vector<16xf32> to vector<1x16xf32>
            tpu.vector_store %arg9[%swap3A_638, %swap3A_639], %swap3A_642 {strides = array<i32>} : memref<800x64xf32, #tpu.memory_space<vmem>>, vector<1x16xf32>,
          } else {
          }
          %slice3A_601 = vector.extract_strided_slice %get3A_511 {offsets = [15], sizes = [1], strides = [1]} : vector<16xi32> to vector<1xi32>
          %squeeze3A_602 = vector.extract %slice3A_601[0] : i32 from vector<1xi32>
          %eq3A_603 = arith.cmpi eq, %squeeze3A_602, %mul3A_30 : i32
          %convert_element_type3A_604 = arith.extui %eq3A_603 : i1 to i32
          %cond3A_605 = arith.constant 0 : i32
          %cond3A_606 = arith.cmpi ne, %convert_element_type3A_604, %cond3A_605 : i32
          scf.if %cond3A_606 {
            %mul3A_608 = arith.constant 16 : i32
            %mul3A_609 = arith.muli %scan3A_504, %mul3A_608 : i32
            %add3A_610 = arith.constant 15 : i32
            %add3A_611 = arith.addi %mul3A_609, %add3A_610 : i32
            %swap3A = arith.index_cast %add3A_611 : i32 to index
            %swap3A_612 = arith.constant 0 : index
            %swap3A_613 = tpu.vector_load %arg9[%swap3A, %swap3A_612] {strides = array<i32>} : memref<800x64xf32, #tpu.memory_space<vmem>>, vector<1x16xf32>,
            %swap3A_614 = vector.shape_cast %swap3A_613 : vector<1x16xf32> to vector<16xf32>
            %swap3A_615 = vector.shape_cast %broadcast_in_dim3A_496 : vector<16xf32> to vector<1x16xf32>
            tpu.vector_store %arg9[%swap3A, %swap3A_612], %swap3A_615 {strides = array<i32>} : memref<800x64xf32, #tpu.memory_space<vmem>>, vector<1x16xf32>,
            %mul3A_616 = arith.constant 16 : i32
            %mul3A_617 = arith.muli %scan3A_504, %mul3A_616 : i32
            %add3A_618 = arith.constant 15 : i32
            %add3A_619 = arith.addi %mul3A_617, %add3A_618 : i32
            %swap3A_620 = arith.index_cast %add3A_619 : i32 to index
            %swap3A_621 = arith.constant 16 : index
            %swap3A_622 = tpu.vector_load %arg9[%swap3A_620, %swap3A_621] {strides = array<i32>} : memref<800x64xf32, #tpu.memory_space<vmem>>, vector<1x16xf32>,
            %swap3A_623 = vector.shape_cast %swap3A_622 : vector<1x16xf32> to vector<16xf32>
            %swap3A_624 = vector.shape_cast %broadcast_in_dim3A_496 : vector<16xf32> to vector<1x16xf32>
            tpu.vector_store %arg9[%swap3A_620, %swap3A_621], %swap3A_624 {strides = array<i32>} : memref<800x64xf32, #tpu.memory_space<vmem>>, vector<1x16xf32>,
            %mul3A_625 = arith.constant 16 : i32
            %mul3A_626 = arith.muli %scan3A_504, %mul3A_625 : i32
            %add3A_627 = arith.constant 15 : i32
            %add3A_628 = arith.addi %mul3A_626, %add3A_627 : i32
            %swap3A_629 = arith.index_cast %add3A_628 : i32 to index
            %swap3A_630 = arith.constant 32 : index
            %swap3A_631 = tpu.vector_load %arg9[%swap3A_629, %swap3A_630] {strides = array<i32>} : memref<800x64xf32, #tpu.memory_space<vmem>>, vector<1x16xf32>,
            %swap3A_632 = vector.shape_cast %swap3A_631 : vector<1x16xf32> to vector<16xf32>
            %swap3A_633 = vector.shape_cast %broadcast_in_dim3A_496 : vector<16xf32> to vector<1x16xf32>
            tpu.vector_store %arg9[%swap3A_629, %swap3A_630], %swap3A_633 {strides = array<i32>} : memref<800x64xf32, #tpu.memory_space<vmem>>, vector<1x16xf32>,
            %mul3A_634 = arith.constant 16 : i32
            %mul3A_635 = arith.muli %scan3A_504, %mul3A_634 : i32
            %add3A_636 = arith.constant 15 : i32
            %add3A_637 = arith.addi %mul3A_635, %add3A_636 : i32
            %swap3A_638 = arith.index_cast %add3A_637 : i32 to index
            %swap3A_639 = arith.constant 48 : index
            %swap3A_640 = tpu.vector_load %arg9[%swap3A_638, %swap3A_639] {strides = array<i32>} : memref<800x64xf32, #tpu.memory_space<vmem>>, vector<1x16xf32>,
            %swap3A_641 = vector.shape_cast %swap3A_640 : vector<1x16xf32> to vector<16xf32>
            %swap3A_642 = vector.shape_cast %broadcast_in_dim3A_496 : vector<16xf32> to vector<1x16xf32>
            tpu.vector_store %arg9[%swap3A_638, %swap3A_639], %swap3A_642 {strides = array<i32>} : memref<800x64xf32, #tpu.memory_space<vmem>>, vector<1x16xf32>,
          } else {
          }
          %scan3A_607 = arith.constant 0 : i32
          scf.yield %scan3A_607 : i32
        }
        %scan3A_503 = arith.constant 50 : i32
      } else {
      }
      %mul3A_485 = arith.constant 51200 : i32
      %mul3A_486 = arith.muli %scan3A_27, %mul3A_485 : i32
      %add3A_487 = arith.addi %mul3A_486, %mul3A_2 : i32
      %add3A_488 = arith.constant 800 : i32
      %add3A_489 = arith.addi %add3A_487, %add3A_488 : i32
      %dma_start3A_490 = arith.constant 0 : i32
      %dma_start3A_491 = tpu.memref_slice %arg4[%add3A_489, %dma_start3A_490] : memref<409600x64xf32, #tpu.memory_space<hbm>> -> memref<800x64xf32, #tpu.memory_space<hbm>>
      %dma_start3A_492 = arith.constant 0 : i32
      %dma_start3A_493 = tpu.memref_slice %arg4[%add3A_489, %dma_start3A_492] : memref<409600x64xf32, #tpu.memory_space<hbm>> -> memref<800x64xf32, #tpu.memory_space<hbm>>
      tpu.enqueue_dma source(%arg9 : memref<800x64xf32, #tpu.memory_space<vmem>>) target(%dma_start3A_493 : memref<800x64xf32, #tpu.memory_space<hbm>>) target_semaphore(%arg13 : memref<!tpu.dma_semaphore, #tpu.memory_space<semaphore_mem>>)
      %scan3A_494 = arith.constant 0 : i32
      scf.yield %scan3A_494 : i32
    }
    %scan3A_15 = arith.constant 8 : i32
    %dma_wait3A = arith.constant 0 : i32
    %dma_wait3A_16 = arith.constant 0 : i32
    %dma_wait3A_17 = tpu.memref_slice %arg4[%dma_wait3A, %dma_wait3A_16] : memref<409600x64xf32, #tpu.memory_space<hbm>> -> memref<800x64xf32, #tpu.memory_space<hbm>>
    %dma_wait3A_18 = arith.constant 0 : i32
    %dma_wait3A_19 = arith.constant 0 : i32
    %dma_wait3A_20 = tpu.memref_slice %arg4[%dma_wait3A_18, %dma_wait3A_19] : memref<409600x64xf32, #tpu.memory_space<hbm>> -> memref<800x64xf32, #tpu.memory_space<hbm>>
    tpu.wait_dma2 semaphore(%arg12 : memref<!tpu.dma_semaphore, #tpu.memory_space<semaphore_mem>>) src(%arg8 : memref<800x64xf32, #tpu.memory_space<vmem>>) dst(%dma_wait3A_20 : memref<800x64xf32, #tpu.memory_space<hbm>>)
    %dma_wait3A_21 = arith.constant 0 : i32
    %dma_wait3A_22 = arith.constant 0 : i32
    %dma_wait3A_23 = tpu.memref_slice %arg4[%dma_wait3A_21, %dma_wait3A_22] : memref<409600x64xf32, #tpu.memory_space<hbm>> -> memref<800x64xf32, #tpu.memory_space<hbm>>
    %dma_wait3A_24 = arith.constant 0 : i32
    %dma_wait3A_25 = arith.constant 0 : i32
    %dma_wait3A_26 = tpu.memref_slice %arg4[%dma_wait3A_24, %dma_wait3A_25] : memref<409600x64xf32, #tpu.memory_space<hbm>> -> memref<800x64xf32, #tpu.memory_space<hbm>>
    tpu.wait_dma2 semaphore(%arg13 : memref<!tpu.dma_semaphore, #tpu.memory_space<semaphore_mem>>) src(%arg9 : memref<800x64xf32, #tpu.memory_space<vmem>>) dst(%dma_wait3A_26 : memref<800x64xf32, #tpu.memory_space<hbm>>)
    "tpu.region"() ({
      %run_scoped3A = tpu.sem_alloc : memref<!tpu.dma_semaphore, #tpu.memory_space<semaphore_mem>>
      %dma_start3A = tpu.memref_slice %arg5[%mul3A_2] : memref<51200xi32, #tpu.memory_space<hbm>> -> memref<1600xi32, #tpu.memory_space<hbm>>
      %dma_start3A_27 = tpu.memref_slice %arg5[%mul3A_2] : memref<51200xi32, #tpu.memory_space<hbm>> -> memref<1600xi32, #tpu.memory_space<hbm>>
      tpu.enqueue_dma source(%arg7 : memref<1600xi32, #tpu.memory_space<vmem>>) target(%dma_start3A_27 : memref<1600xi32, #tpu.memory_space<hbm>>) target_semaphore(%run_scoped3A : memref<!tpu.dma_semaphore, #tpu.memory_space<semaphore_mem>>)
      %dma_wait3A_28 = tpu.memref_slice %arg5[%mul3A_2] : memref<51200xi32, #tpu.memory_space<hbm>> -> memref<1600xi32, #tpu.memory_space<hbm>>
      %dma_wait3A_29 = tpu.memref_slice %arg5[%mul3A_2] : memref<51200xi32, #tpu.memory_space<hbm>> -> memref<1600xi32, #tpu.memory_space<hbm>>
      tpu.wait_dma2 semaphore(%run_scoped3A : memref<!tpu.dma_semaphore, #tpu.memory_space<semaphore_mem>>) src(%arg7 : memref<1600xi32, #tpu.memory_space<vmem>>) dst(%dma_wait3A_29 : memref<1600xi32, #tpu.memory_space<hbm>>)
      tpu.yield
    }) : () -> ()
    return
  }
}

</mosaic_0001>

<sc_bundles>
// kernel: kernel.3.cloned.1.call-start
scs
__scs_entry_jumppad:
0x0: {  	(pc) =	sbr.rel $0x88, $3  }
0x1: {  	(tag) =	ssettag $0x0;
	lr =	simm.s32 $0x1  }
0x2: {  	[smem:$0x3F9F] =	sst lr;
	_ =	strace $0xD0000000  }
0x3: {  	_ = 	snop  }
0x4: {  	_ = 	snop  }
0x5: {  	_ = 	snop  }
0x6: {  	_ = 	snop  }
0x7: {  	_ = 	snop  }
__scs_overlays_trampoline_lowered:
0x8: {  	[smem:$0x3FAE] =	sst s0  }
0x9: {  	[smem:$0x3FAF] =	sst s1  }
0xa: {  	[smem:$0x3FB0] =	sst s2  }
0xb: {  	[smem:$0x3FB1] =	sst s3  }
0xc: {  	[smem:$0x3FB2] =	sst s4  }
0xd: {  	[smem:$0x3FB3] =	sst s5  }
0xe: {  	[smem:$0x3FB4] =	sst s6  }
0xf: {  	[smem:$0x3FB5] =	sst s7  }
0x10: {  	[smem:$0x3FB6] =	sst s8  }
0x11: {  	[smem:$0x3FB7] =	sst s9;
	s0 =	simm.s32 @!p0 $0x0  }
0x12: {  	s1 =	sld [smem:$0x3F9D];
	s0 =	simm.s32 @p0 $0x1  }
0x13: {  	[smem:$0x3FB8] =	sst s0;
	s0 =	simm.s32 @!p1 $0x0  }
0x14: {  	s2 =	sld [smem:$0x3F9C];
	s0 =	simm.s32 @p1 $0x1  }
0x15: {  	[smem:$0x3FB9] =	sst s0;
	s0 =	simm.s32 @!p2 $0x0  }
0x16: {  	s3 =	sld [smem:$0x3FDB];
	s0 =	simm.s32 @p2 $0x1  }
0x17: {  	s4 =	simm.s32 $0x1BF5;
	[smem:$0x3FBB] =	sst s0  }
0x18: {  	s0 =	sld [smem:$0x3F9E];
	_ =	swait.ge [sflag:s4], $0x0  }
0x19: {  	s7 =	sld [smem:$0x3F9F]  }
0x1a: {  	s8 =	sadd.s32 $0xFFFFE003, lr  }
0x1b: {  	s9 =	sadd.s32 $0xFFFFFEF7, lr;
	s5 =	simm.s32 $0xFFFFFFFF;
	p2 =	slt.u32 s8, $0xFFFFF086  }
0x1c: {  	p1 =	slt.u32 s9, $0xF7A;
	s5 =	simm.s32 @!p2 $0x0  }
0x1d: {  	s5 =	simm.s32 @p1 $0x1;
	p0 =	seq.s32 s7, s2  }
0x1e: {  	s7 =	smul.u32 @!p0 $0xF7A, s2;
	p2 =	seq.s32 @!p0 s5, $0x0  }
0x1f: {  	s9 =	smul.u32 $0xF7A, s1;
	s8 =	simm.s32 @!p0 $0x1BF5;
	p2 =	por !p2, p0  }
0x20: {  	[sflag:s8] =	ssyncset.s32 @!p0 $0xFFFFF086;
	s6 =	sadd.s32 @!p0 s3, s7;
	s7 =	simm.s32 @!p0 $0x108  }
0x21: {  	s3 =	sadd.s32 s3, s9;
	s6 =	sadd.s32 @!p0 $0x88, s6;
	s7 =	simm.s32 @p2 $0x1082  }
0x22: {  	[simem:s7], [sflag:s8] =	dma.local @!p0 [hbm:s6], $0xF7A  }
0x23: {  	s9 =	sor.u32 $0xD0000000, s2;
	s6 =	simm.s32 $0x108;
	_ =	swait.ge @!p0 [sflag:s8], $0x0  }
0x24: {  	s3 =	sadd.s32 $0x88, s3;
	s6 =	simm.s32 @!p1 $0x1082;
	[sflag:s4] =	ssyncset.s32 $0xFFFFF086  }
0x25: {  	[simem:s6], [sflag:s4] =	dma.local [hbm:s3], $0xF7A  }
0x26: {  	[smem:$0x3F9F] =	sst s1;
	(tag) =	ssettag s2;
	_ =	strace s9  }
0x27: {  	s1 =	sld [smem:$0x3FAF]  }
0x28: {  	s2 =	sld [smem:$0x3FB0]  }
0x29: {  	s4 =	sld [smem:$0x3FB2]  }
0x2a: {  	p0 =	seq.s32 s5, $0x0;
	s5 =	sld [smem:$0x3FB3]  }
0x2b: {  	s6 =	sld [smem:$0x3FB4]  }
0x2c: {  	s7 =	sld [smem:$0x3FB5]  }
0x2d: {  	s3 =	simm.s32 $0x108;
	s8 =	sld [smem:$0x3FB6]  }
0x2e: {  	s3 =	simm.s32 @!p0 $0x1082;
	s9 =	sld [smem:$0x3FB7]  }
0x2f: {  	lr =	sadd.s32 s0, s3;
	s0 =	sld [smem:$0x3FAE]  }
0x30: {  	s3 =	sld [smem:$0x3FB1]  }
0x31: {  	[smem:$0x3FBA] =	sst s10  }
0x32: {  	s10 =	sld [smem:$0x3FB8];
	_ =	sdelay $0x3  }
0x33: {  	p0 =	seq.s32 s10, $0x1;
	s10 =	sld [smem:$0x3FBA];
	_ =	sdelay $0x3  }
0x34: {  	[smem:$0x3FBA] =	sst s10  }
0x35: {  	s10 =	sld [smem:$0x3FB9];
	_ =	sdelay $0x3  }
0x36: {  	p1 =	seq.s32 s10, $0x1;
	s10 =	sld [smem:$0x3FBA];
	_ =	sdelay $0x3  }
0x37: {  	[smem:$0x3FBA] =	sst s10  }
0x38: {  	s10 =	sld [smem:$0x3FBB]  }
0x39: {  	_ = 	snop;
	(pc) =	sbr.ind lr, $3  }
0x3a: {  	_ = 	snop  }
0x3b: {  	_ = 	snop  }
0x3c: {  	p2 =	seq.s32 s10, $0x1;
	s10 =	sld [smem:$0x3FBA]  }
0x3d: {  	_ =	shalt  }
0x3e: {  	_ =	shalt  }
0x3f: {  	_ =	shalt  }
0x40: {  	_ =	shalt  }
0x41: {  	_ =	shalt  }
0x42: {  	_ =	shalt  }
0x43: {  	_ =	shalt  }
0x44: {  	_ =	shalt  }
0x45: {  	_ =	shalt  }
0x46: {  	_ =	shalt  }
0x47: {  	_ =	shalt  }
0x48: {  	_ =	shalt  }
0x49: {  	_ =	shalt  }
0x4a: {  	_ =	shalt  }
0x4b: {  	_ =	shalt  }
0x4c: {  	_ =	shalt  }
0x4d: {  	_ =	shalt  }
0x4e: {  	_ =	shalt  }
0x4f: {  	_ =	shalt  }
0x50: {  	_ =	shalt  }
0x51: {  	_ =	shalt  }
0x52: {  	_ =	shalt  }
0x53: {  	_ =	shalt  }
0x54: {  	_ =	shalt  }
0x55: {  	_ =	shalt  }
0x56: {  	_ =	shalt  }
0x57: {  	_ =	shalt  }
0x58: {  	_ =	shalt  }
0x59: {  	_ =	shalt  }
0x5a: {  	_ =	shalt  }
0x5b: {  	_ =	shalt  }
0x5c: {  	_ =	shalt  }
0x5d: {  	_ =	shalt  }
0x5e: {  	_ =	shalt  }
0x5f: {  	_ =	shalt  }
0x60: {  	_ =	shalt  }
0x61: {  	_ =	shalt  }
0x62: {  	_ =	shalt  }
0x63: {  	_ =	shalt  }
0x64: {  	_ =	shalt  }
0x65: {  	_ =	shalt  }
0x66: {  	_ =	shalt  }
0x67: {  	_ =	shalt  }
0x68: {  	_ =	shalt  }
0x69: {  	_ =	shalt  }
0x6a: {  	_ =	shalt  }
0x6b: {  	_ =	shalt  }
0x6c: {  	_ =	shalt  }
0x6d: {  	_ =	shalt  }
0x6e: {  	_ =	shalt  }
0x6f: {  	_ =	shalt  }
0x70: {  	_ =	shalt  }
0x71: {  	_ =	shalt  }
0x72: {  	_ =	shalt  }
0x73: {  	_ =	shalt  }
0x74: {  	_ =	shalt  }
0x75: {  	_ =	shalt  }
0x76: {  	_ =	shalt  }
0x77: {  	_ =	shalt  }
0x78: {  	_ =	shalt  }
0x79: {  	_ =	shalt  }
0x7a: {  	_ =	shalt  }
0x7b: {  	_ =	shalt  }
0x7c: {  	_ =	shalt  }
0x7d: {  	_ =	shalt  }
0x7e: {  	_ =	shalt  }
0x7f: {  	_ =	shalt  }
0x80: {  	_ =	shalt  }
0x81: {  	_ =	shalt  }
0x82: {  	_ =	shalt  }
0x83: {  	_ =	shalt  }
0x84: {  	_ =	shalt  }
0x85: {  	_ =	shalt  }
0x86: {  	_ =	shalt  }
0x87: {  	_ =	shalt  }
.Lfunc_end0:
.L_simem_size_0:
called_computation.1_lowered:
.L_overlay_start_0:
0x88: {  	s2 =	sld [smem:$0x3FD9]  }
0x89: {  	s3 =	sld [smem:$0x3FFE];
	_ =	sdelay $0x1  }
0x8a: {  	s1 =	srdreg.scid  }
0x8b: {  	s0 =	sand.u32 $0x1, s1  }
0x8c: {  	s14 =	sshll.u32 s0, $0xA;
	s2 =	sadd.s32 s3, s2  }
0x8d: {  	s2 =	sadd.s32 s2, s14  }
0x8e: {  	[smem:$0x3FC6] =	sst s2  }
0x8f: {  	_ = 	snop  }
0x90: {  	s2 =	sld [smem:$0x3FD0];
	_ =	sdelay $0x2  }
0x91: {  	s15 =	simm.s32 $0xA;
	s4 =	simm.s32 $0x10  }
0x92: {  	[smem:s4], [sflag:s15] =	dma.local [hbm:s2], $0x1  }
0x93: {  	_ =	swait.eq [sflag:s15], $0x1  }
0x94: {  	[sflag:s15] =	ssyncset.done $0x0  }
0x95: {  	[sflag:s15] =	ssyncadd.s32 $0xFFFFFFFF  }
0x96: {  	s16 =	sld [smem:$0x10];
	(tm) =	ssettm $0x1  }
0x97: {  	s17 =	sld [smem:$0x3FFB];
	_ =	sdelay $0x3  }
0x98: {  	_ =	strace s17  }
0x99: {  	s3 =	sld [smem:$0x3FFC];
	_ =	sdelay $0x3  }
0x9a: {  	_ =	strace s3  }
0x9b: {  	s3 =	sld [smem:$0x3FFD];
	_ =	sdelay $0x3  }
0x9c: {  	_ =	strace s3  }
0x9d: {  	_ =	strace $0x8FFFFFFF  }
0x9e: {  	s18 =	sld [smem:$0x3FDB];
	_ =	sdelay $0x1  }
0x9f: {  	s19 =	simm.s32 $_scs_section_size  }
0xa0: {  	s5 =	simm.s32 $_size__tile_overlayer_lowered;
	s6 =	simm.s32 $_tile_overlayer_lowered  }
0xa1: {  	s22 =	simm.s32 $0x1BFF;
	s21 =	sshll.u32 s6, $0x1;
	s3 =	sadd.s32 s19, s18  }
0xa2: {  	s7 =	simm.s32 $0x0;
	s20 =	sshll.u32 s5, $0x1;
	s5 =	sadd.s32 s21, s3  }
0xa3: {  	[timem:s7], [sflag:s22] =	dma.local [hbm:s5], s20  }
0xa4: {  	_ =	swait.ge [sflag:s22], s20  }
0xa5: {  	s4 =	ssub.s32 $0x0, s20;
	[sflag:s22] =	ssyncset.done $0x0  }
0xa6: {  	[sflag:s22] =	ssyncadd.s32 s4;
	_ =	sdelay $0x1  }
0xa7: {  	s23 =	simm.s32 $0x1B8B  }
0xa8: {  	_ =	swait.ge [sflag:s23], $0x1  }
0xa9: {  	[sflag:s23] =	ssyncset.done $0x0  }
0xaa: {  	s25 =	simm.s32 $0x1B8E;
	s24 =	sld [smem:$0x3FFE];
	[sflag:s23] =	ssyncadd.s32 $0xFFFFFFFF  }
0xab: {  	s26 =	simm.s32 $execute0_lowered;
	[smem:$0x3FD2] =	sst s25  }
0xac: {  	s5 =	sshll.u32 s26, $0x1;
	_ =	strace $0x80000046;
	[dreg:$0x1] =	wrdreg $0xFFFFFFFF  }
0xad: {  	s28 =	simm.s32 $_size_execute0_lowered;
	s3 =	sadd.s32 s3, s5;
	[dreg:$0x0] =	wrdreg $0x0  }
0xae: {  	s5 =	sshll.u32 s28, $0x1;
	[dreg:$0x2] =	wrdreg s3  }
0xaf: {  	[dreg:$0x3] =	wrdreg s5  }
0xb0: {  	[dreg:$0x4] =	wrdreg $0xC0  }
0xb1: {  	_ =	task [dreg:s7], $0x5FFFF  }
0xb2: {  	[dreg:$0x1] =	wrdreg $0xFFFFFFFF  }
0xb3: {  	[dreg:$0x0] =	wrdreg $0x60  }
0xb4: {  	[dreg:$0x2] =	wrdreg s24  }
0xb5: {  	[dreg:$0x3] =	wrdreg s16  }
0xb6: {  	[dreg:$0x4] =	wrdreg $0x9  }
0xb7: {  	_ =	task.clear_ibuf [dreg:s7], $0x5FFFF;
	_ =	strace $0x90000046  }
0xb8: {  	s29 =	simm.s32 $0x9;
	_ =	strace $0x80000048  }
0xb9: {  	_ =	swait.ge [sflag:s29], $0x1  }
0xba: {  	[sflag:s29] =	ssyncadd.s32 $0xFFFFFFFF  }
0xbb: {  	_ =	strace $0x90000048  }
0xbc: {  	_ =	sfence  }
0xbd: {  	s30 =	sld [smem:$0x0];
	_ =	sdelay $0x2  }
0xbe: {  	s31 =	sshll.u32 s1, $0xD;
	s1 =	sshrl.u32 s1, $0x2  }
0xbf: {  	s3 =	sand.u32 $0x4000, s31;
	s1 =	sadd.s32 s1, s30  }
0xc0: {  	s0 =	sor.u32 s3, s0;
	s1 =	sshll.u32 s1, $0x11  }
0xc1: {  	s0 =	sor.u32 s1, s0  }
0xc2: {  	s0 =	sadd.s32 $0x8F2B, s0  }
0xc3: {  	[sflag:s0] =	ssyncadd.remote.s32 $0x1  }
0xc4: {  	_ =	sfence.sel $0xFFFF  }
0xc5: {  	[dreg:$0x0] =	wrdreg $0xFFFFFFFF;
	(pc) =	sbr.abs _section_cstart, $3  }
0xc6: {  	[dreg:$0x1] =	wrdreg $0xFFFFFFFF  }
0xc7: {  	_ =	task.clear_ibuf [dreg:s7], $0x2FFFF;
	_ =	strace $0x9FFFFFFF  }
0xc8: {  	(tm) =	ssettm $0x7FFFFFFF  }
0xc9: {  	_ =	shalt  }
tec
execute0_lowered:
.L_overlay_start_1:
0x0: {  	(tag) =	ssettag $0x1  }
0x1: {  	s0 =	rddreg [dreg:$0x0]  }
0x2: {  	s1 =	srdreg.scid;
	s2 =	stileid.u32  }
0x3: {  	s4 =	rddreg [dreg:$0x1];
	s3 =	simm.s32 $0x0;
	s10 =	simm.s32 $0x5  }
0x4: {  	s11 =	simm.s32 $0x50;
	s12 =	simm.s32 $0xC80;
	s28 =	simm.s32 $0x1  }
0x5: {  	s29 =	simm.s32 $0x2;
	s1 =	sand.u32 $0x1, s1;
	s2 =	sshll.u32 s2, $0x1  }
0x6: {  	[smem:$0x7FF] =	sst s3;
	s26 =	sadd.s32 $0x1000, s0;
	s2 =	sor.u32 s1, s2  }
0x7: {  	s6 =	sadd.s32 $0xC36000, s0;
	s1 =	ssub.s32 $0x2, s1;
	s2 =	smul.u32 $0x640, s2  }
.Ltmp0:
0x8: {  	_ =	strace $0x80000047;
	s30 =	sshrl.u32 s1, $0x1;
	(pc) =	sbr.rel .LBB2_1-.Ltmp0, $4  }
0x9: {  	s1 =	ssub.s32 s1, s30;
	s5 =	smov.u32 s2;
	s2 =	sshrl.u32 s2, $0x3  }
0xa: {  	[dreg:$0x3] =	wrdreg s26;
	s31 =	smax.u32 s1, $0x1;
	s0 =	sadd.s32 s2, s0  }
0xb: {  	s7 =	sadd.s32 $0x1900, s4;
	[dreg:$0x5] =	wrdreg s31;
	s0 =	sadd.s32 $0xD800, s0  }
0xc: {  	v0 =	vimm.s32 $0x1;
	v1 =	vimm.s32 $0x0;
	s1 =	simm.s32 $0xD480;
	s2 =	simm.s32 $0x0;
	[dreg:$0x4] =	wrdreg s0  }
.LBB2_17:
0xd: {  	s0 =	simm.s32 $0x3  }
0xe: {  	_ =	swait.ge [sflag:s0], $0xC800  }
0xf: {  	[sflag:s0] =	ssyncset.done $0x0  }
0x10: {  	s25 =	simm.s32 $0x4;
	[sflag:s0] =	ssyncadd.s32 $0xFFFF3800  }
0x11: {  	_ =	swait.ge [sflag:s25], $0xC800  }
0x12: {  	s26 =	simm.s32 $0x0;
	[sflag:s25] =	ssyncset.done $0x0  }
0x13: {  	s3 =	simm.s32 $0x640;
	s2 =	rddreg [dreg:$0x4];
	[sflag:s25] =	ssyncadd.s32 $0xFFFF3800  }
0x14: {  	[hbm4b:s2+s26] =	stream.linear.scatter [tilespmem:s3], [sflag:$0x5], $0x640, $0x38;
	[tilespmem:$0x19C80] =	vst v63  }
0x15: {  	_ =	swait.ge [sflag:s10], $0x640  }
0x16: {  	s30 =	rddreg [dreg:$0x6]  }
0x17: {  	s31 =	rddreg [dreg:$0x5];
	s2 =	sadd.s32 $0x1, s30  }
0x18: {  	p0 =	sne.s32 s2, s31  }
.Ltmp1:
0x19: {  	_ = 	snop;
	(pc) =	sbr.rel @!p0 .LBB2_18-.Ltmp1, $3  }
0x1a: {  	_ =	sdelay $0x1  }
0x1b: {  	[sflag:s10] =	ssyncset.done $0x0  }
0x1c: {  	[sflag:s10] =	ssyncadd.s32 $0xFFFFF9C0  }
.LBB2_1:
0x1d: {  	[dreg:$0x6] =	wrdreg s2;
	s0 =	simm.s32 $0x40;
	s2 =	simm.s32 $0x0  }
.LBB2_2:
0x1e: {  	p0 =	sne.s32 s0, $0x18C0;
	[tilespmem:s2+$0x640] =	vst v0;
	s2 =	smov.u32 s0;
	s0 =	sadd.s32 $0x40, s0  }
.Ltmp2:
0x1f: {  	(pc) =	sbr.rel @p0 .LBB2_2-.Ltmp2, $2  }
0x20: {  	_ =	sdelay $0x2  }
0x21: {  	s2 =	sshra.s32 s2, $0x2  }
.Ltmp3:
0x22: {  	(pc) =	sbr.rel .LBB2_4-.Ltmp3, $2  }
0x23: {  	_ =	sdelay $0x2  }
0x24: {  	[tilespmem:s2+$0x640] =	vst v0;
	s31 =	simm.s32 $0x0  }
.LBB2_16:
0x25: {  	s31 =	sadd.s32 $0x1, s31  }
0x26: {  	p0 =	sne.s32 s31, $0x8  }
.Ltmp4:
0x27: {  	_ = 	snop;
	(pc) =	sbr.rel @!p0 .LBB2_17-.Ltmp4, $3  }
0x28: {  	_ =	sdelay $0x1  }
0x29: {  	s0 =	sadd.s32 s0, s7;
	s2 =	simm.s32 $0x0  }
0x2a: {  	[hbm4b:s0+s2] =	stream.linear.scatter [tilespmem:s1], [sflag:$0x4], $0xC800, $0x38;
	[tilespmem:$0x19C80] =	vst v63  }
.LBB2_4:
0x2b: {  	s0 =	smul.u32 $0xC800, s31;
	_ =	sdelay $0x1  }
0x2c: {  	s0 =	sadd.s32 s5, s0  }
0x2d: {  	s3 =	rddreg [dreg:$0x3];
	s2 =	sshrl.u32 s0, $0x3  }
0x2e: {  	s30 =	simm.s32 $0x0;
	s2 =	sadd.s32 s3, s2  }
0x2f: {  	[tilespmem:s30], [sflag:$0x5] =	stream.linear.gather [hbm4b:s2+s30], $0x640, $0x38;
	[tilespmem:$0x19C80] =	vst v63  }
0x30: {  	_ =	swait.ge [sflag:s10], $0x640  }
0x31: {  	[sflag:s10] =	ssyncset.done $0x0  }
0x32: {  	s8 =	simm.s32 $0x0;
	[sflag:s10] =	ssyncadd.s32 $0xFFFFF9C0  }
0x33: {  	v3 =	vld [tilespmem:s8+$0x0];
	_ =	sdelay $0x1  }
0x34: {  	s3 =	smul.u32 $0x186A0, s31;
	v4 =	vld [tilespmem:s8+$0x640];
	_ =	sdelay $0x1  }
0x35: {  	v2 =	vmov s3  }
0x36: {  	vm0 =	veq.s32 v3, $0x0;
	v3 =	vadd.s32 v2, v3  }
0x37: {  	v5 =	vimm.s32 $0x0;
	s2 =	simm.s32 $0x10;
	v6 =	vsel vm0, $0x1, v1;
	[tilespmem:s8+$0x0] =	vst v3  }
0x38: {  	s9 =	simm.s32 $0x80;
	v3 =	vld [tilespmem:s2+$0x0];
	v4 =	vand.u32 v6, v4;
	v5 =	vor.u32 v6, v5  }
.LBB2_5:
0x39: {  	p0 =	sne.s32 s9, $0xC40;
	[tilespmem:s8+$0x640] =	vst v4;
	s13 =	smov.u32 s9;
	s9 =	sadd.s32 $0x40, s9  }
0x3a: {  	s8 =	smov.u32 s2;
	v4 =	vld [tilespmem:s2+$0x640]  }
.Ltmp5:
0x3b: {  	(pc) =	sbr.rel @p0 .LBB2_5-.Ltmp5, $4  }
0x3c: {  	_ = 	snop  }
0x3d: {  	vm0 =	veq.s32 v3, $0x0;
	v3 =	vadd.s32 v2, v3  }
0x3e: {  	s2 =	sshra.s32 s13, $0x2;
	v6 =	vsel vm0, $0x1, v1;
	[tilespmem:s8+$0x0] =	vst v3  }
0x3f: {  	v3 =	vld [tilespmem:s2+$0x0];
	v4 =	vand.u32 v6, v4;
	v5 =	vor.u32 v6, v5  }
0x40: {  	_ =	sdelay $0x3  }
0x41: {  	vm0 =	veq.s32 v3, $0x0  }
0x42: {  	v6 =	vsel vm0, $0x1, v1  }
0x43: {  	v5 =	vor.u32 v6, v5  }
0x44: {  	(v2sf) =	vpush v5, $0x0  }
0x45: {  	(v2sf) =	vpush v5, $0x1  }
0x46: {  	(v2sf) =	vpush v5, $0x2  }
0x47: {  	(v2sf) =	vpush v5, $0x3  }
0x48: {  	(v2sf) =	vpush v5, $0x4  }
0x49: {  	(v2sf) =	vpush v5, $0x5  }
0x4a: {  	(v2sf) =	vpush v5, $0x6  }
0x4b: {  	(v2sf) =	vpush v5, $0x7  }
0x4c: {  	(v2sf) =	vpush v5, $0x8  }
0x4d: {  	(v2sf) =	vpush v5, $0x9  }
0x4e: {  	(v2sf) =	vpush v5, $0xA  }
0x4f: {  	(v2sf) =	vpush v5, $0xB  }
0x50: {  	(v2sf) =	vpush v5, $0xC  }
0x51: {  	(v2sf) =	vpush v5, $0xD  }
0x52: {  	(v2sf) =	vpush v5, $0xE  }
0x53: {  	s9 =	spop (v2sf);
	(v2sf) =	vpush v5, $0xF  }
0x54: {  	s13 =	spop (v2sf)  }
0x55: {  	s14 =	spop (v2sf)  }
0x56: {  	s15 =	spop (v2sf)  }
0x57: {  	s16 =	spop (v2sf)  }
0x58: {  	s17 =	spop (v2sf)  }
0x59: {  	s18 =	spop (v2sf)  }
0x5a: {  	s19 =	spop (v2sf)  }
0x5b: {  	[tilespmem:s8+$0x640] =	vst v4;
	s20 =	spop (v2sf)  }
0x5c: {  	v4 =	vld [tilespmem:s2+$0x640];
	s8 =	spop (v2sf)  }
0x5d: {  	s21 =	spop (v2sf)  }
0x5e: {  	s22 =	spop (v2sf)  }
0x5f: {  	s23 =	spop (v2sf)  }
0x60: {  	v3 =	vadd.s32 v2, v3;
	s24 =	spop (v2sf)  }
0x61: {  	p0 =	seq.s32 s31, $0x0;
	[tilespmem:s2+$0x0] =	vst v3;
	v3 =	vand.u32 v6, v4;
	s25 =	spop (v2sf)  }
0x62: {  	[tilespmem:s2+$0x640] =	vst v3;
	s2 =	simm.s32 @!p0 $0x3;
	s26 =	spop (v2sf)  }
0x63: {  	_ =	swait.ge @!p0 [sflag:s2], $0xC800  }
0x64: {  	[sflag:s2] =	ssyncset.done @!p0 $0x0  }
0x65: {  	s30 =	simm.s32 $0x0;
	[sflag:s2] =	ssyncadd.s32 @!p0 $0xFFFF3800  }
0x66: {  	[tilespmem:s12], [sflag:$0x1] =	stream.indirect.gather [hbm4b:s6+s11], $0x40, s30, s11, $0xb8;
	[tilespmem:$0x19C80] =	vst v63  }
0x67: {  	s4 =	simm.s32 $0x2080  }
0x68: {  	[tilespmem:s4], [sflag:$0x1] =	stream.indirect.gather [hbm4b:s6+s11], $0x40, s11, s11, $0xb8;
	[tilespmem:$0x19C80] =	vst v63  }
0x69: {  	s2 =	sor.u32 s13, s9;
	s30 =	simm.s32 $0xA0;
	s4 =	simm.s32 $0x3480  }
0x6a: {  	[tilespmem:s4], [sflag:$0x1] =	stream.indirect.gather [hbm4b:s6+s11], $0x40, s30, s11, $0xb8;
	[tilespmem:$0x19C80] =	vst v63  }
0x6b: {  	s13 =	simm.s32 $0x140;
	s4 =	simm.s32 $0xF0;
	s30 =	simm.s32 $0x4880  }
0x6c: {  	[tilespmem:s30], [sflag:$0x1] =	stream.indirect.gather [hbm4b:s6+s11], $0x40, s4, s11, $0xb8;
	[tilespmem:$0x19C80] =	vst v63  }
0x6d: {  	s2 =	sor.u32 s14, s2;
	s14 =	simm.s32 $0x7080;
	s30 =	simm.s32 $0x5C80  }
0x6e: {  	[tilespmem:s30], [sflag:$0x1] =	stream.indirect.gather [hbm4b:s6+s11], $0x40, s13, s11, $0xb8;
	[tilespmem:$0x19C80] =	vst v63  }
0x6f: {  	s2 =	sor.u32 s15, s2;
	s15 =	simm.s32 $0x1E0;
	s13 =	simm.s32 $0x190  }
0x70: {  	[tilespmem:s14], [sflag:$0x1] =	stream.indirect.gather [hbm4b:s6+s11], $0x40, s13, s11, $0xb8;
	[tilespmem:$0x19C80] =	vst v63  }
0x71: {  	s2 =	sor.u32 s16, s2;
	s16 =	simm.s32 $0xAC80;
	s30 =	simm.s32 $0x8480  }
0x72: {  	[tilespmem:s30], [sflag:$0x1] =	stream.indirect.gather [hbm4b:s6+s11], $0x40, s15, s11, $0xb8;
	[tilespmem:$0x19C80] =	vst v63  }
0x73: {  	s2 =	sor.u32 s17, s2;
	s13 =	simm.s32 $0x230;
	s14 =	simm.s32 $0x9880  }
0x74: {  	[tilespmem:s14], [sflag:$0x1] =	stream.indirect.gather [hbm4b:s6+s11], $0x40, s13, s11, $0xb8;
	[tilespmem:$0x19C80] =	vst v63  }
0x75: {  	s17 =	simm.s32 $0x2D0;
	s2 =	sor.u32 s18, s2;
	s15 =	simm.s32 $0x280  }
0x76: {  	[tilespmem:s16], [sflag:$0x1] =	stream.indirect.gather [hbm4b:s6+s11], $0x40, s15, s11, $0xb8;
	[tilespmem:$0x19C80] =	vst v63  }
0x77: {  	s18 =	simm.s32 $0xC080;
	s30 =	sor.u32 s19, s2;
	s2 =	simm.s32 $0x0  }
0x78: {  	[tilespmem:s18], [sflag:$0x1] =	stream.indirect.gather [hbm4b:s6+s11], $0x40, s17, s11, $0xb8;
	[tilespmem:$0x19C80] =	vst v63  }
0x79: {  	s9 =	sor.u32 s20, s30;
	v3 =	vld [tilespmem:s2+$0x320]  }
0x7a: {  	s8 =	sor.u32 s8, s9  }
0x7b: {  	s8 =	sor.u32 s21, s8;
	v4 =	vld [tilespmem:s2+$0x960]  }
0x7c: {  	s8 =	sor.u32 s22, s8  }
0x7d: {  	s8 =	sor.u32 s23, s8  }
0x7e: {  	s8 =	sor.u32 s24, s8;
	vm15 =	veq.s32 v3, $0x0;
	v3 =	vadd.s32 v2, v3  }
0x7f: {  	v5 =	vimm.s32 $0x0;
	s14 =	simm.s32 $0x10;
	s8 =	sor.u32 s25, s8;
	v6 =	vsel vm15, $0x1, v1;
	[tilespmem:s2+$0x320] =	vst v3  }
0x80: {  	s26 =	sor.u32 s26, s8;
	s8 =	simm.s32 $0x80;
	v3 =	vld [tilespmem:s14+$0x320];
	v4 =	vand.u32 v6, v4;
	v5 =	vor.u32 v6, v5  }
.LBB2_7:
0x81: {  	p1 =	sne.s32 s8, $0xC40;
	[tilespmem:s2+$0x960] =	vst v4;
	s9 =	smov.u32 s8;
	s8 =	sadd.s32 $0x40, s8  }
0x82: {  	s2 =	smov.u32 s14;
	v4 =	vld [tilespmem:s14+$0x960]  }
.Ltmp6:
0x83: {  	(pc) =	sbr.rel @p1 .LBB2_7-.Ltmp6, $4  }
0x84: {  	_ = 	snop  }
0x85: {  	vm0 =	veq.s32 v3, $0x0;
	v3 =	vadd.s32 v2, v3  }
0x86: {  	s14 =	sshra.s32 s9, $0x2;
	v6 =	vsel vm0, $0x1, v1;
	[tilespmem:s2+$0x320] =	vst v3  }
0x87: {  	v3 =	vld [tilespmem:s14+$0x320];
	v4 =	vand.u32 v6, v4;
	v5 =	vor.u32 v6, v5  }
0x88: {  	_ =	sdelay $0x3  }
0x89: {  	vm0 =	veq.s32 v3, $0x0  }
0x8a: {  	v6 =	vsel vm0, $0x1, v1  }
0x8b: {  	v5 =	vor.u32 v6, v5  }
0x8c: {  	(v2sf) =	vpush v5, $0x0  }
0x8d: {  	(v2sf) =	vpush v5, $0x1  }
0x8e: {  	(v2sf) =	vpush v5, $0x2  }
0x8f: {  	(v2sf) =	vpush v5, $0x3  }
0x90: {  	(v2sf) =	vpush v5, $0x4  }
0x91: {  	(v2sf) =	vpush v5, $0x5  }
0x92: {  	(v2sf) =	vpush v5, $0x6  }
0x93: {  	(v2sf) =	vpush v5, $0x7  }
0x94: {  	(v2sf) =	vpush v5, $0x8  }
0x95: {  	(v2sf) =	vpush v5, $0x9  }
0x96: {  	(v2sf) =	vpush v5, $0xA  }
0x97: {  	(v2sf) =	vpush v5, $0xB  }
0x98: {  	(v2sf) =	vpush v5, $0xC  }
0x99: {  	(v2sf) =	vpush v5, $0xD  }
0x9a: {  	(v2sf) =	vpush v5, $0xE  }
0x9b: {  	(v2sf) =	vpush v5, $0xF;
	s23 =	spop (v2sf)  }
0x9c: {  	s25 =	spop (v2sf)  }
0x9d: {  	s24 =	spop (v2sf)  }
0x9e: {  	s22 =	spop (v2sf)  }
0x9f: {  	s21 =	spop (v2sf)  }
0xa0: {  	s20 =	spop (v2sf)  }
0xa1: {  	s19 =	spop (v2sf)  }
0xa2: {  	s18 =	spop (v2sf)  }
0xa3: {  	[tilespmem:s2+$0x960] =	vst v4;
	s15 =	spop (v2sf)  }
0xa4: {  	v4 =	vld [tilespmem:s14+$0x960];
	s16 =	spop (v2sf)  }
0xa5: {  	s17 =	spop (v2sf)  }
0xa6: {  	s13 =	spop (v2sf)  }
0xa7: {  	s2 =	spop (v2sf)  }
0xa8: {  	v2 =	vadd.s32 v2, v3;
	s8 =	spop (v2sf)  }
0xa9: {  	[tilespmem:s14+$0x320] =	vst v2;
	v2 =	vand.u32 v6, v4;
	s9 =	spop (v2sf)  }
0xaa: {  	s30 =	simm.s32 @!p0 $0x4;
	[tilespmem:s14+$0x960] =	vst v2;
	s14 =	spop (v2sf)  }
0xab: {  	_ =	swait.ge @!p0 [sflag:s30], $0xC800  }
0xac: {  	[sflag:s30] =	ssyncset.done @!p0 $0x0  }
0xad: {  	s4 =	simm.s32 $0x320;
	[sflag:s30] =	ssyncadd.s32 @!p0 $0xFFFF3800  }
0xae: {  	[tilespmem:s1], [sflag:$0x2] =	stream.indirect.gather [hbm4b:s6+s11], $0x40, s4, s11, $0xb8;
	[tilespmem:$0x19C80] =	vst v63  }
0xaf: {  	s30 =	simm.s32 $0xE880;
	s4 =	simm.s32 $0x370  }
0xb0: {  	[tilespmem:s30], [sflag:$0x2] =	stream.indirect.gather [hbm4b:s6+s11], $0x40, s4, s11, $0xb8;
	[tilespmem:$0x19C80] =	vst v63  }
0xb1: {  	s4 =	simm.s32 $0x3C0;
	s30 =	simm.s32 $0xFC80  }
0xb2: {  	[tilespmem:s30], [sflag:$0x2] =	stream.indirect.gather [hbm4b:s6+s11], $0x40, s4, s11, $0xb8;
	[tilespmem:$0x19C80] =	vst v63  }
0xb3: {  	s4 =	simm.s32 $0x410;
	s30 =	simm.s32 $0x11080  }
0xb4: {  	[tilespmem:s30], [sflag:$0x2] =	stream.indirect.gather [hbm4b:s6+s11], $0x40, s4, s11, $0xb8;
	[tilespmem:$0x19C80] =	vst v63  }
0xb5: {  	s4 =	simm.s32 $0x460;
	s30 =	simm.s32 $0x12480  }
0xb6: {  	[tilespmem:s30], [sflag:$0x2] =	stream.indirect.gather [hbm4b:s6+s11], $0x40, s4, s11, $0xb8;
	[tilespmem:$0x19C80] =	vst v63  }
0xb7: {  	s4 =	simm.s32 $0x4B0;
	s30 =	simm.s32 $0x13880  }
0xb8: {  	[tilespmem:s30], [sflag:$0x2] =	stream.indirect.gather [hbm4b:s6+s11], $0x40, s4, s11, $0xb8;
	[tilespmem:$0x19C80] =	vst v63  }
0xb9: {  	s4 =	simm.s32 $0x500;
	s30 =	simm.s32 $0x14C80  }
0xba: {  	[tilespmem:s30], [sflag:$0x2] =	stream.indirect.gather [hbm4b:s6+s11], $0x40, s4, s11, $0xb8;
	[tilespmem:$0x19C80] =	vst v63  }
0xbb: {  	s4 =	simm.s32 $0x550;
	s30 =	simm.s32 $0x16080  }
0xbc: {  	[tilespmem:s30], [sflag:$0x2] =	stream.indirect.gather [hbm4b:s6+s11], $0x40, s4, s11, $0xb8;
	[tilespmem:$0x19C80] =	vst v63  }
0xbd: {  	s4 =	simm.s32 $0x5A0;
	s30 =	simm.s32 $0x17480  }
0xbe: {  	[tilespmem:s30], [sflag:$0x2] =	stream.indirect.gather [hbm4b:s6+s11], $0x40, s4, s11, $0xb8;
	[tilespmem:$0x19C80] =	vst v63  }
0xbf: {  	s4 =	simm.s32 $0x5F0;
	s30 =	simm.s32 $0x18880  }
0xc0: {  	[tilespmem:s30], [sflag:$0x2] =	stream.indirect.gather [hbm4b:s6+s11], $0x40, s4, s11, $0xb8;
	[tilespmem:$0x19C80] =	vst v63  }
0xc1: {  	_ =	swait.ge [sflag:s28], $0x1400  }
0xc2: {  	[sflag:s28] =	ssyncset.done $0x0  }
0xc3: {  	[sflag:s28] =	ssyncadd.s32 $0xFFFFEC00  }
0xc4: {  	_ =	swait.ge [sflag:s28], $0x1400  }
0xc5: {  	[sflag:s28] =	ssyncset.done $0x0  }
0xc6: {  	[sflag:s28] =	ssyncadd.s32 $0xFFFFEC00  }
0xc7: {  	_ =	swait.ge [sflag:s28], $0x1400  }
0xc8: {  	[sflag:s28] =	ssyncset.done $0x0  }
0xc9: {  	[sflag:s28] =	ssyncadd.s32 $0xFFFFEC00  }
0xca: {  	_ =	swait.ge [sflag:s28], $0x1400  }
0xcb: {  	[sflag:s28] =	ssyncset.done $0x0  }
0xcc: {  	[sflag:s28] =	ssyncadd.s32 $0xFFFFEC00  }
0xcd: {  	_ =	swait.ge [sflag:s28], $0x1400  }
0xce: {  	[sflag:s28] =	ssyncset.done $0x0  }
0xcf: {  	[sflag:s28] =	ssyncadd.s32 $0xFFFFEC00  }
0xd0: {  	_ =	swait.ge [sflag:s28], $0x1400  }
0xd1: {  	[sflag:s28] =	ssyncset.done $0x0  }
0xd2: {  	[sflag:s28] =	ssyncadd.s32 $0xFFFFEC00  }
0xd3: {  	_ =	swait.ge [sflag:s28], $0x1400  }
0xd4: {  	[sflag:s28] =	ssyncset.done $0x0  }
0xd5: {  	[sflag:s28] =	ssyncadd.s32 $0xFFFFEC00  }
0xd6: {  	_ =	swait.ge [sflag:s28], $0x1400  }
0xd7: {  	[sflag:s28] =	ssyncset.done $0x0  }
0xd8: {  	[sflag:s28] =	ssyncadd.s32 $0xFFFFEC00  }
0xd9: {  	p0 =	slt.s32 s26, $0x1;
	_ =	swait.ge [sflag:s28], $0x1400  }
.Ltmp7:
0xda: {  	[sflag:s28] =	ssyncset.done $0x0;
	(pc) =	sbr.rel @p0 .LBB2_12-.Ltmp7, $4  }
0xdb: {  	[sflag:s28] =	ssyncadd.s32 $0xFFFFEC00  }
0xdc: {  	_ =	swait.ge [sflag:s28], $0x1400  }
0xdd: {  	[sflag:s28] =	ssyncset.done $0x0  }
0xde: {  	[sflag:s28] =	ssyncadd.s32 $0xFFFFEC00  }
0xdf: {  	s26 =	simm.s32 $0x0  }
0xe0: {  	v2 =	vld [tilespmem:s26+$0x0];
	_ =	sdelay $0x4  }
0xe1: {  	(v2sf) =	vpush v2, $0x0;
	_ =	sdelay $0x3  }
0xe2: {  	(v2sf) =	vpush v2, $0x1;
	_ =	sdelay $0x3  }
0xe3: {  	(v2sf) =	vpush v2, $0x2;
	_ =	sdelay $0x3  }
0xe4: {  	(v2sf) =	vpush v2, $0x3;
	_ =	sdelay $0x2  }
0xe5: {  	s4 =	spop (v2sf)  }
0xe6: {  	(v2sf) =	vpush v2, $0x4;
	p0 =	sne.s32 s4, s3  }
0xe7: {  	s26 =	simm.s32 $0xE80;
	v3 =	vimm.f32 @!p0 $0.0e+00  }
0xe8: {  	[tilespmem:s26+$0xFFFFFE00] =	vst @!p0 v3  }
0xe9: {  	s30 =	spop (v2sf);
	[tilespmem:s26+$0xFFFFFE10] =	vst @!p0 v3  }
0xea: {  	(v2sf) =	vpush v2, $0x5;
	p1 =	sne.s32 s30, s3;
	[tilespmem:s26+$0xFFFFFE20] =	vst @!p0 v3  }
0xeb: {  	v4 =	vimm.f32 @!p1 $0.0e+00;
	[tilespmem:s26+$0xFFFFFE30] =	vst @!p0 v3  }
0xec: {  	[tilespmem:s26+$0xFFFFFE40] =	vst @!p1 v4  }
0xed: {  	s30 =	spop (v2sf);
	[tilespmem:s26+$0xFFFFFE50] =	vst @!p1 v4  }
0xee: {  	(v2sf) =	vpush v2, $0x6;
	p0 =	sne.s32 s30, s3;
	[tilespmem:s26+$0xFFFFFE60] =	vst @!p1 v4  }
0xef: {  	v3 =	vimm.f32 @!p0 $0.0e+00;
	[tilespmem:s26+$0xFFFFFE70] =	vst @!p1 v4  }
0xf0: {  	[tilespmem:s26+$0xFFFFFE80] =	vst @!p0 v3  }
0xf1: {  	s30 =	spop (v2sf);
	[tilespmem:s26+$0xFFFFFE90] =	vst @!p0 v3  }
0xf2: {  	(v2sf) =	vpush v2, $0x7;
	p1 =	sne.s32 s30, s3;
	[tilespmem:s26+$0xFFFFFEA0] =	vst @!p0 v3  }
0xf3: {  	v4 =	vimm.f32 @!p1 $0.0e+00;
	[tilespmem:s26+$0xFFFFFEB0] =	vst @!p0 v3  }
0xf4: {  	[tilespmem:s26+$0xFFFFFEC0] =	vst @!p1 v4  }
0xf5: {  	[tilespmem:s26+$0xFFFFFED0] =	vst @!p1 v4;
	s30 =	spop (v2sf)  }
0xf6: {  	[tilespmem:s26+$0xFFFFFEE0] =	vst @!p1 v4;
	(v2sf) =	vpush v2, $0x8;
	p0 =	sne.s32 s30, s3  }
0xf7: {  	[tilespmem:s26+$0xFFFFFEF0] =	vst @!p1 v4;
	v3 =	vimm.f32 @!p0 $0.0e+00  }
0xf8: {  	[tilespmem:s26+$0xFFFFFF00] =	vst @!p0 v3  }
0xf9: {  	s30 =	spop (v2sf);
	[tilespmem:s26+$0xFFFFFF10] =	vst @!p0 v3  }
0xfa: {  	(v2sf) =	vpush v2, $0x9;
	p1 =	sne.s32 s30, s3;
	[tilespmem:s26+$0xFFFFFF20] =	vst @!p0 v3  }
0xfb: {  	v4 =	vimm.f32 @!p1 $0.0e+00;
	[tilespmem:s26+$0xFFFFFF30] =	vst @!p0 v3  }
0xfc: {  	[tilespmem:s26+$0xFFFFFF40] =	vst @!p1 v4  }
0xfd: {  	s30 =	spop (v2sf);
	[tilespmem:s26+$0xFFFFFF50] =	vst @!p1 v4  }
0xfe: {  	(v2sf) =	vpush v2, $0xA;
	p0 =	sne.s32 s30, s3;
	[tilespmem:s26+$0xFFFFFF60] =	vst @!p1 v4  }
0xff: {  	v3 =	vimm.f32 @!p0 $0.0e+00;
	[tilespmem:s26+$0xFFFFFF70] =	vst @!p1 v4  }
0x100: {  	[tilespmem:s26+$0xFFFFFF80] =	vst @!p0 v3  }
0x101: {  	s30 =	spop (v2sf);
	[tilespmem:s26+$0xFFFFFF90] =	vst @!p0 v3  }
0x102: {  	(v2sf) =	vpush v2, $0xB;
	p1 =	sne.s32 s30, s3;
	[tilespmem:s26+$0xFFFFFFA0] =	vst @!p0 v3  }
0x103: {  	v4 =	vimm.f32 @!p1 $0.0e+00;
	[tilespmem:s26+$0xFFFFFFB0] =	vst @!p0 v3  }
0x104: {  	[tilespmem:s26+$0xFFFFFFC0] =	vst @!p1 v4  }
0x105: {  	[tilespmem:s26+$0xFFFFFFD0] =	vst @!p1 v4;
	s30 =	spop (v2sf)  }
0x106: {  	[tilespmem:s26+$0xFFFFFFE0] =	vst @!p1 v4;
	(v2sf) =	vpush v2, $0xC;
	p0 =	sne.s32 s30, s3  }
0x107: {  	[tilespmem:s26+$0xFFFFFFF0] =	vst @!p1 v4;
	v3 =	vimm.f32 @!p0 $0.0e+00  }
0x108: {  	[tilespmem:s26+$0x0] =	vst @!p0 v3  }
0x109: {  	s30 =	spop (v2sf);
	[tilespmem:s26+$0x10] =	vst @!p0 v3  }
0x10a: {  	(v2sf) =	vpush v2, $0xD;
	p1 =	sne.s32 s30, s3;
	[tilespmem:s26+$0x20] =	vst @!p0 v3  }
0x10b: {  	v4 =	vimm.f32 @!p1 $0.0e+00;
	[tilespmem:s26+$0x30] =	vst @!p0 v3  }
0x10c: {  	[tilespmem:s26+$0x40] =	vst @!p1 v4  }
0x10d: {  	s30 =	spop (v2sf);
	[tilespmem:s26+$0x50] =	vst @!p1 v4  }
0x10e: {  	(v2sf) =	vpush v2, $0xE;
	p0 =	sne.s32 s30, s3;
	[tilespmem:s26+$0x60] =	vst @!p1 v4  }
0x10f: {  	v3 =	vimm.f32 @!p0 $0.0e+00;
	[tilespmem:s26+$0x70] =	vst @!p1 v4  }
0x110: {  	[tilespmem:s26+$0x80] =	vst @!p0 v3  }
0x111: {  	s30 =	spop (v2sf);
	[tilespmem:s26+$0x90] =	vst @!p0 v3  }
0x112: {  	(v2sf) =	vpush v2, $0xF;
	p1 =	sne.s32 s30, s3;
	[tilespmem:s26+$0xA0] =	vst @!p0 v3  }
0x113: {  	v2 =	vimm.f32 @!p1 $0.0e+00;
	[tilespmem:s26+$0xB0] =	vst @!p0 v3  }
0x114: {  	[tilespmem:s26+$0xC0] =	vst @!p1 v2  }
0x115: {  	[tilespmem:s26+$0xD0] =	vst @!p1 v2;
	s30 =	spop (v2sf)  }
0x116: {  	[tilespmem:s26+$0xE0] =	vst @!p1 v2;
	p0 =	sne.s32 s30, s3  }
0x117: {  	[tilespmem:s26+$0xF0] =	vst @!p1 v2;
	v3 =	vimm.f32 @!p0 $0.0e+00  }
0x118: {  	[tilespmem:s26+$0x100] =	vst @!p0 v3  }
0x119: {  	s30 =	spop (v2sf);
	[tilespmem:s26+$0x110] =	vst @!p0 v3  }
0x11a: {  	p1 =	sne.s32 s30, s3;
	[tilespmem:s26+$0x120] =	vst @!p0 v3  }
0x11b: {  	v2 =	vimm.f32 @!p1 $0.0e+00;
	[tilespmem:s26+$0x130] =	vst @!p0 v3  }
0x11c: {  	[tilespmem:s26+$0x140] =	vst @!p1 v2  }
0x11d: {  	s30 =	spop (v2sf);
	[tilespmem:s26+$0x150] =	vst @!p1 v2  }
0x11e: {  	p0 =	sne.s32 s30, s3;
	[tilespmem:s26+$0x160] =	vst @!p1 v2  }
0x11f: {  	v3 =	vimm.f32 @!p0 $0.0e+00;
	[tilespmem:s26+$0x170] =	vst @!p1 v2  }
0x120: {  	[tilespmem:s26+$0x180] =	vst @!p0 v3  }
0x121: {  	s30 =	spop (v2sf);
	[tilespmem:s26+$0x190] =	vst @!p0 v3  }
0x122: {  	p3 =	sne.s32 s30, s3;
	[tilespmem:s26+$0x1A0] =	vst @!p0 v3  }
0x123: {  	[tilespmem:s26+$0x1B0] =	vst @!p0 v3;
	v2 =	vimm.f32 @!p3 $0.0e+00  }
0x124: {  	[tilespmem:s26+$0x1C0] =	vst @!p3 v2  }
0x125: {  	[tilespmem:s26+$0x1D0] =	vst @!p3 v2  }
0x126: {  	s30 =	simm.s32 $0x40;
	[tilespmem:s26+$0x1E0] =	vst @!p3 v2  }
.LBB2_10:
0x127: {  	s4 =	sshra.s32 s30, $0x2;
	[tilespmem:s26+$0x1F0] =	vst @!p3 v2  }
0x128: {  	v2 =	vld [tilespmem:s4+$0x0];
	_ =	sdelay $0x4  }
0x129: {  	(v2sf) =	vpush v2, $0x0  }
0x12a: {  	(v2sf) =	vpush v2, $0x1  }
0x12b: {  	(v2sf) =	vpush v2, $0x2  }
0x12c: {  	(v2sf) =	vpush v2, $0x3  }
0x12d: {  	(v2sf) =	vpush v2, $0x4  }
0x12e: {  	(v2sf) =	vpush v2, $0x5  }
0x12f: {  	(v2sf) =	vpush v2, $0x6  }
0x130: {  	(v2sf) =	vpush v2, $0x7;
	_ =	sdelay $0x2  }
0x131: {  	(v2sf) =	vpush v2, $0x8  }
0x132: {  	s30 =	sadd.s32 $0x40, s30;
	(v2sf) =	vpush v2, $0x9  }
0x133: {  	p0 =	sne.s32 s30, $0xC80;
	(v2sf) =	vpush v2, $0xA  }
0x134: {  	s4 =	simm.s32 @!p0 $0x0;
	(v2sf) =	vpush v2, $0xB  }
0x135: {  	s4 =	simm.s32 @p0 $0x1;
	(v2sf) =	vpush v2, $0xC  }
0x136: {  	[smem:$0x7FD] =	sst s4;
	(v2sf) =	vpush v2, $0xD;
	s4 =	spop (v2sf)  }
0x137: {  	(v2sf) =	vpush v2, $0xE;
	p1 =	sne.s32 s4, s3;
	s4 =	spop (v2sf)  }
0x138: {  	s26 =	sadd.s32 $0x400, s26;
	(v2sf) =	vpush v2, $0xF;
	v2 =	vimm.f32 @!p1 $0.0e+00;
	p2 =	sne.s32 s4, s3;
	s4 =	spop (v2sf)  }
0x139: {  	[tilespmem:s26+$0xFFFFFE00] =	vst @!p1 v2;
	p3 =	sne.s32 s4, s3;
	s4 =	spop (v2sf)  }
0x13a: {  	[tilespmem:s26+$0xFFFFFE10] =	vst @!p1 v2;
	p6 =	sne.s32 s4, s3;
	s4 =	spop (v2sf)  }
0x13b: {  	[tilespmem:s26+$0xFFFFFE20] =	vst @!p1 v2;
	p5 =	sne.s32 s4, s3;
	s4 =	spop (v2sf)  }
0x13c: {  	v3 =	vimm.f32 @!p2 $0.0e+00;
	[tilespmem:s26+$0xFFFFFE30] =	vst @!p1 v2;
	p4 =	sne.s32 s4, s3;
	s4 =	spop (v2sf)  }
0x13d: {  	[tilespmem:s26+$0xFFFFFE40] =	vst @!p2 v3;
	p1 =	sne.s32 s4, s3;
	s4 =	spop (v2sf)  }
0x13e: {  	[tilespmem:s26+$0xFFFFFE50] =	vst @!p2 v3;
	p0 =	sne.s32 s4, s3  }
0x13f: {  	[tilespmem:s26+$0xFFFFFE60] =	vst @!p2 v3;
	s4 =	simm.s32 @!p0 $0x0  }
0x140: {  	v4 =	vimm.f32 @!p3 $0.0e+00;
	[tilespmem:s26+$0xFFFFFE70] =	vst @!p2 v3;
	s4 =	simm.s32 @p0 $0x1  }
0x141: {  	[tilespmem:s26+$0xFFFFFE80] =	vst @!p3 v4;
	[smem:$0x7F7] =	sst s4;
	s4 =	spop (v2sf)  }
0x142: {  	[tilespmem:s26+$0xFFFFFE90] =	vst @!p3 v4;
	v9 =	vimm.f32 @!p0 $0.0e+00;
	p0 =	sne.s32 s4, s3  }
0x143: {  	[tilespmem:s26+$0xFFFFFEA0] =	vst @!p3 v4;
	s4 =	simm.s32 @!p0 $0x0  }
0x144: {  	v5 =	vimm.f32 @!p6 $0.0e+00;
	[tilespmem:s26+$0xFFFFFEB0] =	vst @!p3 v4;
	s4 =	simm.s32 @p0 $0x1  }
0x145: {  	[tilespmem:s26+$0xFFFFFEC0] =	vst @!p6 v5;
	[smem:$0x7F8] =	sst s4;
	s4 =	spop (v2sf)  }
0x146: {  	[tilespmem:s26+$0xFFFFFED0] =	vst @!p6 v5;
	p2 =	sne.s32 s4, s3;
	s4 =	spop (v2sf)  }
0x147: {  	[tilespmem:s26+$0xFFFFFEE0] =	vst @!p6 v5;
	v3 =	vimm.f32 @!p0 $0.0e+00;
	p0 =	sne.s32 s4, s3  }
0x148: {  	v6 =	vimm.f32 @!p5 $0.0e+00;
	[tilespmem:s26+$0xFFFFFEF0] =	vst @!p6 v5;
	s4 =	simm.s32 @!p0 $0x0  }
0x149: {  	[tilespmem:s26+$0xFFFFFF00] =	vst @!p5 v6;
	s4 =	simm.s32 @p0 $0x1  }
0x14a: {  	[tilespmem:s26+$0xFFFFFF10] =	vst @!p5 v6;
	[smem:$0x7F9] =	sst s4;
	s4 =	spop (v2sf)  }
0x14b: {  	[tilespmem:s26+$0xFFFFFF20] =	vst @!p5 v6;
	v11 =	vimm.f32 @!p0 $0.0e+00;
	p0 =	sne.s32 s4, s3  }
0x14c: {  	v7 =	vimm.f32 @!p4 $0.0e+00;
	[tilespmem:s26+$0xFFFFFF30] =	vst @!p5 v6;
	s4 =	simm.s32 @!p0 $0x0  }
0x14d: {  	[tilespmem:s26+$0xFFFFFF40] =	vst @!p4 v7;
	s4 =	simm.s32 @p0 $0x1  }
0x14e: {  	[tilespmem:s26+$0xFFFFFF50] =	vst @!p4 v7;
	[smem:$0x7FA] =	sst s4;
	s4 =	spop (v2sf)  }
0x14f: {  	[tilespmem:s26+$0xFFFFFF60] =	vst @!p4 v7;
	v12 =	vimm.f32 @!p0 $0.0e+00;
	p0 =	sne.s32 s4, s3  }
0x150: {  	v8 =	vimm.f32 @!p1 $0.0e+00;
	[tilespmem:s26+$0xFFFFFF70] =	vst @!p4 v7;
	s4 =	simm.s32 @!p0 $0x0  }
0x151: {  	[tilespmem:s26+$0xFFFFFF80] =	vst @!p1 v8;
	s4 =	simm.s32 @p0 $0x1  }
0x152: {  	[tilespmem:s26+$0xFFFFFF90] =	vst @!p1 v8;
	[smem:$0x7FB] =	sst s4;
	s4 =	spop (v2sf)  }
0x153: {  	[tilespmem:s26+$0xFFFFFFA0] =	vst @!p1 v8;
	v4 =	vimm.f32 @!p0 $0.0e+00;
	p0 =	sne.s32 s4, s3  }
0x154: {  	[tilespmem:s26+$0xFFFFFFB0] =	vst @!p1 v8;
	v10 =	vimm.f32 @!p2 $0.0e+00;
	s4 =	simm.s32 @!p0 $0x0  }
0x155: {  	[tilespmem:s26+$0x40] =	vst @!p2 v10;
	s4 =	simm.s32 @p0 $0x1  }
0x156: {  	[tilespmem:s26+$0x50] =	vst @!p2 v10;
	[smem:$0x7FC] =	sst s4;
	s4 =	spop (v2sf)  }
0x157: {  	[tilespmem:s26+$0x60] =	vst @!p2 v10;
	v13 =	vimm.f32 @!p0 $0.0e+00;
	p0 =	sne.s32 s4, s3;
	s4 =	spop (v2sf)  }
0x158: {  	[tilespmem:s26+$0x70] =	vst @!p2 v10;
	v14 =	vimm.f32 @!p0 $0.0e+00;
	p3 =	sne.s32 s4, s3;
	s4 =	sld [smem:$0x7F7]  }
0x159: {  	[tilespmem:s26+$0x180] =	vst @!p0 v14  }
0x15a: {  	[tilespmem:s26+$0x190] =	vst @!p0 v14  }
0x15b: {  	[tilespmem:s26+$0x1A0] =	vst @!p0 v14;
	p1 =	seq.s32 s4, $0x1  }
0x15c: {  	s4 =	sld [smem:$0x7F8];
	[tilespmem:s26+$0xFFFFFFC0] =	vst @!p1 v9  }
0x15d: {  	[tilespmem:s26+$0xFFFFFFD0] =	vst @!p1 v9  }
0x15e: {  	[tilespmem:s26+$0xFFFFFFE0] =	vst @!p1 v9  }
0x15f: {  	[tilespmem:s26+$0xFFFFFFF0] =	vst @!p1 v9;
	p1 =	seq.s32 s4, $0x1  }
0x160: {  	s4 =	sld [smem:$0x7F9];
	[tilespmem:s26+$0x0] =	vst @!p1 v3  }
0x161: {  	[tilespmem:s26+$0x10] =	vst @!p1 v3  }
0x162: {  	[tilespmem:s26+$0x20] =	vst @!p1 v3  }
0x163: {  	[tilespmem:s26+$0x30] =	vst @!p1 v3;
	p1 =	seq.s32 s4, $0x1  }
0x164: {  	s4 =	sld [smem:$0x7FA];
	[tilespmem:s26+$0x80] =	vst @!p1 v11  }
0x165: {  	[tilespmem:s26+$0x90] =	vst @!p1 v11  }
0x166: {  	[tilespmem:s26+$0xA0] =	vst @!p1 v11  }
0x167: {  	[tilespmem:s26+$0xB0] =	vst @!p1 v11;
	p1 =	seq.s32 s4, $0x1  }
0x168: {  	s4 =	sld [smem:$0x7FB];
	[tilespmem:s26+$0xC0] =	vst @!p1 v12  }
0x169: {  	[tilespmem:s26+$0xD0] =	vst @!p1 v12  }
0x16a: {  	[tilespmem:s26+$0xE0] =	vst @!p1 v12  }
0x16b: {  	[tilespmem:s26+$0xF0] =	vst @!p1 v12;
	p1 =	seq.s32 s4, $0x1  }
0x16c: {  	s4 =	sld [smem:$0x7FC];
	[tilespmem:s26+$0x100] =	vst @!p1 v4  }
0x16d: {  	[tilespmem:s26+$0x110] =	vst @!p1 v4  }
0x16e: {  	[tilespmem:s26+$0x120] =	vst @!p1 v4  }
0x16f: {  	[tilespmem:s26+$0x130] =	vst @!p1 v4;
	p1 =	seq.s32 s4, $0x1;
	s4 =	sld [smem:$0x7FD]  }
0x170: {  	v2 =	vimm.f32 @!p3 $0.0e+00;
	[tilespmem:s26+$0x1B0] =	vst @!p0 v14  }
0x171: {  	[tilespmem:s26+$0x1C0] =	vst @!p3 v2  }
0x172: {  	[tilespmem:s26+$0x1D0] =	vst @!p3 v2;
	p0 =	seq.s32 s4, $0x1  }
.Ltmp8:
0x173: {  	[tilespmem:s26+$0x1E0] =	vst @!p3 v2;
	(pc) =	sbr.rel @p0 .LBB2_10-.Ltmp8, $4  }
0x174: {  	[tilespmem:s26+$0x140] =	vst @!p1 v13  }
0x175: {  	[tilespmem:s26+$0x150] =	vst @!p1 v13  }
0x176: {  	[tilespmem:s26+$0x160] =	vst @!p1 v13  }
0x177: {  	[tilespmem:s26+$0x170] =	vst @!p1 v13  }
0x178: {  	[tilespmem:s26+$0x1F0] =	vst @!p3 v2  }
.LBB2_12:
0x179: {  	s0 =	sshll.u32 s0, $0x3;
	s4 =	rddreg [dreg:$0x1]  }
0x17a: {  	s26 =	simm.s32 $0x0;
	s4 =	sadd.s32 s4, s0  }
0x17b: {  	[hbm4b:s4+s26] =	stream.linear.scatter [tilespmem:s12], [sflag:$0x3], $0xC800, $0x38;
	[tilespmem:$0x19C80] =	vst v63  }
0x17c: {  	_ =	swait.ge [sflag:s29], $0x1400  }
0x17d: {  	[sflag:s29] =	ssyncset.done $0x0  }
0x17e: {  	[sflag:s29] =	ssyncadd.s32 $0xFFFFEC00  }
0x17f: {  	_ =	swait.ge [sflag:s29], $0x1400  }
0x180: {  	[sflag:s29] =	ssyncset.done $0x0  }
0x181: {  	[sflag:s29] =	ssyncadd.s32 $0xFFFFEC00  }
0x182: {  	_ =	swait.ge [sflag:s29], $0x1400  }
0x183: {  	[sflag:s29] =	ssyncset.done $0x0  }
0x184: {  	[sflag:s29] =	ssyncadd.s32 $0xFFFFEC00  }
0x185: {  	s30 =	sor.u32 s25, s23;
	_ =	swait.ge [sflag:s29], $0x1400  }
0x186: {  	s4 =	sor.u32 s24, s30;
	[sflag:s29] =	ssyncset.done $0x0  }
0x187: {  	s4 =	sor.u32 s22, s4;
	[sflag:s29] =	ssyncadd.s32 $0xFFFFEC00  }
0x188: {  	s4 =	sor.u32 s21, s4;
	_ =	swait.ge [sflag:s29], $0x1400  }
0x189: {  	s4 =	sor.u32 s20, s4;
	[sflag:s29] =	ssyncset.done $0x0  }
0x18a: {  	s4 =	sor.u32 s19, s4;
	[sflag:s29] =	ssyncadd.s32 $0xFFFFEC00  }
0x18b: {  	s4 =	sor.u32 s18, s4;
	_ =	swait.ge [sflag:s29], $0x1400  }
0x18c: {  	s4 =	sor.u32 s15, s4;
	[sflag:s29] =	ssyncset.done $0x0  }
0x18d: {  	s4 =	sor.u32 s16, s4;
	[sflag:s29] =	ssyncadd.s32 $0xFFFFEC00  }
0x18e: {  	s4 =	sor.u32 s17, s4;
	_ =	swait.ge [sflag:s29], $0x1400  }
0x18f: {  	s4 =	sor.u32 s13, s4;
	[sflag:s29] =	ssyncset.done $0x0  }
0x190: {  	s2 =	sor.u32 s2, s4;
	[sflag:s29] =	ssyncadd.s32 $0xFFFFEC00  }
0x191: {  	s2 =	sor.u32 s8, s2;
	_ =	swait.ge [sflag:s29], $0x1400  }
0x192: {  	s2 =	sor.u32 s9, s2;
	[sflag:s29] =	ssyncset.done $0x0  }
0x193: {  	s2 =	sor.u32 s14, s2;
	[sflag:s29] =	ssyncadd.s32 $0xFFFFEC00  }
0x194: {  	p0 =	slt.s32 s2, $0x1;
	_ =	swait.ge [sflag:s29], $0x1400  }
.Ltmp9:
0x195: {  	[sflag:s29] =	ssyncset.done $0x0;
	(pc) =	sbr.rel @p0 .LBB2_16-.Ltmp9, $4  }
0x196: {  	[sflag:s29] =	ssyncadd.s32 $0xFFFFEC00  }
0x197: {  	_ =	swait.ge [sflag:s29], $0x1400  }
0x198: {  	[sflag:s29] =	ssyncset.done $0x0  }
0x199: {  	s2 =	simm.s32 $0xD680;
	[sflag:s29] =	ssyncadd.s32 $0xFFFFEC00  }
0x19a: {  	s4 =	sshra.s32 s26, $0x2  }
0x19b: {  	v2 =	vld [tilespmem:s4+$0x320];
	_ =	sdelay $0x4  }
0x19c: {  	(v2sf) =	vpush v2, $0x0;
	_ =	sdelay $0x3  }
0x19d: {  	(v2sf) =	vpush v2, $0x1;
	_ =	sdelay $0x3  }
0x19e: {  	(v2sf) =	vpush v2, $0x2;
	_ =	sdelay $0x3  }
0x19f: {  	(v2sf) =	vpush v2, $0x3;
	_ =	sdelay $0x2  }
0x1a0: {  	s8 =	spop (v2sf)  }
0x1a1: {  	(v2sf) =	vpush v2, $0x4;
	p0 =	sne.s32 s8, s3  }
0x1a2: {  	v3 =	vimm.f32 @!p0 $0.0e+00  }
0x1a3: {  	[tilespmem:s2+$0xFFFFFE00] =	vst @!p0 v3  }
0x1a4: {  	s9 =	spop (v2sf);
	[tilespmem:s2+$0xFFFFFE10] =	vst @!p0 v3  }
0x1a5: {  	(v2sf) =	vpush v2, $0x5;
	p1 =	sne.s32 s9, s3;
	[tilespmem:s2+$0xFFFFFE20] =	vst @!p0 v3  }
0x1a6: {  	v4 =	vimm.f32 @!p1 $0.0e+00;
	[tilespmem:s2+$0xFFFFFE30] =	vst @!p0 v3  }
0x1a7: {  	[tilespmem:s2+$0xFFFFFE40] =	vst @!p1 v4  }
0x1a8: {  	s13 =	spop (v2sf);
	[tilespmem:s2+$0xFFFFFE50] =	vst @!p1 v4  }
0x1a9: {  	(v2sf) =	vpush v2, $0x6;
	p0 =	sne.s32 s13, s3;
	[tilespmem:s2+$0xFFFFFE60] =	vst @!p1 v4  }
0x1aa: {  	v3 =	vimm.f32 @!p0 $0.0e+00;
	[tilespmem:s2+$0xFFFFFE70] =	vst @!p1 v4  }
0x1ab: {  	[tilespmem:s2+$0xFFFFFE80] =	vst @!p0 v3  }
0x1ac: {  	s14 =	spop (v2sf);
	[tilespmem:s2+$0xFFFFFE90] =	vst @!p0 v3  }
0x1ad: {  	(v2sf) =	vpush v2, $0x7;
	p1 =	sne.s32 s14, s3;
	[tilespmem:s2+$0xFFFFFEA0] =	vst @!p0 v3  }
0x1ae: {  	v4 =	vimm.f32 @!p1 $0.0e+00;
	[tilespmem:s2+$0xFFFFFEB0] =	vst @!p0 v3  }
0x1af: {  	[tilespmem:s2+$0xFFFFFEC0] =	vst @!p1 v4  }
0x1b0: {  	[tilespmem:s2+$0xFFFFFED0] =	vst @!p1 v4;
	s15 =	spop (v2sf)  }
0x1b1: {  	[tilespmem:s2+$0xFFFFFEE0] =	vst @!p1 v4;
	(v2sf) =	vpush v2, $0x8;
	p0 =	sne.s32 s15, s3  }
0x1b2: {  	[tilespmem:s2+$0xFFFFFEF0] =	vst @!p1 v4;
	v3 =	vimm.f32 @!p0 $0.0e+00  }
0x1b3: {  	[tilespmem:s2+$0xFFFFFF00] =	vst @!p0 v3  }
0x1b4: {  	s16 =	spop (v2sf);
	[tilespmem:s2+$0xFFFFFF10] =	vst @!p0 v3  }
0x1b5: {  	(v2sf) =	vpush v2, $0x9;
	p1 =	sne.s32 s16, s3;
	[tilespmem:s2+$0xFFFFFF20] =	vst @!p0 v3  }
0x1b6: {  	v4 =	vimm.f32 @!p1 $0.0e+00;
	[tilespmem:s2+$0xFFFFFF30] =	vst @!p0 v3  }
0x1b7: {  	[tilespmem:s2+$0xFFFFFF40] =	vst @!p1 v4  }
0x1b8: {  	s17 =	spop (v2sf);
	[tilespmem:s2+$0xFFFFFF50] =	vst @!p1 v4  }
0x1b9: {  	(v2sf) =	vpush v2, $0xA;
	p0 =	sne.s32 s17, s3;
	[tilespmem:s2+$0xFFFFFF60] =	vst @!p1 v4  }
0x1ba: {  	v3 =	vimm.f32 @!p0 $0.0e+00;
	[tilespmem:s2+$0xFFFFFF70] =	vst @!p1 v4  }
0x1bb: {  	[tilespmem:s2+$0xFFFFFF80] =	vst @!p0 v3  }
0x1bc: {  	s18 =	spop (v2sf);
	[tilespmem:s2+$0xFFFFFF90] =	vst @!p0 v3  }
0x1bd: {  	(v2sf) =	vpush v2, $0xB;
	p1 =	sne.s32 s18, s3;
	[tilespmem:s2+$0xFFFFFFA0] =	vst @!p0 v3  }
0x1be: {  	v4 =	vimm.f32 @!p1 $0.0e+00;
	[tilespmem:s2+$0xFFFFFFB0] =	vst @!p0 v3  }
0x1bf: {  	[tilespmem:s2+$0xFFFFFFC0] =	vst @!p1 v4  }
0x1c0: {  	[tilespmem:s2+$0xFFFFFFD0] =	vst @!p1 v4;
	s19 =	spop (v2sf)  }
0x1c1: {  	[tilespmem:s2+$0xFFFFFFE0] =	vst @!p1 v4;
	(v2sf) =	vpush v2, $0xC;
	p0 =	sne.s32 s19, s3  }
0x1c2: {  	[tilespmem:s2+$0xFFFFFFF0] =	vst @!p1 v4;
	v3 =	vimm.f32 @!p0 $0.0e+00  }
0x1c3: {  	[tilespmem:s2+$0x0] =	vst @!p0 v3  }
0x1c4: {  	s20 =	spop (v2sf);
	[tilespmem:s2+$0x10] =	vst @!p0 v3  }
0x1c5: {  	(v2sf) =	vpush v2, $0xD;
	p1 =	sne.s32 s20, s3;
	[tilespmem:s2+$0x20] =	vst @!p0 v3  }
0x1c6: {  	v4 =	vimm.f32 @!p1 $0.0e+00;
	[tilespmem:s2+$0x30] =	vst @!p0 v3  }
0x1c7: {  	[tilespmem:s2+$0x40] =	vst @!p1 v4  }
0x1c8: {  	s21 =	spop (v2sf);
	[tilespmem:s2+$0x50] =	vst @!p1 v4  }
0x1c9: {  	(v2sf) =	vpush v2, $0xE;
	p0 =	sne.s32 s21, s3;
	[tilespmem:s2+$0x60] =	vst @!p1 v4  }
0x1ca: {  	v3 =	vimm.f32 @!p0 $0.0e+00;
	[tilespmem:s2+$0x70] =	vst @!p1 v4  }
0x1cb: {  	[tilespmem:s2+$0x80] =	vst @!p0 v3  }
0x1cc: {  	s22 =	spop (v2sf);
	[tilespmem:s2+$0x90] =	vst @!p0 v3  }
0x1cd: {  	(v2sf) =	vpush v2, $0xF;
	p1 =	sne.s32 s22, s3;
	[tilespmem:s2+$0xA0] =	vst @!p0 v3  }
0x1ce: {  	v2 =	vimm.f32 @!p1 $0.0e+00;
	[tilespmem:s2+$0xB0] =	vst @!p0 v3  }
0x1cf: {  	[tilespmem:s2+$0xC0] =	vst @!p1 v2  }
0x1d0: {  	[tilespmem:s2+$0xD0] =	vst @!p1 v2;
	s23 =	spop (v2sf)  }
0x1d1: {  	[tilespmem:s2+$0xE0] =	vst @!p1 v2;
	p0 =	sne.s32 s23, s3  }
0x1d2: {  	[tilespmem:s2+$0xF0] =	vst @!p1 v2;
	v3 =	vimm.f32 @!p0 $0.0e+00  }
0x1d3: {  	[tilespmem:s2+$0x100] =	vst @!p0 v3  }
0x1d4: {  	s24 =	spop (v2sf);
	[tilespmem:s2+$0x110] =	vst @!p0 v3  }
0x1d5: {  	p1 =	sne.s32 s24, s3;
	[tilespmem:s2+$0x120] =	vst @!p0 v3  }
0x1d6: {  	v2 =	vimm.f32 @!p1 $0.0e+00;
	[tilespmem:s2+$0x130] =	vst @!p0 v3  }
0x1d7: {  	[tilespmem:s2+$0x140] =	vst @!p1 v2  }
0x1d8: {  	s25 =	spop (v2sf);
	[tilespmem:s2+$0x150] =	vst @!p1 v2  }
0x1d9: {  	p0 =	sne.s32 s25, s3;
	[tilespmem:s2+$0x160] =	vst @!p1 v2  }
0x1da: {  	v3 =	vimm.f32 @!p0 $0.0e+00;
	[tilespmem:s2+$0x170] =	vst @!p1 v2  }
0x1db: {  	[tilespmem:s2+$0x180] =	vst @!p0 v3  }
0x1dc: {  	s30 =	spop (v2sf);
	[tilespmem:s2+$0x190] =	vst @!p0 v3  }
0x1dd: {  	p3 =	sne.s32 s30, s3;
	[tilespmem:s2+$0x1A0] =	vst @!p0 v3  }
0x1de: {  	[tilespmem:s2+$0x1B0] =	vst @!p0 v3;
	v2 =	vimm.f32 @!p3 $0.0e+00  }
0x1df: {  	[tilespmem:s2+$0x1C0] =	vst @!p3 v2  }
0x1e0: {  	[tilespmem:s2+$0x1D0] =	vst @!p3 v2  }
0x1e1: {  	s8 =	sadd.s32 $0x40, s26;
	[tilespmem:s2+$0x1E0] =	vst @!p3 v2  }
.LBB2_14:
0x1e2: {  	s4 =	sshra.s32 s8, $0x2;
	[tilespmem:s2+$0x1F0] =	vst @!p3 v2  }
0x1e3: {  	v2 =	vld [tilespmem:s4+$0x320];
	_ =	sdelay $0x4  }
0x1e4: {  	(v2sf) =	vpush v2, $0x0;
	_ =	sdelay $0x2  }
0x1e5: {  	(v2sf) =	vpush v2, $0x1  }
0x1e6: {  	(v2sf) =	vpush v2, $0x2  }
0x1e7: {  	(v2sf) =	vpush v2, $0x3  }
0x1e8: {  	(v2sf) =	vpush v2, $0x4  }
0x1e9: {  	(v2sf) =	vpush v2, $0x5  }
0x1ea: {  	(v2sf) =	vpush v2, $0x6  }
0x1eb: {  	(v2sf) =	vpush v2, $0x7  }
0x1ec: {  	(v2sf) =	vpush v2, $0x8  }
0x1ed: {  	(v2sf) =	vpush v2, $0x9  }
0x1ee: {  	(v2sf) =	vpush v2, $0xA  }
0x1ef: {  	(v2sf) =	vpush v2, $0xB  }
0x1f0: {  	(v2sf) =	vpush v2, $0xC  }
0x1f1: {  	(v2sf) =	vpush v2, $0xD;
	s21 =	spop (v2sf)  }
0x1f2: {  	(v2sf) =	vpush v2, $0xE;
	p1 =	sne.s32 s21, s3  }
0x1f3: {  	s2 =	sadd.s32 $0x400, s2;
	(v2sf) =	vpush v2, $0xF;
	v2 =	vimm.f32 @!p1 $0.0e+00  }
0x1f4: {  	[tilespmem:s2+$0xFFFFFE00] =	vst @!p1 v2  }
0x1f5: {  	s22 =	spop (v2sf);
	[tilespmem:s2+$0xFFFFFE10] =	vst @!p1 v2  }
0x1f6: {  	p2 =	sne.s32 s22, s3;
	[tilespmem:s2+$0xFFFFFE20] =	vst @!p1 v2  }
0x1f7: {  	v3 =	vimm.f32 @!p2 $0.0e+00;
	[tilespmem:s2+$0xFFFFFE30] =	vst @!p1 v2  }
0x1f8: {  	[tilespmem:s2+$0xFFFFFE40] =	vst @!p2 v3  }
0x1f9: {  	s23 =	spop (v2sf);
	[tilespmem:s2+$0xFFFFFE50] =	vst @!p2 v3  }
0x1fa: {  	p3 =	sne.s32 s23, s3;
	[tilespmem:s2+$0xFFFFFE60] =	vst @!p2 v3  }
0x1fb: {  	v4 =	vimm.f32 @!p3 $0.0e+00;
	[tilespmem:s2+$0xFFFFFE70] =	vst @!p2 v3  }
0x1fc: {  	[tilespmem:s2+$0xFFFFFE80] =	vst @!p3 v4  }
0x1fd: {  	s24 =	spop (v2sf);
	[tilespmem:s2+$0xFFFFFE90] =	vst @!p3 v4  }
0x1fe: {  	p6 =	sne.s32 s24, s3;
	[tilespmem:s2+$0xFFFFFEA0] =	vst @!p3 v4  }
0x1ff: {  	v5 =	vimm.f32 @!p6 $0.0e+00;
	[tilespmem:s2+$0xFFFFFEB0] =	vst @!p3 v4  }
0x200: {  	[tilespmem:s2+$0xFFFFFEC0] =	vst @!p6 v5  }
0x201: {  	s25 =	spop (v2sf);
	[tilespmem:s2+$0xFFFFFED0] =	vst @!p6 v5  }
0x202: {  	p5 =	sne.s32 s25, s3;
	[tilespmem:s2+$0xFFFFFEE0] =	vst @!p6 v5  }
0x203: {  	v6 =	vimm.f32 @!p5 $0.0e+00;
	[tilespmem:s2+$0xFFFFFEF0] =	vst @!p6 v5  }
0x204: {  	[tilespmem:s2+$0xFFFFFF00] =	vst @!p5 v6  }
0x205: {  	s26 =	spop (v2sf);
	[tilespmem:s2+$0xFFFFFF10] =	vst @!p5 v6  }
0x206: {  	p4 =	sne.s32 s26, s3;
	[tilespmem:s2+$0xFFFFFF20] =	vst @!p5 v6  }
0x207: {  	v7 =	vimm.f32 @!p4 $0.0e+00;
	[tilespmem:s2+$0xFFFFFF30] =	vst @!p5 v6  }
0x208: {  	[tilespmem:s2+$0xFFFFFF40] =	vst @!p4 v7  }
0x209: {  	s8 =	sadd.s32 $0x40, s8;
	s30 =	spop (v2sf);
	[tilespmem:s2+$0xFFFFFF50] =	vst @!p4 v7  }
0x20a: {  	p0 =	sne.s32 s8, $0xC80;
	p1 =	sne.s32 s30, s3;
	[tilespmem:s2+$0xFFFFFF60] =	vst @!p4 v7  }
0x20b: {  	s4 =	simm.s32 @!p0 $0x0;
	s9 =	spop (v2sf);
	v8 =	vimm.f32 @!p1 $0.0e+00;
	[tilespmem:s2+$0xFFFFFF70] =	vst @!p4 v7  }
0x20c: {  	s4 =	simm.s32 @p0 $0x1;
	p0 =	sne.s32 s9, s3;
	s13 =	spop (v2sf);
	[tilespmem:s2+$0xFFFFFF80] =	vst @!p1 v8  }
0x20d: {  	[smem:$0x7F6] =	sst s4;
	s4 =	simm.s32 @!p0 $0x0;
	s14 =	spop (v2sf);
	[tilespmem:s2+$0xFFFFFF90] =	vst @!p1 v8  }
0x20e: {  	[tilespmem:s2+$0xFFFFFFA0] =	vst @!p1 v8;
	s4 =	simm.s32 @p0 $0x1;
	p2 =	sne.s32 s14, s3  }
0x20f: {  	[tilespmem:s2+$0xFFFFFFB0] =	vst @!p1 v8;
	[smem:$0x7F0] =	sst s4;
	v10 =	vimm.f32 @!p2 $0.0e+00  }
0x210: {  	v9 =	vimm.f32 @!p0 $0.0e+00;
	p0 =	sne.s32 s13, s3;
	s21 =	sld [smem:$0x7F0];
	[tilespmem:s2+$0x40] =	vst @!p2 v10  }
0x211: {  	s4 =	simm.s32 @!p0 $0x0;
	[tilespmem:s2+$0x50] =	vst @!p2 v10  }
0x212: {  	s4 =	simm.s32 @p0 $0x1;
	[tilespmem:s2+$0x60] =	vst @!p2 v10  }
0x213: {  	[tilespmem:s2+$0x70] =	vst @!p2 v10;
	[smem:$0x7F1] =	sst s4;
	p1 =	seq.s32 s21, $0x1  }
0x214: {  	s15 =	spop (v2sf);
	s22 =	sld [smem:$0x7F1];
	[tilespmem:s2+$0xFFFFFFC0] =	vst @!p1 v9  }
0x215: {  	s16 =	spop (v2sf);
	[tilespmem:s2+$0xFFFFFFD0] =	vst @!p1 v9  }
0x216: {  	s17 =	spop (v2sf);
	[tilespmem:s2+$0xFFFFFFE0] =	vst @!p1 v9  }
0x217: {  	v3 =	vimm.f32 @!p0 $0.0e+00;
	p0 =	sne.s32 s15, s3;
	s18 =	spop (v2sf);
	[tilespmem:s2+$0xFFFFFFF0] =	vst @!p1 v9;
	p1 =	seq.s32 s22, $0x1  }
0x218: {  	s4 =	simm.s32 @!p0 $0x0;
	s19 =	spop (v2sf);
	[tilespmem:s2+$0x0] =	vst @!p1 v3  }
0x219: {  	s4 =	simm.s32 @p0 $0x1;
	s20 =	spop (v2sf);
	[tilespmem:s2+$0x10] =	vst @!p1 v3  }
0x21a: {  	[smem:$0x7F2] =	sst s4;
	p3 =	sne.s32 s20, s3;
	[tilespmem:s2+$0x20] =	vst @!p1 v3  }
0x21b: {  	v11 =	vimm.f32 @!p0 $0.0e+00;
	p0 =	sne.s32 s16, s3;
	s23 =	sld [smem:$0x7F2];
	v2 =	vimm.f32 @!p3 $0.0e+00;
	[tilespmem:s2+$0x30] =	vst @!p1 v3  }
0x21c: {  	s4 =	simm.s32 @!p0 $0x0;
	[tilespmem:s2+$0x1C0] =	vst @!p3 v2  }
0x21d: {  	s4 =	simm.s32 @p0 $0x1;
	[tilespmem:s2+$0x1D0] =	vst @!p3 v2  }
0x21e: {  	[smem:$0x7F3] =	sst s4;
	[tilespmem:s2+$0x1E0] =	vst @!p3 v2;
	p1 =	seq.s32 s23, $0x1  }
0x21f: {  	s24 =	sld [smem:$0x7F3];
	[tilespmem:s2+$0x80] =	vst @!p1 v11  }
0x220: {  	[tilespmem:s2+$0x90] =	vst @!p1 v11  }
0x221: {  	v12 =	vimm.f32 @!p0 $0.0e+00;
	p0 =	sne.s32 s17, s3;
	[tilespmem:s2+$0xA0] =	vst @!p1 v11  }
0x222: {  	s4 =	simm.s32 @!p0 $0x0;
	[tilespmem:s2+$0xB0] =	vst @!p1 v11;
	p1 =	seq.s32 s24, $0x1  }
0x223: {  	v4 =	vimm.f32 @!p0 $0.0e+00;
	s4 =	simm.s32 @p0 $0x1;
	p0 =	sne.s32 s18, s3;
	[tilespmem:s2+$0xC0] =	vst @!p1 v12  }
0x224: {  	[smem:$0x7F4] =	sst s4;
	s4 =	simm.s32 @!p0 $0x0;
	[tilespmem:s2+$0xD0] =	vst @!p1 v12  }
0x225: {  	v13 =	vimm.f32 @!p0 $0.0e+00;
	s4 =	simm.s32 @p0 $0x1;
	p0 =	sne.s32 s19, s3;
	[tilespmem:s2+$0xE0] =	vst @!p1 v12  }
0x226: {  	v14 =	vimm.f32 @!p0 $0.0e+00;
	[tilespmem:s2+$0xF0] =	vst @!p1 v12  }
0x227: {  	s25 =	sld [smem:$0x7F4];
	[tilespmem:s2+$0x180] =	vst @!p0 v14  }
0x228: {  	[tilespmem:s2+$0x190] =	vst @!p0 v14  }
0x229: {  	s30 =	sld [smem:$0x7F6];
	[tilespmem:s2+$0x1A0] =	vst @!p0 v14  }
0x22a: {  	[smem:$0x7F5] =	sst s4;
	[tilespmem:s2+$0x1B0] =	vst @!p0 v14;
	p1 =	seq.s32 s25, $0x1  }
0x22b: {  	s26 =	sld [smem:$0x7F5];
	[tilespmem:s2+$0x100] =	vst @!p1 v4  }
0x22c: {  	[tilespmem:s2+$0x110] =	vst @!p1 v4  }
0x22d: {  	p0 =	seq.s32 s30, $0x1;
	[tilespmem:s2+$0x120] =	vst @!p1 v4  }
.Ltmp10:
0x22e: {  	[tilespmem:s2+$0x130] =	vst @!p1 v4;
	p1 =	seq.s32 s26, $0x1;
	(pc) =	sbr.rel @p0 .LBB2_14-.Ltmp10, $4  }
0x22f: {  	[tilespmem:s2+$0x140] =	vst @!p1 v13  }
0x230: {  	[tilespmem:s2+$0x150] =	vst @!p1 v13  }
0x231: {  	[tilespmem:s2+$0x160] =	vst @!p1 v13  }
0x232: {  	[tilespmem:s2+$0x170] =	vst @!p1 v13  }
.Ltmp11:
0x233: {  	(pc) =	sbr.rel .LBB2_16-.Ltmp11, $2  }
0x234: {  	_ =	sdelay $0x2  }
0x235: {  	[tilespmem:s2+$0x1F0] =	vst @!p3 v2  }
.LBB2_18:
0x236: {  	_ =	sfence.sel $0x180000  }
0x237: {  	[bflag:$0x0] =	sbarrier.arrive $0xFFFF  }
0x238: {  	_ =	strace $0x90000047  }
0x239: {  	s0 =	stileid.u32;
	[bflag:$0x2] =	sbarrier.arrive $0xFFFF  }
0x23a: {  	p0 =	sne.s32 s0, $0x0;
	s0 =	rddreg [dreg:$0x2]  }
0x23b: {  	s0 =	sadd.s32 @!p0 $0x100000, s0  }
0x23c: {  	[sflag:s0] =	ssyncadd.tile.s32 @!p0 $0x1;
	_ =	shalt  }
.Lfunc_end2:
_tile_overlayer_lowered:
.L_overlay_start_2:
0x23d: {  	(tag) =	ssettag $0x2  }
0x23e: {  	s0 =	rddreg [dreg:$0x0];
	s2 =	stileid.u32  }
0x23f: {  	s1 =	rddreg [dreg:$0x1];
	p0 =	sne.s32 s2, $0x0  }
0x240: {  	s3 =	rddreg [dreg:$0x2];
	[bflag:$0x3] =	sbarrier.arrive $0xFFFF;
	s2 =	simm.s32 @!p0 $0x1C05  }
0x241: {  	[timem:s3], [sflag:s2] =	dma.local @!p0 [hbm:s0], s1  }
0x242: {  	s0 =	simm.s32 @!p0 $0x5  }
0x243: {  	_ =	swait.ge @!p0 [sflag:s0], s1  }
0x244: {  	s1 =	ssub.s32 @!p0 $0x0, s1;
	[sflag:s0] =	ssyncset.done @!p0 $0x0  }
0x245: {  	[sflag:s0] =	ssyncadd.s32 @!p0 s1  }
0x246: {  	[bflag:$0x3] =	sbarrier.arrive $0xFFFF  }
0x247: {  	_ =	shalt  }

// kernel: sparse-core-data-format-call.cloned.1.call-start
scs
called_computation_lowered:
.L_overlay_start_0:
0x0: {  	s2 =	sld [smem:$0x3FD9]  }
0x1: {  	s3 =	sld [smem:$0x3FFE];
	_ =	sdelay $0x1  }
0x2: {  	s1 =	srdreg.scid  }
0x3: {  	s0 =	sand.u32 $0x1, s1  }
0x4: {  	s15 =	sshll.u32 s0, $0xA;
	s2 =	sadd.s32 s3, s2  }
0x5: {  	s2 =	sadd.s32 s2, s15  }
0x6: {  	[smem:$0x3FC6] =	sst s2  }
0x7: {  	_ = 	snop  }
0x8: {  	s2 =	sld [smem:$0x3FD0];
	_ =	sdelay $0x2  }
0x9: {  	s16 =	simm.s32 $0xA;
	s4 =	simm.s32 $0x10  }
0xa: {  	[smem:s4], [sflag:s16] =	dma.local [hbm:s2], $0x1  }
0xb: {  	_ =	swait.eq [sflag:s16], $0x1  }
0xc: {  	[sflag:s16] =	ssyncset.done $0x0  }
0xd: {  	[sflag:s16] =	ssyncadd.s32 $0xFFFFFFFF  }
0xe: {  	s17 =	sld [smem:$0x10];
	(tm) =	ssettm $0x1  }
0xf: {  	s18 =	sld [smem:$0x3FFB];
	_ =	sdelay $0x3  }
0x10: {  	_ =	strace s18  }
0x11: {  	s3 =	sld [smem:$0x3FFC];
	_ =	sdelay $0x3  }
0x12: {  	_ =	strace s3  }
0x13: {  	s3 =	sld [smem:$0x3FFD];
	_ =	sdelay $0x3  }
0x14: {  	_ =	strace s3  }
0x15: {  	_ =	strace $0x8FFFFFFF  }
0x16: {  	s19 =	sld [smem:$0x3FDB];
	_ =	sdelay $0x1  }
0x17: {  	s20 =	simm.s32 $_scs_section_size  }
0x18: {  	s5 =	simm.s32 $_size__tile_overlayer_lowered;
	s6 =	simm.s32 $_tile_overlayer_lowered  }
0x19: {  	s23 =	simm.s32 $0x1BFF;
	s22 =	sshll.u32 s6, $0x1;
	s3 =	sadd.s32 s20, s19  }
0x1a: {  	s7 =	simm.s32 $0x0;
	s21 =	sshll.u32 s5, $0x1;
	s5 =	sadd.s32 s22, s3  }
0x1b: {  	[timem:s7], [sflag:s23] =	dma.local [hbm:s5], s21  }
0x1c: {  	_ =	swait.ge [sflag:s23], s21  }
0x1d: {  	s4 =	ssub.s32 $0x0, s21;
	[sflag:s23] =	ssyncset.done $0x0  }
0x1e: {  	[sflag:s23] =	ssyncadd.s32 s4;
	_ =	sdelay $0x1  }
0x1f: {  	s24 =	simm.s32 $0x1B8B  }
0x20: {  	_ =	swait.ge [sflag:s24], $0x1  }
0x21: {  	[sflag:s24] =	ssyncset.done $0x0  }
0x22: {  	s26 =	simm.s32 $0x1B8E;
	s25 =	sld [smem:$0x3FFE];
	[sflag:s24] =	ssyncadd.s32 $0xFFFFFFFF  }
0x23: {  	s27 =	simm.s32 $execute0_lowered;
	[smem:$0x3FD2] =	sst s26  }
0x24: {  	s5 =	sshll.u32 s27, $0x1;
	_ =	strace $0x80000049;
	[dreg:$0x1] =	wrdreg $0xFFFFFFFF  }
0x25: {  	s28 =	simm.s32 $_size_execute0_lowered;
	s3 =	sadd.s32 s3, s5;
	[dreg:$0x0] =	wrdreg $0x0  }
0x26: {  	s5 =	sshll.u32 s28, $0x1;
	[dreg:$0x2] =	wrdreg s3  }
0x27: {  	[dreg:$0x3] =	wrdreg s5  }
0x28: {  	[dreg:$0x4] =	wrdreg $0xC0  }
0x29: {  	_ =	task [dreg:s7], $0x5FFFF  }
0x2a: {  	[dreg:$0x1] =	wrdreg $0xFFFFFFFF  }
0x2b: {  	[dreg:$0x0] =	wrdreg $0x60  }
0x2c: {  	[dreg:$0x2] =	wrdreg s25  }
0x2d: {  	[dreg:$0x3] =	wrdreg s17  }
0x2e: {  	[dreg:$0x4] =	wrdreg $0x9  }
0x2f: {  	_ =	task.clear_ibuf [dreg:s7], $0x5FFFF;
	_ =	strace $0x90000049  }
0x30: {  	s29 =	simm.s32 $0x9;
	_ =	strace $0x8000004B  }
0x31: {  	_ =	swait.ge [sflag:s29], $0x1  }
0x32: {  	[sflag:s29] =	ssyncadd.s32 $0xFFFFFFFF  }
0x33: {  	_ =	strace $0x9000004B  }
0x34: {  	_ =	sfence  }
0x35: {  	s30 =	sld [smem:$0x0];
	_ =	sdelay $0x2  }
0x36: {  	s31 =	sshll.u32 s1, $0xD;
	s1 =	sshrl.u32 s1, $0x2  }
0x37: {  	s3 =	sand.u32 $0x4000, s31;
	s1 =	sadd.s32 s1, s30  }
0x38: {  	s0 =	sor.u32 s3, s0;
	s1 =	sshll.u32 s1, $0x11  }
0x39: {  	s0 =	sor.u32 s1, s0  }
0x3a: {  	s0 =	sadd.s32 $0x8F2B, s0  }
0x3b: {  	[sflag:s0] =	ssyncadd.remote.s32 $0x1  }
0x3c: {  	_ =	sfence.sel $0xFFFF  }
0x3d: {  	[dreg:$0x0] =	wrdreg $0xFFFFFFFF;
	(pc) =	sbr.abs _section_cstart, $3  }
0x3e: {  	[dreg:$0x1] =	wrdreg $0xFFFFFFFF  }
0x3f: {  	_ =	task.clear_ibuf [dreg:s7], $0x2FFFF;
	_ =	strace $0x9FFFFFFF  }
0x40: {  	(tm) =	ssettm $0x7FFFFFFF  }
0x41: {  	_ =	shalt  }
tec
execute0_lowered:
.L_overlay_start_1:
0x0: {  	(tag) =	ssettag $0x1  }
0x1: {  	s0 =	stileid.u32;
	s1 =	srdreg.scid  }
0x2: {  	s5 =	rddreg [dreg:$0x0];
	s2 =	sshll.u32 s0, $0x4;
	s1 =	sshll.u32 s1, $0x8  }
0x3: {  	s3 =	rddreg [dreg:$0x1];
	s6 =	simm.s32 $0x1;
	s1 =	sor.u32 s2, s1  }
0x4: {  	s8 =	simm.s32 $0x2;
	s15 =	simm.s32 $0x0;
	s2 =	sand.u32 $0x180, s1  }
0x5: {  	s9 =	simm.s32 $0x2000;
	s14 =	simm.s32 $0x0;
	s4 =	ssub.s32 $0x400, s2  }
0x6: {  	s16 =	simm.s32 $0x0;
	s10 =	simm.s32 $0x0;
	s31 =	sand.u32 $0x180, s4  }
0x7: {  	s13 =	simm.s32 $0x0;
	s7 =	sand.u32 $0x7, s0;
	p0 =	sne.s32 s31, $0x0  }
.Ltmp0:
0x8: {  	s4 =	sshrl.u32 s4, $0x9;
	s6 =	simm.s32 @!p0 $0x0;
	(pc) =	sbr.rel .LBB1_1-.Ltmp0, $4  }
0x9: {  	s1 =	rddreg [dreg:$0x2];
	_ =	strace $0x8000004A;
	s6 =	sadd.s32 s6, s4  }
0xa: {  	s4 =	sadd.s32 $0xF200, s5;
	s5 =	simm.s32 $0x1;
	s6 =	smul.u32 $0x32, s6  }
0xb: {  	s12 =	smov.u32 s7;
	s11 =	smov.u32 s2;
	[sflag:s5] =	ssyncpa.u1 $0x0  }
0xc: {  	p0 =	por $0x0, $0x0;
	[sflag:s8] =	ssyncpa.u1 $0x0;
	s8 =	sor.u32 $0x1, s6  }
.LBB1_4:
0xd: {  	s16 =	smul.u32 $0x64000, s16;
	_ =	sdelay $0x1  }
0xe: {  	s19 =	sand.u32 $0x1F80, s14;
	s15 =	sshll.u32 s15, $0xD;
	s16 =	sadd.s32 s3, s16  }
0xf: {  	[tilespmem:s18+$0x810 ss:$0x81] =	vst.msk $0xffff, v2;
	s20 =	sshrl.u32 s14, $0x3;
	s30 =	sand.u32 $0x7, s14;
	s16 =	sadd.s32 s19, s16  }
0x10: {  	[tilespmem:s18+$0x1020 ss:$0x81] =	vst.msk $0xffff, v0;
	s31 =	sand.u32 $0xF, s20;
	s14 =	sshll.u32 s30, $0x12;
	s15 =	sadd.s32 s15, s16  }
0x11: {  	[tilespmem:s18+$0x0 ss:$0x81] =	vst.msk $0xffff, v1;
	s14 =	sor.u32 $0x400, s14;
	s15 =	sadd.s32 s31, s15  }
0x12: {  	[hbm4b:s15+s14] =	stream.strided.scatter [tilespmem:s17], [sflag:$0x2], $0x2000, s9, s14, $0x20;
	[tilespmem:$0x8080] =	vst v63  }
.LBB1_5:
0x13: {  	s17 =	sadd.s32 $0x1, s10  }
0x14: {  	s14 =	sadd.s32 $0x200, s11;
	s18 =	smov.u32 s11;
	p2 =	sgt.s32 s17, $0x31  }
0x15: {  	s18 =	smov.u32 @p2 s14  }
0x16: {  	s20 =	smov.u32 s12;
	s14 =	sadd.s32 $0x8, s12;
	p3 =	sgt.s32 s18, $0x3FF  }
0x17: {  	s20 =	smov.u32 @p3 s14  }
0x18: {  	s17 =	simm.s32 @p2 $0x0;
	p2 =	sgt.s32 s20, $0x7  }
0x19: {  	p1 =	slt.u32 s13, $0x2;
	s20 =	smov.u32 @p2 s7;
	p2 =	sne.s32 s13, s8  }
.Ltmp1:
0x1a: {  	s19 =	simm.s32 @!p1 $0x2;
	(pc) =	sbr.rel @!p2 .LBB1_6-.Ltmp1, $4  }
0x1b: {  	s15 =	smov.u32 s10;
	s16 =	smov.u32 s12;
	_ =	swait.ge @!p1 [sflag:s19], $0x2000  }
0x1c: {  	p0 =	por !p0, !p0;
	[sflag:s19] =	ssyncset.done @!p1 $0x0;
	s10 =	smov.u32 s17  }
0x1d: {  	s18 =	smov.u32 @p3 s2;
	s14 =	smov.u32 s11;
	[sflag:s19] =	ssyncadd.s32 @!p1 $0xFFFFE000  }
0x1e: {  	s11 =	smov.u32 s18;
	s13 =	sadd.s32 $0x1, s13;
	s12 =	smov.u32 s20  }
.LBB1_1:
0x1f: {  	p1 =	sge.u32 s13, s6  }
0x20: {  	s17 =	sand.u32 @!p1 $0x1FFFFFF, s10;
	s19 =	smul.u32 @!p1 $0xE0000, s12  }
0x21: {  	s18 =	smulhi.u32 @!p1 $0x4924925, s17  }
0x22: {  	s21 =	smul.u32 @!p1 $0x380, s11  }
0x23: {  	s18 =	smul.u32 @!p1 $0x38, s18  }
0x24: {  	s31 =	sadd.s32 $0xFFFFFFFF, s13;
	s19 =	sadd.s32 @!p1 s4, s19  }
0x25: {  	s20 =	sxor.u32 @!p1 $0xFFFFFFFF, s13;
	s19 =	sadd.s32 @!p1 s21, s19;
	s17 =	ssub.s32 @!p1 s17, s18  }
0x26: {  	s18 =	sshll.u32 @!p1 s20, $0xD;
	s20 =	simm.s32 @!p1 $0x1C00;
	s17 =	sshll.u32 @!p1 s17, $0x4  }
0x27: {  	s18 =	sand.u32 @!p1 $0x2000, s18;
	s17 =	sadd.s32 @!p1 s17, s19;
	s19 =	simm.s32 @!p1 $0x40  }
0x28: {  	[tilespmem:s18], [sflag:$0x1] =	stream.strided.gather @!p1 [hbm4b:s17+s19], $0x2000, s20, s19, $0x38;
	[tilespmem:$0x8080] =	vst v63  }
0x29: {  	p1 =	sge.u32 s31, s6  }
.Ltmp2:
0x2a: {  	_ = 	snop;
	(pc) =	sbr.rel @p1 .LBB1_5-.Ltmp2, $1  }
0x2b: {  	_ =	sdelay $0x3  }
0x2c: {  	s17 =	simm.s32 $0x1  }
0x2d: {  	_ =	swait.ge [sflag:s5], $0x2000;
	s17 =	simm.s32 @!p0 $0x0  }
0x2e: {  	[sflag:s5] =	ssyncset.done $0x0;
	s18 =	sshll.u32 s17, $0xD  }
0x2f: {  	[sflag:s5] =	ssyncadd.s32 $0xFFFFE000;
	s21 =	sor.u32 $0x20, s18  }
0x30: {  	s17 =	smul.u32 $0x8100, s17;
	v3 =	vld [tilespmem:s21+$0x10]  }
0x31: {  	s30 =	sand.u32 $0x1, s13;
	v2 =	vld [tilespmem:s21+$0xFFFFFFF0]  }
0x32: {  	s18 =	smul.u32 $0x8100, s30;
	s17 =	sshrl.u32 s17, $0x2;
	v0 =	vld [tilespmem:s21+$0x0]  }
0x33: {  	v1 =	vld [tilespmem:s21+$0xFFFFFFE0];
	s19 =	sor.u32 $0x4000, s17  }
0x34: {  	s31 =	sshrl.u32 s18, $0x2;
	s18 =	sadd.s32 $0x0, s19  }
0x35: {  	s20 =	simm.s32 $0x4;
	s21 =	sadd.s32 $0x40, s21;
	s17 =	sor.u32 $0x4000, s31;
	[tilespmem:s18+$0x1830 ss:$0x81] =	vst.msk $0xffff, v3  }
.LBB1_3:
0x36: {  	v3 =	vld [tilespmem:s21+$0x10];
	p1 =	sne.s32 s20, $0x1FC;
	[tilespmem:s18+$0x810 ss:$0x81] =	vst.msk $0xffff, v2;
	s22 =	smov.u32 s20;
	s20 =	sadd.s32 $0x4, s20  }
.Ltmp3:
0x37: {  	v2 =	vld [tilespmem:s21+$0xFFFFFFF0];
	[tilespmem:s18+$0x1020 ss:$0x81] =	vst.msk $0xffff, v0;
	(pc) =	sbr.rel @p1 .LBB1_3-.Ltmp3, $4  }
0x38: {  	v0 =	vld [tilespmem:s21+$0x0];
	[tilespmem:s18+$0x0 ss:$0x81] =	vst.msk $0xffff, v1  }
0x39: {  	s18 =	sshra.s32 s22, $0x2;
	v1 =	vld [tilespmem:s21+$0xFFFFFFE0]  }
0x3a: {  	s18 =	sadd.s32 s18, s19  }
0x3b: {  	s21 =	sadd.s32 $0x40, s21;
	[tilespmem:s18+$0x1830 ss:$0x81] =	vst.msk $0xffff, v3  }
.Ltmp4:
0x3c: {  	_ = 	snop;
	(pc) =	sbr.rel .LBB1_4-.Ltmp4, $1  }
0x3d: {  	_ =	sdelay $0x3  }
.LBB1_6:
0x3e: {  	_ =	sfence.sel $0x180000  }
0x3f: {  	s2 =	simm.s32 $0x1;
	[bflag:$0x0] =	sbarrier.arrive $0xFFFF  }
0x40: {  	s31 =	simm.s32 $0x2;
	[sflag:s2] =	ssyncpa.u1 $0x1  }
0x41: {  	[sflag:s31] =	ssyncpa.u1 $0x1  }
0x42: {  	p0 =	sne.s32 s0, $0x0;
	_ =	strace $0x9000004A  }
0x43: {  	s0 =	sadd.s32 @!p0 $0x100000, s1;
	[bflag:$0x2] =	sbarrier.arrive $0xFFFF  }
0x44: {  	[sflag:s0] =	ssyncadd.tile.s32 @!p0 $0x1;
	_ =	shalt  }
.Lfunc_end1:
_tile_overlayer_lowered:
.L_overlay_start_2:
0x45: {  	(tag) =	ssettag $0x2  }
0x46: {  	s0 =	rddreg [dreg:$0x0];
	s2 =	stileid.u32  }
0x47: {  	s1 =	rddreg [dreg:$0x1];
	p0 =	sne.s32 s2, $0x0  }
0x48: {  	s3 =	rddreg [dreg:$0x2];
	[bflag:$0x3] =	sbarrier.arrive $0xFFFF;
	s2 =	simm.s32 @!p0 $0x1C01  }
0x49: {  	[timem:s3], [sflag:s2] =	dma.local @!p0 [hbm:s0], s1  }
0x4a: {  	s0 =	simm.s32 @!p0 $0x1  }
0x4b: {  	_ =	swait.ge @!p0 [sflag:s0], s1  }
0x4c: {  	s1 =	ssub.s32 @!p0 $0x0, s1;
	[sflag:s0] =	ssyncset.done @!p0 $0x0  }
0x4d: {  	[sflag:s0] =	ssyncadd.s32 @!p0 s1  }
0x4e: {  	[bflag:$0x3] =	sbarrier.arrive $0xFFFF  }
0x4f: {  	_ =	shalt  }

</sc_bundles>
